<compile_context>
chip_gen: v7x
topology: tpu7x:2x2x1
jax: 0.10.2.dev20260603
libtpu: 0.0.44.dev20260713+nightly
codegen_flags: <defaults>
</compile_context>

<pallas_src>
import jax
import jax.numpy as jnp
from jax import lax
from jax.experimental import pallas as pl
from jax.experimental.pallas import tpu as pltpu
from jax.experimental.pallas import tpu_sc as plsc

N = 10000
E = 320000
D = 128

NC = 2
NS = 16
NW = NC * NS

CHUNK = 128
NCH = E // CHUNK
NFULL = NCH // NW
NEXTRA = NCH % NW
RPW = 624
TAIL = N - RPW * NS
ZROWS = 208
DEGW = 16

_sc_mesh = plsc.VectorSubcoreMesh(
    core_axis_name="c", subcore_axis_name="s", num_cores=NC, num_subcores=NS
)


def _deg_body(dst_hbm, out_hbm, idx_v, ones_v, zero_v, acc):
    c = lax.axis_index("c")
    s = lax.axis_index("s")
    wid = s * NC + c

    @pl.loop(0, CHUNK)
    def _fill_ones(i):
        ones_v[i, :] = jnp.ones((16,), jnp.float32)

    @pl.loop(0, ZROWS)
    def _fill_zero(i):
        zero_v[i, :] = jnp.zeros((16,), jnp.float32)

    row0 = pl.multiple_of(s * RPW, 8)
    for k in range(RPW // ZROWS):
        pltpu.sync_copy(zero_v, acc.at[pl.ds(row0 + k * ZROWS, ZROWS)])

    @pl.when(s == NS - 1)
    def _tail_zero():
        pltpu.sync_copy(zero_v.at[pl.ds(0, TAIL)], acc.at[pl.ds(RPW * NS, TAIL)])

    plsc.subcore_barrier()

    @pl.loop(wid, NCH, step=NW)
    def _chunk(g):
        base = pl.multiple_of(g * CHUNK, CHUNK)
        pltpu.sync_copy(dst_hbm.at[pl.ds(base, CHUNK)], idx_v)
        pltpu.sync_copy(ones_v, acc.at[idx_v], add=True)

    plsc.subcore_barrier()
    pltpu.sync_copy(acc.at[pl.ds(row0, RPW)], out_hbm.at[c, pl.ds(row0, RPW)])

    @pl.when(s == NS - 1)
    def _tail_out():
        pltpu.sync_copy(acc.at[pl.ds(RPW * NS, TAIL)],
                        out_hbm.at[c, pl.ds(RPW * NS, TAIL)])


_deg_call = pl.kernel(
    _deg_body,
    out_type=jax.ShapeDtypeStruct((NC, N, DEGW), jnp.float32),
    mesh=_sc_mesh,
    scratch_types=[
        pltpu.VMEM((CHUNK,), jnp.int32),
        pltpu.VMEM((CHUNK, DEGW), jnp.float32),
        pltpu.VMEM((ZROWS, DEGW), jnp.float32),
        pltpu.VMEM_SHARED((N, DEGW), jnp.float32),
    ],
)


def _agg_body(y_hbm, src_hbm, dst_hbm, out_hbm, is0, is1, idx_d, rows,
              acc, sem0, sem1):
    c = lax.axis_index("c")
    s = lax.axis_index("s")
    wid = s * NC + c

    @pl.loop(0, CHUNK)
    def _fill_zero(i):
        for j in range(D // 16):
            rows[0, i, pl.ds(j * 16, 16)] = jnp.zeros((16,), jnp.float32)

    row0 = pl.multiple_of(s * RPW, 8)
    for k in range(RPW // CHUNK):
        pltpu.sync_copy(rows.at[0], acc.at[pl.ds(row0 + k * CHUNK, CHUNK)])
    rem = RPW % CHUNK
    pltpu.sync_copy(rows.at[0, pl.ds(0, rem)],
                    acc.at[pl.ds(row0 + RPW - rem, rem)])

    @pl.when(s == NS - 1)
    def _tail_zero():
        pltpu.sync_copy(rows.at[0, pl.ds(0, TAIL)],
                        acc.at[pl.ds(RPW * NS, TAIL)])

    plsc.subcore_barrier()

    isb = (is0, is1)
    sems = (sem0, sem1)

    def _ebase(t):
        return pl.multiple_of((wid + NW * t) * CHUNK, CHUNK)

    def _issue(t, b):
        pltpu.sync_copy(src_hbm.at[pl.ds(_ebase(t), CHUNK)], isb[b])
        pltpu.async_copy(y_hbm.at[isb[b]], rows.at[b], sems[b])

    def _finish(t, b, refill):
        pltpu.make_async_copy(y_hbm.at[isb[b]], rows.at[b], sems[b]).wait()
        pltpu.sync_copy(dst_hbm.at[pl.ds(_ebase(t), CHUNK)], idx_d)
        pltpu.sync_copy(rows.at[b], acc.at[idx_d], add=True)
        if refill:
            _issue(t + 2, b)

    _issue(0, 0)
    _issue(1, 1)

    @pl.loop(0, NFULL - 2, step=2)
    def _chunk(t):
        for b in range(2):
            _finish(t + b, b, True)

    _finish(NFULL - 2, 0, False)

    @pl.when(wid < NEXTRA)
    def _issue_extra():
        _issue(NFULL, 0)

    _finish(NFULL - 1, 1, False)

    @pl.when(wid < NEXTRA)
    def _finish_extra():
        _finish(NFULL, 0, False)

    plsc.subcore_barrier()
    pltpu.sync_copy(acc.at[pl.ds(row0, RPW)], out_hbm.at[c, pl.ds(row0, RPW)])

    @pl.when(s == NS - 1)
    def _tail_out():
        pltpu.sync_copy(acc.at[pl.ds(RPW * NS, TAIL)],
                        out_hbm.at[c, pl.ds(RPW * NS, TAIL)])


_agg_call = pl.kernel(
    _agg_body,
    out_type=jax.ShapeDtypeStruct((NC, N, D), jnp.float32),
    mesh=_sc_mesh,
    scratch_types=[
        pltpu.VMEM((CHUNK,), jnp.int32),
        pltpu.VMEM((CHUNK,), jnp.int32),
        pltpu.VMEM((CHUNK,), jnp.int32),
        pltpu.VMEM((2, CHUNK, D), jnp.float32),
        pltpu.VMEM_SHARED((N, D), jnp.float32),
        pltpu.SemaphoreType.DMA,
        pltpu.SemaphoreType.DMA,
    ],
)


BLK = 1000
NBLK = N // BLK


def _dis_from(dp):
    return lax.rsqrt(1.0 + dp[0, :, 0:1] + dp[1, :, 0:1])


def _mm_scale_body(dp_ref, x_ref, w_ref, y_ref):
    dis = _dis_from(dp_ref[...])
    y_ref[...] = jnp.dot(x_ref[...], w_ref[...],
                         preferred_element_type=jnp.float32) * dis


def _layer2_body(dp_ref, y1_ref, p_ref, b1_ref, w2_ref, y2_ref):
    dis = _dis_from(dp_ref[...])
    pe = p_ref[...]
    h = (y1_ref[...] + pe[0] + pe[1]) * dis + b1_ref[...]
    h = jnp.maximum(h, 0.0)
    y2_ref[...] = jnp.dot(h, w2_ref[...],
                          preferred_element_type=jnp.float32) * dis


def _final_body(dp_ref, y2_ref, q_ref, b2_ref, o_ref):
    dis = _dis_from(dp_ref[...])
    qe = q_ref[...]
    o_ref[...] = (y2_ref[...] + qe[0] + qe[1]) * dis + b2_ref[...]


_dp_spec = pl.BlockSpec((NC, BLK, DEGW), lambda i: (0, i, 0))
_row_spec = pl.BlockSpec((BLK, D), lambda i: (i, 0))
_par_spec = pl.BlockSpec((NC, BLK, D), lambda i: (0, i, 0))
_w_spec = pl.BlockSpec((D, D), lambda i: (0, 0))
_b_spec = pl.BlockSpec((1, D), lambda i: (0, 0))
_out_struct = jax.ShapeDtypeStruct((N, D), jnp.float32)

_mm_scale = pl.pallas_call(
    _mm_scale_body,
    grid=(NBLK,),
    in_specs=[_dp_spec, _row_spec, _w_spec],
    out_specs=_row_spec,
    out_shape=_out_struct,
)

_layer2 = pl.pallas_call(
    _layer2_body,
    grid=(NBLK,),
    in_specs=[_dp_spec, _row_spec, _par_spec, _b_spec, _w_spec],
    out_specs=_row_spec,
    out_shape=_out_struct,
)

_final = pl.pallas_call(
    _final_body,
    grid=(NBLK,),
    in_specs=[_dp_spec, _row_spec, _par_spec, _b_spec],
    out_specs=_row_spec,
    out_shape=_out_struct,
)


def kernel(x, edge_index, W1, b1, W2, b2):
    src = edge_index[0]
    dst = edge_index[1]
    dp = _deg_call(dst)
    y1 = _mm_scale(dp, x, W1)
    p = _agg_call(y1, src, dst)
    y2 = _layer2(dp, y1, p, b1.reshape(1, D), W2)
    q = _agg_call(y2, src, dst)
    return _final(dp, y2, q, b2.reshape(1, D))

# --- scband reference (transcript-rebuilt; emitter-appended) ---
"""Pipeline reference for scband-gcnlink-predictor-22935125361178 (READ-ONLY COPY).

The authoritative reference and input builder live on the scoring server;
editing this copy changes nothing except your own understanding.
"""

import jax, jax.numpy as jnp
import numpy as np

N = 10000
E = 320000
D = 128


def gcn_conv(x, edge_index, W, b, num_nodes):
    # x' = x @ W, then symmetric-normalized aggregation with self-loops (PyG GCNConv default)
    src = edge_index[0]
    dst = edge_index[1]
    loop = jnp.arange(num_nodes, dtype=edge_index.dtype)
    src = jnp.concatenate([src, loop])
    dst = jnp.concatenate([dst, loop])
    # degree computed on destination (col) with unit edge weights
    deg = jnp.zeros((num_nodes,), dtype=x.dtype).at[dst].add(1.0)
    deg_inv_sqrt = jnp.where(deg > 0, jax.lax.rsqrt(deg), 0.0)
    norm = deg_inv_sqrt[src] * deg_inv_sqrt[dst]
    xw = x @ W
    msgs = xw[src] * norm[:, None]
    out = jax.ops.segment_sum(msgs, dst, num_segments=num_nodes)
    return out + b


def setup_inputs(seed: int = 0) -> dict:
    key = jax.random.key(seed)
    k1, k2, k3, k4, k5, k6 = jax.random.split(key, 6)
    x = jax.random.normal(k1, (N, D), dtype=jnp.float32)
    edge_index = jax.random.randint(k2, (2, E), 0, N, dtype=jnp.int32)
    scale = 1.0 / np.sqrt(D)
    W1 = jax.random.normal(k3, (D, D), dtype=jnp.float32) * scale
    b1 = jnp.zeros((D,), dtype=jnp.float32)
    W2 = jax.random.normal(k4, (D, D), dtype=jnp.float32) * scale
    b2 = jnp.zeros((D,), dtype=jnp.float32)
    return {"x": x, "edge_index": edge_index, "W1": W1, "b1": b1, "W2": W2, "b2": b2}


def reference(x, edge_index, W1, b1, W2, b2):
    # encode(): layer0 -> relu -> dropout(eval: no-op) -> layer1
    h = gcn_conv(x, edge_index, W1, b1, N)
    h = jax.nn.relu(h)
    # dropout is a no-op in eval mode (training=False)
    out = gcn_conv(h, edge_index, W2, b2, N)
    return out

if __name__ == "__main__":
    import jax
    _d = setup_inputs()
    print(jax.jit(kernel)(*tuple(_d.values())))

</pallas_src>

<mosaic_0001>
#map = affine_map<(d0, d1) -> (0, 0)>
#map1 = affine_map<(d0, d1) -> (0)>
#map2 = affine_map<(d0, d1) -> (0, 0, 0)>
module attributes {stable_mosaic.version = 14 : i64} {
  func.func @_agg_body(%arg0: i32, %arg1: i32, %arg2: memref<10000x128xf32, #tpu.memory_space<hbm>>, %arg3: memref<320000xi32, #tpu.memory_space<hbm>>, %arg4: memref<320000xi32, #tpu.memory_space<hbm>>, %arg5: memref<2x10000x128xf32, #tpu.memory_space<hbm>>, %arg6: memref<128xi32, #tpu.memory_space<vmem>>, %arg7: memref<128xi32, #tpu.memory_space<vmem>>, %arg8: memref<128xi32, #tpu.memory_space<vmem>>, %arg9: memref<2x128x128xf32, #tpu.memory_space<vmem>>, %arg10: memref<10000x128xf32, #tpu.memory_space<vmem_shared>>, %arg11: memref<!tpu.dma_semaphore, #tpu.memory_space<semaphore_mem>>, %arg12: memref<!tpu.dma_semaphore, #tpu.memory_space<semaphore_mem>>) attributes {dimension_semantics = [#tpu.dimension_semantics<core_parallel>, #tpu.dimension_semantics<subcore_parallel>], iteration_bounds = array<i64: 2, 16>, scalar_prefetch = 0 : i64, scratch_operands = 7 : i64, tpu.core_type = #tpu.core_type<sc_vector_subcore>, window_params = [{transform_indices = #map}, {transform_indices = #map1}, {transform_indices = #map1}, {transform_indices = #map2}]} {
    %mul3A = arith.constant 2 : i32
    %mul3A_0 = arith.muli %arg1, %mul3A : i32
    %add3A = arith.addi %mul3A_0, %arg0 : i32
    %scan3A = arith.constant 0 : i32
    %scan3A_1 = arith.constant 128 : i32
    %scan3A_2 = arith.addi %scan3A, %scan3A_1 : i32
    %scan3A_3 = arith.constant 1 : i32
    scf.for %scan3A_96 = %scan3A to %scan3A_2 step %scan3A_3  : i32 {
      %mul3A_97 = arith.constant 1 : i32
      %mul3A_98 = arith.muli %scan3A_96, %mul3A_97 : i32
      %add3A_99 = arith.constant 0 : i32
      %add3A_100 = arith.addi %add3A_99, %mul3A_98 : i32
      %broadcast_in_dim3A = arith.constant 0.000000e+00 : f32
      %broadcast_in_dim3A_101 = vector.broadcast %broadcast_in_dim3A : f32 to vector<16xf32>
      %swap3A = arith.constant 0 : i32
      %swap3A_102 = arith.index_cast %swap3A : i32 to index
      %swap3A_103 = arith.index_cast %add3A_100 : i32 to index
      %swap3A_104 = arith.constant 0 : index
      %swap3A_105 = tpu.vector_load %arg9[%swap3A_102, %swap3A_103, %swap3A_104] {strides = array<i32>} : memref<2x128x128xf32, #tpu.memory_space<vmem>>, vector<1x1x16xf32>,
      %swap3A_106 = vector.shape_cast %swap3A_105 : vector<1x1x16xf32> to vector<16xf32>
      %swap3A_107 = vector.shape_cast %broadcast_in_dim3A_101 : vector<16xf32> to vector<1x1x16xf32>
      tpu.vector_store %arg9[%swap3A_102, %swap3A_103, %swap3A_104], %swap3A_107 {strides = array<i32>} : memref<2x128x128xf32, #tpu.memory_space<vmem>>, vector<1x1x16xf32>,
      %broadcast_in_dim3A_108 = arith.constant 0.000000e+00 : f32
      %broadcast_in_dim3A_109 = vector.broadcast %broadcast_in_dim3A_108 : f32 to vector<16xf32>
      %swap3A_110 = arith.constant 0 : i32
      %swap3A_111 = arith.index_cast %swap3A_110 : i32 to index
      %swap3A_112 = arith.index_cast %add3A_100 : i32 to index
      %swap3A_113 = arith.constant 16 : index
      %swap3A_114 = tpu.vector_load %arg9[%swap3A_111, %swap3A_112, %swap3A_113] {strides = array<i32>} : memref<2x128x128xf32, #tpu.memory_space<vmem>>, vector<1x1x16xf32>,
      %swap3A_115 = vector.shape_cast %swap3A_114 : vector<1x1x16xf32> to vector<16xf32>
      %swap3A_116 = vector.shape_cast %broadcast_in_dim3A_109 : vector<16xf32> to vector<1x1x16xf32>
      tpu.vector_store %arg9[%swap3A_111, %swap3A_112, %swap3A_113], %swap3A_116 {strides = array<i32>} : memref<2x128x128xf32, #tpu.memory_space<vmem>>, vector<1x1x16xf32>,
      %broadcast_in_dim3A_117 = arith.constant 0.000000e+00 : f32
      %broadcast_in_dim3A_118 = vector.broadcast %broadcast_in_dim3A_117 : f32 to vector<16xf32>
      %swap3A_119 = arith.constant 0 : i32
      %swap3A_120 = arith.index_cast %swap3A_119 : i32 to index
      %swap3A_121 = arith.index_cast %add3A_100 : i32 to index
      %swap3A_122 = arith.constant 32 : index
      %swap3A_123 = tpu.vector_load %arg9[%swap3A_120, %swap3A_121, %swap3A_122] {strides = array<i32>} : memref<2x128x128xf32, #tpu.memory_space<vmem>>, vector<1x1x16xf32>,
      %swap3A_124 = vector.shape_cast %swap3A_123 : vector<1x1x16xf32> to vector<16xf32>
      %swap3A_125 = vector.shape_cast %broadcast_in_dim3A_118 : vector<16xf32> to vector<1x1x16xf32>
      tpu.vector_store %arg9[%swap3A_120, %swap3A_121, %swap3A_122], %swap3A_125 {strides = array<i32>} : memref<2x128x128xf32, #tpu.memory_space<vmem>>, vector<1x1x16xf32>,
      %broadcast_in_dim3A_126 = arith.constant 0.000000e+00 : f32
      %broadcast_in_dim3A_127 = vector.broadcast %broadcast_in_dim3A_126 : f32 to vector<16xf32>
      %swap3A_128 = arith.constant 0 : i32
      %swap3A_129 = arith.index_cast %swap3A_128 : i32 to index
      %swap3A_130 = arith.index_cast %add3A_100 : i32 to index
      %swap3A_131 = arith.constant 48 : index
      %swap3A_132 = tpu.vector_load %arg9[%swap3A_129, %swap3A_130, %swap3A_131] {strides = array<i32>} : memref<2x128x128xf32, #tpu.memory_space<vmem>>, vector<1x1x16xf32>,
      %swap3A_133 = vector.shape_cast %swap3A_132 : vector<1x1x16xf32> to vector<16xf32>
      %swap3A_134 = vector.shape_cast %broadcast_in_dim3A_127 : vector<16xf32> to vector<1x1x16xf32>
      tpu.vector_store %arg9[%swap3A_129, %swap3A_130, %swap3A_131], %swap3A_134 {strides = array<i32>} : memref<2x128x128xf32, #tpu.memory_space<vmem>>, vector<1x1x16xf32>,
      %broadcast_in_dim3A_135 = arith.constant 0.000000e+00 : f32
      %broadcast_in_dim3A_136 = vector.broadcast %broadcast_in_dim3A_135 : f32 to vector<16xf32>
      %swap3A_137 = arith.constant 0 : i32
      %swap3A_138 = arith.index_cast %swap3A_137 : i32 to index
      %swap3A_139 = arith.index_cast %add3A_100 : i32 to index
      %swap3A_140 = arith.constant 64 : index
      %swap3A_141 = tpu.vector_load %arg9[%swap3A_138, %swap3A_139, %swap3A_140] {strides = array<i32>} : memref<2x128x128xf32, #tpu.memory_space<vmem>>, vector<1x1x16xf32>,
      %swap3A_142 = vector.shape_cast %swap3A_141 : vector<1x1x16xf32> to vector<16xf32>
      %swap3A_143 = vector.shape_cast %broadcast_in_dim3A_136 : vector<16xf32> to vector<1x1x16xf32>
      tpu.vector_store %arg9[%swap3A_138, %swap3A_139, %swap3A_140], %swap3A_143 {strides = array<i32>} : memref<2x128x128xf32, #tpu.memory_space<vmem>>, vector<1x1x16xf32>,
      %broadcast_in_dim3A_144 = arith.constant 0.000000e+00 : f32
      %broadcast_in_dim3A_145 = vector.broadcast %broadcast_in_dim3A_144 : f32 to vector<16xf32>
      %swap3A_146 = arith.constant 0 : i32
      %swap3A_147 = arith.index_cast %swap3A_146 : i32 to index
      %swap3A_148 = arith.index_cast %add3A_100 : i32 to index
      %swap3A_149 = arith.constant 80 : index
      %swap3A_150 = tpu.vector_load %arg9[%swap3A_147, %swap3A_148, %swap3A_149] {strides = array<i32>} : memref<2x128x128xf32, #tpu.memory_space<vmem>>, vector<1x1x16xf32>,
      %swap3A_151 = vector.shape_cast %swap3A_150 : vector<1x1x16xf32> to vector<16xf32>
      %swap3A_152 = vector.shape_cast %broadcast_in_dim3A_145 : vector<16xf32> to vector<1x1x16xf32>
      tpu.vector_store %arg9[%swap3A_147, %swap3A_148, %swap3A_149], %swap3A_152 {strides = array<i32>} : memref<2x128x128xf32, #tpu.memory_space<vmem>>, vector<1x1x16xf32>,
      %broadcast_in_dim3A_153 = arith.constant 0.000000e+00 : f32
      %broadcast_in_dim3A_154 = vector.broadcast %broadcast_in_dim3A_153 : f32 to vector<16xf32>
      %swap3A_155 = arith.constant 0 : i32
      %swap3A_156 = arith.index_cast %swap3A_155 : i32 to index
      %swap3A_157 = arith.index_cast %add3A_100 : i32 to index
      %swap3A_158 = arith.constant 96 : index
      %swap3A_159 = tpu.vector_load %arg9[%swap3A_156, %swap3A_157, %swap3A_158] {strides = array<i32>} : memref<2x128x128xf32, #tpu.memory_space<vmem>>, vector<1x1x16xf32>,
      %swap3A_160 = vector.shape_cast %swap3A_159 : vector<1x1x16xf32> to vector<16xf32>
      %swap3A_161 = vector.shape_cast %broadcast_in_dim3A_154 : vector<16xf32> to vector<1x1x16xf32>
      tpu.vector_store %arg9[%swap3A_156, %swap3A_157, %swap3A_158], %swap3A_161 {strides = array<i32>} : memref<2x128x128xf32, #tpu.memory_space<vmem>>, vector<1x1x16xf32>,
      %broadcast_in_dim3A_162 = arith.constant 0.000000e+00 : f32
      %broadcast_in_dim3A_163 = vector.broadcast %broadcast_in_dim3A_162 : f32 to vector<16xf32>
      %swap3A_164 = arith.constant 0 : i32
      %swap3A_165 = arith.index_cast %swap3A_164 : i32 to index
      %swap3A_166 = arith.index_cast %add3A_100 : i32 to index
      %swap3A_167 = arith.constant 112 : index
      %swap3A_168 = tpu.vector_load %arg9[%swap3A_165, %swap3A_166, %swap3A_167] {strides = array<i32>} : memref<2x128x128xf32, #tpu.memory_space<vmem>>, vector<1x1x16xf32>,
      %swap3A_169 = vector.shape_cast %swap3A_168 : vector<1x1x16xf32> to vector<16xf32>
      %swap3A_170 = vector.shape_cast %broadcast_in_dim3A_163 : vector<16xf32> to vector<1x1x16xf32>
      tpu.vector_store %arg9[%swap3A_165, %swap3A_166, %swap3A_167], %swap3A_170 {strides = array<i32>} : memref<2x128x128xf32, #tpu.memory_space<vmem>>, vector<1x1x16xf32>,
    }
    %scan3A_4 = arith.constant 128 : i32
    %mul3A_5 = arith.constant 624 : i32
    %mul3A_6 = arith.muli %arg1, %mul3A_5 : i32
    %multiple_of3A = tpu.assume_multiple %mul3A_6, 8 : i32
    %add3A_7 = arith.constant 0 : i32
    %add3A_8 = arith.addi %multiple_of3A, %add3A_7 : i32
    %run_scoped3A = arith.constant 0 : i32
    "tpu.region"() ({
      %run_scoped3A_96 = tpu.sem_alloc : memref<!tpu.dma_semaphore, #tpu.memory_space<semaphore_mem>>
      %dma_start3A_97 = arith.constant 0 : i32
      %dma_start3A_98 = arith.constant 0 : i32
      %dma_start3A_99 = tpu.memref_slice %arg9[%run_scoped3A, %dma_start3A_97, %dma_start3A_98] : memref<2x128x128xf32, #tpu.memory_space<vmem>> -> memref<1x128x128xf32, #tpu.memory_space<vmem>>
      %dma_start3A_100 = tpu.memref_squeeze %dma_start3A_99 : memref<1x128x128xf32, #tpu.memory_space<vmem>> -> memref<128x128xf32, #tpu.memory_space<vmem>>
      %dma_start3A_101 = arith.constant 0 : i32
      %dma_start3A_102 = tpu.memref_slice %arg10[%add3A_8, %dma_start3A_101] : memref<10000x128xf32, #tpu.memory_space<vmem_shared>> -> memref<128x128xf32, #tpu.memory_space<vmem_shared>>
      %dma_start3A_103 = arith.constant 0 : i32
      %dma_start3A_104 = tpu.memref_slice %arg10[%add3A_8, %dma_start3A_103] : memref<10000x128xf32, #tpu.memory_space<vmem_shared>> -> memref<128x128xf32, #tpu.memory_space<vmem_shared>>
      %dma_start3A_105 = arith.constant 0 : i32
      %dma_start3A_106 = arith.constant 0 : i32
      %dma_start3A_107 = tpu.memref_slice %arg9[%run_scoped3A, %dma_start3A_105, %dma_start3A_106] : memref<2x128x128xf32, #tpu.memory_space<vmem>> -> memref<1x128x128xf32, #tpu.memory_space<vmem>>
      %dma_start3A_108 = tpu.memref_squeeze %dma_start3A_107 : memref<1x128x128xf32, #tpu.memory_space<vmem>> -> memref<128x128xf32, #tpu.memory_space<vmem>>
      tpu.enqueue_dma source(%dma_start3A_108 : memref<128x128xf32, #tpu.memory_space<vmem>>) target(%dma_start3A_104 : memref<128x128xf32, #tpu.memory_space<vmem_shared>>) target_semaphore(%run_scoped3A_96 : memref<!tpu.dma_semaphore, #tpu.memory_space<semaphore_mem>>)
      %dma_wait3A_109 = arith.constant 0 : i32
      %dma_wait3A_110 = arith.constant 0 : i32
      %dma_wait3A_111 = tpu.memref_slice %arg9[%run_scoped3A, %dma_wait3A_109, %dma_wait3A_110] : memref<2x128x128xf32, #tpu.memory_space<vmem>> -> memref<1x128x128xf32, #tpu.memory_space<vmem>>
      %dma_wait3A_112 = tpu.memref_squeeze %dma_wait3A_111 : memref<1x128x128xf32, #tpu.memory_space<vmem>> -> memref<128x128xf32, #tpu.memory_space<vmem>>
      %dma_wait3A_113 = arith.constant 0 : i32
      %dma_wait3A_114 = tpu.memref_slice %arg10[%add3A_8, %dma_wait3A_113] : memref<10000x128xf32, #tpu.memory_space<vmem_shared>> -> memref<128x128xf32, #tpu.memory_space<vmem_shared>>
      %dma_wait3A_115 = arith.constant 0 : i32
      %dma_wait3A_116 = tpu.memref_slice %arg10[%add3A_8, %dma_wait3A_115] : memref<10000x128xf32, #tpu.memory_space<vmem_shared>> -> memref<128x128xf32, #tpu.memory_space<vmem_shared>>
      %dma_wait3A_117 = arith.constant 0 : i32
      %dma_wait3A_118 = arith.constant 0 : i32
      %dma_wait3A_119 = tpu.memref_slice %arg9[%run_scoped3A, %dma_wait3A_117, %dma_wait3A_118] : memref<2x128x128xf32, #tpu.memory_space<vmem>> -> memref<1x128x128xf32, #tpu.memory_space<vmem>>
      %dma_wait3A_120 = tpu.memref_squeeze %dma_wait3A_119 : memref<1x128x128xf32, #tpu.memory_space<vmem>> -> memref<128x128xf32, #tpu.memory_space<vmem>>
      tpu.wait_dma2 semaphore(%run_scoped3A_96 : memref<!tpu.dma_semaphore, #tpu.memory_space<semaphore_mem>>) src(%dma_wait3A_120 : memref<128x128xf32, #tpu.memory_space<vmem>>) dst(%dma_wait3A_116 : memref<128x128xf32, #tpu.memory_space<vmem_shared>>)
      tpu.yield
    }) : () -> ()
    %add3A_9 = arith.constant 128 : i32
    %add3A_10 = arith.addi %multiple_of3A, %add3A_9 : i32
    %run_scoped3A_11 = arith.constant 0 : i32
    "tpu.region"() ({
      %run_scoped3A_96 = tpu.sem_alloc : memref<!tpu.dma_semaphore, #tpu.memory_space<semaphore_mem>>
      %dma_start3A_97 = arith.constant 0 : i32
      %dma_start3A_98 = arith.constant 0 : i32
      %dma_start3A_99 = tpu.memref_slice %arg9[%run_scoped3A_11, %dma_start3A_97, %dma_start3A_98] : memref<2x128x128xf32, #tpu.memory_space<vmem>> -> memref<1x128x128xf32, #tpu.memory_space<vmem>>
      %dma_start3A_100 = tpu.memref_squeeze %dma_start3A_99 : memref<1x128x128xf32, #tpu.memory_space<vmem>> -> memref<128x128xf32, #tpu.memory_space<vmem>>
      %dma_start3A_101 = arith.constant 0 : i32
      %dma_start3A_102 = tpu.memref_slice %arg10[%add3A_10, %dma_start3A_101] : memref<10000x128xf32, #tpu.memory_space<vmem_shared>> -> memref<128x128xf32, #tpu.memory_space<vmem_shared>>
      %dma_start3A_103 = arith.constant 0 : i32
      %dma_start3A_104 = tpu.memref_slice %arg10[%add3A_10, %dma_start3A_103] : memref<10000x128xf32, #tpu.memory_space<vmem_shared>> -> memref<128x128xf32, #tpu.memory_space<vmem_shared>>
      %dma_start3A_105 = arith.constant 0 : i32
      %dma_start3A_106 = arith.constant 0 : i32
      %dma_start3A_107 = tpu.memref_slice %arg9[%run_scoped3A_11, %dma_start3A_105, %dma_start3A_106] : memref<2x128x128xf32, #tpu.memory_space<vmem>> -> memref<1x128x128xf32, #tpu.memory_space<vmem>>
      %dma_start3A_108 = tpu.memref_squeeze %dma_start3A_107 : memref<1x128x128xf32, #tpu.memory_space<vmem>> -> memref<128x128xf32, #tpu.memory_space<vmem>>
      tpu.enqueue_dma source(%dma_start3A_108 : memref<128x128xf32, #tpu.memory_space<vmem>>) target(%dma_start3A_104 : memref<128x128xf32, #tpu.memory_space<vmem_shared>>) target_semaphore(%run_scoped3A_96 : memref<!tpu.dma_semaphore, #tpu.memory_space<semaphore_mem>>)
      %dma_wait3A_109 = arith.constant 0 : i32
      %dma_wait3A_110 = arith.constant 0 : i32
      %dma_wait3A_111 = tpu.memref_slice %arg9[%run_scoped3A_11, %dma_wait3A_109, %dma_wait3A_110] : memref<2x128x128xf32, #tpu.memory_space<vmem>> -> memref<1x128x128xf32, #tpu.memory_space<vmem>>
      %dma_wait3A_112 = tpu.memref_squeeze %dma_wait3A_111 : memref<1x128x128xf32, #tpu.memory_space<vmem>> -> memref<128x128xf32, #tpu.memory_space<vmem>>
      %dma_wait3A_113 = arith.constant 0 : i32
      %dma_wait3A_114 = tpu.memref_slice %arg10[%add3A_10, %dma_wait3A_113] : memref<10000x128xf32, #tpu.memory_space<vmem_shared>> -> memref<128x128xf32, #tpu.memory_space<vmem_shared>>
      %dma_wait3A_115 = arith.constant 0 : i32
      %dma_wait3A_116 = tpu.memref_slice %arg10[%add3A_10, %dma_wait3A_115] : memref<10000x128xf32, #tpu.memory_space<vmem_shared>> -> memref<128x128xf32, #tpu.memory_space<vmem_shared>>
      %dma_wait3A_117 = arith.constant 0 : i32
      %dma_wait3A_118 = arith.constant 0 : i32
      %dma_wait3A_119 = tpu.memref_slice %arg9[%run_scoped3A_11, %dma_wait3A_117, %dma_wait3A_118] : memref<2x128x128xf32, #tpu.memory_space<vmem>> -> memref<1x128x128xf32, #tpu.memory_space<vmem>>
      %dma_wait3A_120 = tpu.memref_squeeze %dma_wait3A_119 : memref<1x128x128xf32, #tpu.memory_space<vmem>> -> memref<128x128xf32, #tpu.memory_space<vmem>>
      tpu.wait_dma2 semaphore(%run_scoped3A_96 : memref<!tpu.dma_semaphore, #tpu.memory_space<semaphore_mem>>) src(%dma_wait3A_120 : memref<128x128xf32, #tpu.memory_space<vmem>>) dst(%dma_wait3A_116 : memref<128x128xf32, #tpu.memory_space<vmem_shared>>)
      tpu.yield
    }) : () -> ()
    %add3A_12 = arith.constant 256 : i32
    %add3A_13 = arith.addi %multiple_of3A, %add3A_12 : i32
    %run_scoped3A_14 = arith.constant 0 : i32
    "tpu.region"() ({
      %run_scoped3A_96 = tpu.sem_alloc : memref<!tpu.dma_semaphore, #tpu.memory_space<semaphore_mem>>
      %dma_start3A_97 = arith.constant 0 : i32
      %dma_start3A_98 = arith.constant 0 : i32
      %dma_start3A_99 = tpu.memref_slice %arg9[%run_scoped3A_14, %dma_start3A_97, %dma_start3A_98] : memref<2x128x128xf32, #tpu.memory_space<vmem>> -> memref<1x128x128xf32, #tpu.memory_space<vmem>>
      %dma_start3A_100 = tpu.memref_squeeze %dma_start3A_99 : memref<1x128x128xf32, #tpu.memory_space<vmem>> -> memref<128x128xf32, #tpu.memory_space<vmem>>
      %dma_start3A_101 = arith.constant 0 : i32
      %dma_start3A_102 = tpu.memref_slice %arg10[%add3A_13, %dma_start3A_101] : memref<10000x128xf32, #tpu.memory_space<vmem_shared>> -> memref<128x128xf32, #tpu.memory_space<vmem_shared>>
      %dma_start3A_103 = arith.constant 0 : i32
      %dma_start3A_104 = tpu.memref_slice %arg10[%add3A_13, %dma_start3A_103] : memref<10000x128xf32, #tpu.memory_space<vmem_shared>> -> memref<128x128xf32, #tpu.memory_space<vmem_shared>>
      %dma_start3A_105 = arith.constant 0 : i32
      %dma_start3A_106 = arith.constant 0 : i32
      %dma_start3A_107 = tpu.memref_slice %arg9[%run_scoped3A_14, %dma_start3A_105, %dma_start3A_106] : memref<2x128x128xf32, #tpu.memory_space<vmem>> -> memref<1x128x128xf32, #tpu.memory_space<vmem>>
      %dma_start3A_108 = tpu.memref_squeeze %dma_start3A_107 : memref<1x128x128xf32, #tpu.memory_space<vmem>> -> memref<128x128xf32, #tpu.memory_space<vmem>>
      tpu.enqueue_dma source(%dma_start3A_108 : memref<128x128xf32, #tpu.memory_space<vmem>>) target(%dma_start3A_104 : memref<128x128xf32, #tpu.memory_space<vmem_shared>>) target_semaphore(%run_scoped3A_96 : memref<!tpu.dma_semaphore, #tpu.memory_space<semaphore_mem>>)
      %dma_wait3A_109 = arith.constant 0 : i32
      %dma_wait3A_110 = arith.constant 0 : i32
      %dma_wait3A_111 = tpu.memref_slice %arg9[%run_scoped3A_14, %dma_wait3A_109, %dma_wait3A_110] : memref<2x128x128xf32, #tpu.memory_space<vmem>> -> memref<1x128x128xf32, #tpu.memory_space<vmem>>
      %dma_wait3A_112 = tpu.memref_squeeze %dma_wait3A_111 : memref<1x128x128xf32, #tpu.memory_space<vmem>> -> memref<128x128xf32, #tpu.memory_space<vmem>>
      %dma_wait3A_113 = arith.constant 0 : i32
      %dma_wait3A_114 = tpu.memref_slice %arg10[%add3A_13, %dma_wait3A_113] : memref<10000x128xf32, #tpu.memory_space<vmem_shared>> -> memref<128x128xf32, #tpu.memory_space<vmem_shared>>
      %dma_wait3A_115 = arith.constant 0 : i32
      %dma_wait3A_116 = tpu.memref_slice %arg10[%add3A_13, %dma_wait3A_115] : memref<10000x128xf32, #tpu.memory_space<vmem_shared>> -> memref<128x128xf32, #tpu.memory_space<vmem_shared>>
      %dma_wait3A_117 = arith.constant 0 : i32
      %dma_wait3A_118 = arith.constant 0 : i32
      %dma_wait3A_119 = tpu.memref_slice %arg9[%run_scoped3A_14, %dma_wait3A_117, %dma_wait3A_118] : memref<2x128x128xf32, #tpu.memory_space<vmem>> -> memref<1x128x128xf32, #tpu.memory_space<vmem>>
      %dma_wait3A_120 = tpu.memref_squeeze %dma_wait3A_119 : memref<1x128x128xf32, #tpu.memory_space<vmem>> -> memref<128x128xf32, #tpu.memory_space<vmem>>
      tpu.wait_dma2 semaphore(%run_scoped3A_96 : memref<!tpu.dma_semaphore, #tpu.memory_space<semaphore_mem>>) src(%dma_wait3A_120 : memref<128x128xf32, #tpu.memory_space<vmem>>) dst(%dma_wait3A_116 : memref<128x128xf32, #tpu.memory_space<vmem_shared>>)
      tpu.yield
    }) : () -> ()
    %add3A_15 = arith.constant 384 : i32
    %add3A_16 = arith.addi %multiple_of3A, %add3A_15 : i32
    %run_scoped3A_17 = arith.constant 0 : i32
    "tpu.region"() ({
      %run_scoped3A_96 = tpu.sem_alloc : memref<!tpu.dma_semaphore, #tpu.memory_space<semaphore_mem>>
      %dma_start3A_97 = arith.constant 0 : i32
      %dma_start3A_98 = arith.constant 0 : i32
      %dma_start3A_99 = tpu.memref_slice %arg9[%run_scoped3A_17, %dma_start3A_97, %dma_start3A_98] : memref<2x128x128xf32, #tpu.memory_space<vmem>> -> memref<1x128x128xf32, #tpu.memory_space<vmem>>
      %dma_start3A_100 = tpu.memref_squeeze %dma_start3A_99 : memref<1x128x128xf32, #tpu.memory_space<vmem>> -> memref<128x128xf32, #tpu.memory_space<vmem>>
      %dma_start3A_101 = arith.constant 0 : i32
      %dma_start3A_102 = tpu.memref_slice %arg10[%add3A_16, %dma_start3A_101] : memref<10000x128xf32, #tpu.memory_space<vmem_shared>> -> memref<128x128xf32, #tpu.memory_space<vmem_shared>>
      %dma_start3A_103 = arith.constant 0 : i32
      %dma_start3A_104 = tpu.memref_slice %arg10[%add3A_16, %dma_start3A_103] : memref<10000x128xf32, #tpu.memory_space<vmem_shared>> -> memref<128x128xf32, #tpu.memory_space<vmem_shared>>
      %dma_start3A_105 = arith.constant 0 : i32
      %dma_start3A_106 = arith.constant 0 : i32
      %dma_start3A_107 = tpu.memref_slice %arg9[%run_scoped3A_17, %dma_start3A_105, %dma_start3A_106] : memref<2x128x128xf32, #tpu.memory_space<vmem>> -> memref<1x128x128xf32, #tpu.memory_space<vmem>>
      %dma_start3A_108 = tpu.memref_squeeze %dma_start3A_107 : memref<1x128x128xf32, #tpu.memory_space<vmem>> -> memref<128x128xf32, #tpu.memory_space<vmem>>
      tpu.enqueue_dma source(%dma_start3A_108 : memref<128x128xf32, #tpu.memory_space<vmem>>) target(%dma_start3A_104 : memref<128x128xf32, #tpu.memory_space<vmem_shared>>) target_semaphore(%run_scoped3A_96 : memref<!tpu.dma_semaphore, #tpu.memory_space<semaphore_mem>>)
      %dma_wait3A_109 = arith.constant 0 : i32
      %dma_wait3A_110 = arith.constant 0 : i32
      %dma_wait3A_111 = tpu.memref_slice %arg9[%run_scoped3A_17, %dma_wait3A_109, %dma_wait3A_110] : memref<2x128x128xf32, #tpu.memory_space<vmem>> -> memref<1x128x128xf32, #tpu.memory_space<vmem>>
      %dma_wait3A_112 = tpu.memref_squeeze %dma_wait3A_111 : memref<1x128x128xf32, #tpu.memory_space<vmem>> -> memref<128x128xf32, #tpu.memory_space<vmem>>
      %dma_wait3A_113 = arith.constant 0 : i32
      %dma_wait3A_114 = tpu.memref_slice %arg10[%add3A_16, %dma_wait3A_113] : memref<10000x128xf32, #tpu.memory_space<vmem_shared>> -> memref<128x128xf32, #tpu.memory_space<vmem_shared>>
      %dma_wait3A_115 = arith.constant 0 : i32
      %dma_wait3A_116 = tpu.memref_slice %arg10[%add3A_16, %dma_wait3A_115] : memref<10000x128xf32, #tpu.memory_space<vmem_shared>> -> memref<128x128xf32, #tpu.memory_space<vmem_shared>>
      %dma_wait3A_117 = arith.constant 0 : i32
      %dma_wait3A_118 = arith.constant 0 : i32
      %dma_wait3A_119 = tpu.memref_slice %arg9[%run_scoped3A_17, %dma_wait3A_117, %dma_wait3A_118] : memref<2x128x128xf32, #tpu.memory_space<vmem>> -> memref<1x128x128xf32, #tpu.memory_space<vmem>>
      %dma_wait3A_120 = tpu.memref_squeeze %dma_wait3A_119 : memref<1x128x128xf32, #tpu.memory_space<vmem>> -> memref<128x128xf32, #tpu.memory_space<vmem>>
      tpu.wait_dma2 semaphore(%run_scoped3A_96 : memref<!tpu.dma_semaphore, #tpu.memory_space<semaphore_mem>>) src(%dma_wait3A_120 : memref<128x128xf32, #tpu.memory_space<vmem>>) dst(%dma_wait3A_116 : memref<128x128xf32, #tpu.memory_space<vmem_shared>>)
      tpu.yield
    }) : () -> ()
    %add3A_18 = arith.constant 624 : i32
    %add3A_19 = arith.addi %multiple_of3A, %add3A_18 : i32
    %sub3A = arith.constant 112 : i32
    %sub3A_20 = arith.subi %add3A_19, %sub3A : i32
    %run_scoped3A_21 = arith.constant 0 : i32
    "tpu.region"() ({
      %run_scoped3A_96 = tpu.sem_alloc : memref<!tpu.dma_semaphore, #tpu.memory_space<semaphore_mem>>
      %dma_start3A_97 = arith.constant 0 : i32
      %dma_start3A_98 = arith.constant 0 : i32
      %dma_start3A_99 = tpu.memref_slice %arg9[%run_scoped3A_21, %dma_start3A_97, %dma_start3A_98] : memref<2x128x128xf32, #tpu.memory_space<vmem>> -> memref<1x112x128xf32, #tpu.memory_space<vmem>>
      %dma_start3A_100 = tpu.memref_squeeze %dma_start3A_99 : memref<1x112x128xf32, #tpu.memory_space<vmem>> -> memref<112x128xf32, #tpu.memory_space<vmem>>
      %dma_start3A_101 = arith.constant 0 : i32
      %dma_start3A_102 = tpu.memref_slice %arg10[%sub3A_20, %dma_start3A_101] : memref<10000x128xf32, #tpu.memory_space<vmem_shared>> -> memref<112x128xf32, #tpu.memory_space<vmem_shared>>
      %dma_start3A_103 = arith.constant 0 : i32
      %dma_start3A_104 = tpu.memref_slice %arg10[%sub3A_20, %dma_start3A_103] : memref<10000x128xf32, #tpu.memory_space<vmem_shared>> -> memref<112x128xf32, #tpu.memory_space<vmem_shared>>
      %dma_start3A_105 = arith.constant 0 : i32
      %dma_start3A_106 = arith.constant 0 : i32
      %dma_start3A_107 = tpu.memref_slice %arg9[%run_scoped3A_21, %dma_start3A_105, %dma_start3A_106] : memref<2x128x128xf32, #tpu.memory_space<vmem>> -> memref<1x112x128xf32, #tpu.memory_space<vmem>>
      %dma_start3A_108 = tpu.memref_squeeze %dma_start3A_107 : memref<1x112x128xf32, #tpu.memory_space<vmem>> -> memref<112x128xf32, #tpu.memory_space<vmem>>
      tpu.enqueue_dma source(%dma_start3A_108 : memref<112x128xf32, #tpu.memory_space<vmem>>) target(%dma_start3A_104 : memref<112x128xf32, #tpu.memory_space<vmem_shared>>) target_semaphore(%run_scoped3A_96 : memref<!tpu.dma_semaphore, #tpu.memory_space<semaphore_mem>>)
      %dma_wait3A_109 = arith.constant 0 : i32
      %dma_wait3A_110 = arith.constant 0 : i32
      %dma_wait3A_111 = tpu.memref_slice %arg9[%run_scoped3A_21, %dma_wait3A_109, %dma_wait3A_110] : memref<2x128x128xf32, #tpu.memory_space<vmem>> -> memref<1x112x128xf32, #tpu.memory_space<vmem>>
      %dma_wait3A_112 = tpu.memref_squeeze %dma_wait3A_111 : memref<1x112x128xf32, #tpu.memory_space<vmem>> -> memref<112x128xf32, #tpu.memory_space<vmem>>
      %dma_wait3A_113 = arith.constant 0 : i32
      %dma_wait3A_114 = tpu.memref_slice %arg10[%sub3A_20, %dma_wait3A_113] : memref<10000x128xf32, #tpu.memory_space<vmem_shared>> -> memref<112x128xf32, #tpu.memory_space<vmem_shared>>
      %dma_wait3A_115 = arith.constant 0 : i32
      %dma_wait3A_116 = tpu.memref_slice %arg10[%sub3A_20, %dma_wait3A_115] : memref<10000x128xf32, #tpu.memory_space<vmem_shared>> -> memref<112x128xf32, #tpu.memory_space<vmem_shared>>
      %dma_wait3A_117 = arith.constant 0 : i32
      %dma_wait3A_118 = arith.constant 0 : i32
      %dma_wait3A_119 = tpu.memref_slice %arg9[%run_scoped3A_21, %dma_wait3A_117, %dma_wait3A_118] : memref<2x128x128xf32, #tpu.memory_space<vmem>> -> memref<1x112x128xf32, #tpu.memory_space<vmem>>
      %dma_wait3A_120 = tpu.memref_squeeze %dma_wait3A_119 : memref<1x112x128xf32, #tpu.memory_space<vmem>> -> memref<112x128xf32, #tpu.memory_space<vmem>>
      tpu.wait_dma2 semaphore(%run_scoped3A_96 : memref<!tpu.dma_semaphore, #tpu.memory_space<semaphore_mem>>) src(%dma_wait3A_120 : memref<112x128xf32, #tpu.memory_space<vmem>>) dst(%dma_wait3A_116 : memref<112x128xf32, #tpu.memory_space<vmem_shared>>)
      tpu.yield
    }) : () -> ()
    %eq3A = arith.constant 15 : i32
    %eq3A_22 = arith.cmpi eq, %arg1, %eq3A : i32
    %convert_element_type3A = arith.extui %eq3A_22 : i1 to i32
    %cond3A = arith.constant 0 : i32
    %cond3A_23 = arith.cmpi ne, %convert_element_type3A, %cond3A : i32
    scf.if %cond3A_23 {
      %run_scoped3A_96 = arith.constant 0 : i32
      "tpu.region"() ({
        %run_scoped3A_97 = tpu.sem_alloc : memref<!tpu.dma_semaphore, #tpu.memory_space<semaphore_mem>>
        %dma_start3A_98 = arith.constant 0 : i32
        %dma_start3A_99 = arith.constant 0 : i32
        %dma_start3A_100 = tpu.memref_slice %arg9[%run_scoped3A_96, %dma_start3A_98, %dma_start3A_99] : memref<2x128x128xf32, #tpu.memory_space<vmem>> -> memref<1x16x128xf32, #tpu.memory_space<vmem>>
        %dma_start3A_101 = tpu.memref_squeeze %dma_start3A_100 : memref<1x16x128xf32, #tpu.memory_space<vmem>> -> memref<16x128xf32, #tpu.memory_space<vmem>>
        %dma_start3A_102 = arith.constant 9984 : i32
        %dma_start3A_103 = arith.constant 0 : i32
        %dma_start3A_104 = tpu.memref_slice %arg10[%dma_start3A_102, %dma_start3A_103] : memref<10000x128xf32, #tpu.memory_space<vmem_shared>> -> memref<16x128xf32, #tpu.memory_space<vmem_shared>>
        %dma_start3A_105 = arith.constant 9984 : i32
        %dma_start3A_106 = arith.constant 0 : i32
        %dma_start3A_107 = tpu.memref_slice %arg10[%dma_start3A_105, %dma_start3A_106] : memref<10000x128xf32, #tpu.memory_space<vmem_shared>> -> memref<16x128xf32, #tpu.memory_space<vmem_shared>>
        %dma_start3A_108 = arith.constant 0 : i32
        %dma_start3A_109 = arith.constant 0 : i32
        %dma_start3A_110 = tpu.memref_slice %arg9[%run_scoped3A_96, %dma_start3A_108, %dma_start3A_109] : memref<2x128x128xf32, #tpu.memory_space<vmem>> -> memref<1x16x128xf32, #tpu.memory_space<vmem>>
        %dma_start3A_111 = tpu.memref_squeeze %dma_start3A_110 : memref<1x16x128xf32, #tpu.memory_space<vmem>> -> memref<16x128xf32, #tpu.memory_space<vmem>>
        tpu.enqueue_dma source(%dma_start3A_111 : memref<16x128xf32, #tpu.memory_space<vmem>>) target(%dma_start3A_107 : memref<16x128xf32, #tpu.memory_space<vmem_shared>>) target_semaphore(%run_scoped3A_97 : memref<!tpu.dma_semaphore, #tpu.memory_space<semaphore_mem>>)
        %dma_wait3A_112 = arith.constant 0 : i32
        %dma_wait3A_113 = arith.constant 0 : i32
        %dma_wait3A_114 = tpu.memref_slice %arg9[%run_scoped3A_96, %dma_wait3A_112, %dma_wait3A_113] : memref<2x128x128xf32, #tpu.memory_space<vmem>> -> memref<1x16x128xf32, #tpu.memory_space<vmem>>
        %dma_wait3A_115 = tpu.memref_squeeze %dma_wait3A_114 : memref<1x16x128xf32, #tpu.memory_space<vmem>> -> memref<16x128xf32, #tpu.memory_space<vmem>>
        %dma_wait3A_116 = arith.constant 9984 : i32
        %dma_wait3A_117 = arith.constant 0 : i32
        %dma_wait3A_118 = tpu.memref_slice %arg10[%dma_wait3A_116, %dma_wait3A_117] : memref<10000x128xf32, #tpu.memory_space<vmem_shared>> -> memref<16x128xf32, #tpu.memory_space<vmem_shared>>
        %dma_wait3A_119 = arith.constant 9984 : i32
        %dma_wait3A_120 = arith.constant 0 : i32
        %dma_wait3A_121 = tpu.memref_slice %arg10[%dma_wait3A_119, %dma_wait3A_120] : memref<10000x128xf32, #tpu.memory_space<vmem_shared>> -> memref<16x128xf32, #tpu.memory_space<vmem_shared>>
        %dma_wait3A_122 = arith.constant 0 : i32
        %dma_wait3A_123 = arith.constant 0 : i32
        %dma_wait3A_124 = tpu.memref_slice %arg9[%run_scoped3A_96, %dma_wait3A_122, %dma_wait3A_123] : memref<2x128x128xf32, #tpu.memory_space<vmem>> -> memref<1x16x128xf32, #tpu.memory_space<vmem>>
        %dma_wait3A_125 = tpu.memref_squeeze %dma_wait3A_124 : memref<1x16x128xf32, #tpu.memory_space<vmem>> -> memref<16x128xf32, #tpu.memory_space<vmem>>
        tpu.wait_dma2 semaphore(%run_scoped3A_97 : memref<!tpu.dma_semaphore, #tpu.memory_space<semaphore_mem>>) src(%dma_wait3A_125 : memref<16x128xf32, #tpu.memory_space<vmem>>) dst(%dma_wait3A_121 : memref<16x128xf32, #tpu.memory_space<vmem_shared>>)
        tpu.yield
      }) : () -> ()
    } else {
    }
    %barrier3A = arith.constant 0 : index
    tpu.barrier barrier_id(%barrier3A)
    %add3A_24 = arith.constant 0 : i32
    %add3A_25 = arith.addi %add3A, %add3A_24 : i32
    %mul3A_26 = arith.constant 128 : i32
    %mul3A_27 = arith.muli %add3A_25, %mul3A_26 : i32
    %multiple_of3A_28 = tpu.assume_multiple %mul3A_27, 128 : i32
    "tpu.region"() ({
      %run_scoped3A_96 = tpu.sem_alloc : memref<!tpu.dma_semaphore, #tpu.memory_space<semaphore_mem>>
      %dma_start3A_97 = tpu.memref_slice %arg3[%multiple_of3A_28] : memref<320000xi32, #tpu.memory_space<hbm>> -> memref<128xi32, #tpu.memory_space<hbm>>
      %dma_start3A_98 = tpu.memref_slice %arg3[%multiple_of3A_28] : memref<320000xi32, #tpu.memory_space<hbm>> -> memref<128xi32, #tpu.memory_space<hbm>>
      tpu.enqueue_dma source(%dma_start3A_98 : memref<128xi32, #tpu.memory_space<hbm>>) target(%arg6 : memref<128xi32, #tpu.memory_space<vmem>>) target_semaphore(%run_scoped3A_96 : memref<!tpu.dma_semaphore, #tpu.memory_space<semaphore_mem>>)
      %dma_wait3A_99 = tpu.memref_slice %arg3[%multiple_of3A_28] : memref<320000xi32, #tpu.memory_space<hbm>> -> memref<128xi32, #tpu.memory_space<hbm>>
      %dma_wait3A_100 = tpu.memref_slice %arg3[%multiple_of3A_28] : memref<320000xi32, #tpu.memory_space<hbm>> -> memref<128xi32, #tpu.memory_space<hbm>>
      tpu.wait_dma2 semaphore(%run_scoped3A_96 : memref<!tpu.dma_semaphore, #tpu.memory_space<semaphore_mem>>) src(%dma_wait3A_100 : memref<128xi32, #tpu.memory_space<hbm>>) dst(%arg6 : memref<128xi32, #tpu.memory_space<vmem>>)
      tpu.yield
    }) : () -> ()
    %dma_start3A = arith.constant 0 : i32
    %dma_start3A_29 = arith.constant 0 : i32
    %dma_start3A_30 = arith.constant 0 : i32
    %dma_start3A_31 = tpu.memref_slice %arg9[%dma_start3A, %dma_start3A_29, %dma_start3A_30] : memref<2x128x128xf32, #tpu.memory_space<vmem>> -> memref<1x128x128xf32, #tpu.memory_space<vmem>>
    %dma_start3A_32 = tpu.memref_squeeze %dma_start3A_31 : memref<1x128x128xf32, #tpu.memory_space<vmem>> -> memref<128x128xf32, #tpu.memory_space<vmem>>
    %dma_start3A_33 = arith.constant 0 : i32
    %dma_start3A_34 = arith.constant 0 : i32
    %dma_start3A_35 = tpu.memref_slice %arg2[%dma_start3A_33, %dma_start3A_34] : memref<10000x128xf32, #tpu.memory_space<hbm>> -> memref<10000x128xf32, #tpu.memory_space<hbm>>
    tpu.enqueue_indirect_dma source(%dma_start3A_35 : memref<10000x128xf32, #tpu.memory_space<hbm>>) target(%dma_start3A_32 : memref<128x128xf32, #tpu.memory_space<vmem>>) offsets(%arg6 : memref<128xi32, #tpu.memory_space<vmem>>) semaphore(%arg11 : memref<!tpu.dma_semaphore, #tpu.memory_space<semaphore_mem>>)
    %add3A_36 = arith.constant 32 : i32
    %add3A_37 = arith.addi %add3A, %add3A_36 : i32
    %mul3A_38 = arith.constant 128 : i32
    %mul3A_39 = arith.muli %add3A_37, %mul3A_38 : i32
    %multiple_of3A_40 = tpu.assume_multiple %mul3A_39, 128 : i32
    "tpu.region"() ({
      %run_scoped3A_96 = tpu.sem_alloc : memref<!tpu.dma_semaphore, #tpu.memory_space<semaphore_mem>>
      %dma_start3A_97 = tpu.memref_slice %arg3[%multiple_of3A_40] : memref<320000xi32, #tpu.memory_space<hbm>> -> memref<128xi32, #tpu.memory_space<hbm>>
      %dma_start3A_98 = tpu.memref_slice %arg3[%multiple_of3A_40] : memref<320000xi32, #tpu.memory_space<hbm>> -> memref<128xi32, #tpu.memory_space<hbm>>
      tpu.enqueue_dma source(%dma_start3A_98 : memref<128xi32, #tpu.memory_space<hbm>>) target(%arg7 : memref<128xi32, #tpu.memory_space<vmem>>) target_semaphore(%run_scoped3A_96 : memref<!tpu.dma_semaphore, #tpu.memory_space<semaphore_mem>>)
      %dma_wait3A_99 = tpu.memref_slice %arg3[%multiple_of3A_40] : memref<320000xi32, #tpu.memory_space<hbm>> -> memref<128xi32, #tpu.memory_space<hbm>>
      %dma_wait3A_100 = tpu.memref_slice %arg3[%multiple_of3A_40] : memref<320000xi32, #tpu.memory_space<hbm>> -> memref<128xi32, #tpu.memory_space<hbm>>
      tpu.wait_dma2 semaphore(%run_scoped3A_96 : memref<!tpu.dma_semaphore, #tpu.memory_space<semaphore_mem>>) src(%dma_wait3A_100 : memref<128xi32, #tpu.memory_space<hbm>>) dst(%arg7 : memref<128xi32, #tpu.memory_space<vmem>>)
      tpu.yield
    }) : () -> ()
    %dma_start3A_41 = arith.constant 1 : i32
    %dma_start3A_42 = arith.constant 0 : i32
    %dma_start3A_43 = arith.constant 0 : i32
    %dma_start3A_44 = tpu.memref_slice %arg9[%dma_start3A_41, %dma_start3A_42, %dma_start3A_43] : memref<2x128x128xf32, #tpu.memory_space<vmem>> -> memref<1x128x128xf32, #tpu.memory_space<vmem>>
    %dma_start3A_45 = tpu.memref_squeeze %dma_start3A_44 : memref<1x128x128xf32, #tpu.memory_space<vmem>> -> memref<128x128xf32, #tpu.memory_space<vmem>>
    %dma_start3A_46 = arith.constant 0 : i32
    %dma_start3A_47 = arith.constant 0 : i32
    %dma_start3A_48 = tpu.memref_slice %arg2[%dma_start3A_46, %dma_start3A_47] : memref<10000x128xf32, #tpu.memory_space<hbm>> -> memref<10000x128xf32, #tpu.memory_space<hbm>>
    tpu.enqueue_indirect_dma source(%dma_start3A_48 : memref<10000x128xf32, #tpu.memory_space<hbm>>) target(%dma_start3A_45 : memref<128x128xf32, #tpu.memory_space<vmem>>) offsets(%arg7 : memref<128xi32, #tpu.memory_space<vmem>>) semaphore(%arg12 : memref<!tpu.dma_semaphore, #tpu.memory_space<semaphore_mem>>)
    %scan3A_49 = arith.constant 0 : i32
    %scan3A_50 = arith.constant 38 : i32
    %scan3A_51 = arith.addi %scan3A_49, %scan3A_50 : i32
    %scan3A_52 = arith.constant 1 : i32
    scf.for %scan3A_96 = %scan3A_49 to %scan3A_51 step %scan3A_52  : i32 {
      %mul3A_97 = arith.constant 2 : i32
      %mul3A_98 = arith.muli %scan3A_96, %mul3A_97 : i32
      %add3A_99 = arith.constant 0 : i32
      %add3A_100 = arith.addi %add3A_99, %mul3A_98 : i32
      %add3A_101 = arith.constant 0 : i32
      %add3A_102 = arith.addi %add3A_100, %add3A_101 : i32
      %dma_wait3A_103 = arith.constant 0 : i32
      %dma_wait3A_104 = arith.constant 0 : i32
      %dma_wait3A_105 = arith.constant 0 : i32
      %dma_wait3A_106 = tpu.memref_slice %arg9[%dma_wait3A_103, %dma_wait3A_104, %dma_wait3A_105] : memref<2x128x128xf32, #tpu.memory_space<vmem>> -> memref<1x128x128xf32, #tpu.memory_space<vmem>>
      %dma_wait3A_107 = tpu.memref_squeeze %dma_wait3A_106 : memref<1x128x128xf32, #tpu.memory_space<vmem>> -> memref<128x128xf32, #tpu.memory_space<vmem>>
      %dma_wait3A_108 = arith.constant 0 : i32
      %dma_wait3A_109 = arith.constant 0 : i32
      %dma_wait3A_110 = tpu.memref_slice %arg2[%dma_wait3A_108, %dma_wait3A_109] : memref<10000x128xf32, #tpu.memory_space<hbm>> -> memref<10000x128xf32, #tpu.memory_space<hbm>>
      tpu.wait_indirect_dma semaphore(%arg11 : memref<!tpu.dma_semaphore, #tpu.memory_space<semaphore_mem>>) src(%dma_wait3A_110 : memref<10000x128xf32, #tpu.memory_space<hbm>>) dst(%dma_wait3A_107 : memref<128x128xf32, #tpu.memory_space<vmem>>)
      %mul3A_111 = arith.constant 32 : i32
      %mul3A_112 = arith.muli %mul3A_111, %add3A_102 : i32
      %add3A_113 = arith.addi %add3A, %mul3A_112 : i32
      %mul3A_114 = arith.constant 128 : i32
      %mul3A_115 = arith.muli %add3A_113, %mul3A_114 : i32
      %multiple_of3A_116 = tpu.assume_multiple %mul3A_115, 128 : i32
      "tpu.region"() ({
        %run_scoped3A_167 = tpu.sem_alloc : memref<!tpu.dma_semaphore, #tpu.memory_space<semaphore_mem>>
        %dma_start3A_168 = tpu.memref_slice %arg4[%multiple_of3A_116] : memref<320000xi32, #tpu.memory_space<hbm>> -> memref<128xi32, #tpu.memory_space<hbm>>
        %dma_start3A_169 = tpu.memref_slice %arg4[%multiple_of3A_116] : memref<320000xi32, #tpu.memory_space<hbm>> -> memref<128xi32, #tpu.memory_space<hbm>>
        tpu.enqueue_dma source(%dma_start3A_169 : memref<128xi32, #tpu.memory_space<hbm>>) target(%arg8 : memref<128xi32, #tpu.memory_space<vmem>>) target_semaphore(%run_scoped3A_167 : memref<!tpu.dma_semaphore, #tpu.memory_space<semaphore_mem>>)
        %dma_wait3A_170 = tpu.memref_slice %arg4[%multiple_of3A_116] : memref<320000xi32, #tpu.memory_space<hbm>> -> memref<128xi32, #tpu.memory_space<hbm>>
        %dma_wait3A_171 = tpu.memref_slice %arg4[%multiple_of3A_116] : memref<320000xi32, #tpu.memory_space<hbm>> -> memref<128xi32, #tpu.memory_space<hbm>>
        tpu.wait_dma2 semaphore(%run_scoped3A_167 : memref<!tpu.dma_semaphore, #tpu.memory_space<semaphore_mem>>) src(%dma_wait3A_171 : memref<128xi32, #tpu.memory_space<hbm>>) dst(%arg8 : memref<128xi32, #tpu.memory_space<vmem>>)
        tpu.yield
      }) : () -> ()
      %run_scoped3A_117 = arith.constant 0 : i32
      "tpu.region"() ({
        %run_scoped3A_167 = tpu.sem_alloc : memref<!tpu.dma_semaphore, #tpu.memory_space<semaphore_mem>>
        %dma_start3A_168 = arith.constant 0 : i32
        %dma_start3A_169 = arith.constant 0 : i32
        %dma_start3A_170 = tpu.memref_slice %arg9[%run_scoped3A_117, %dma_start3A_168, %dma_start3A_169] : memref<2x128x128xf32, #tpu.memory_space<vmem>> -> memref<1x128x128xf32, #tpu.memory_space<vmem>>
        %dma_start3A_171 = tpu.memref_squeeze %dma_start3A_170 : memref<1x128x128xf32, #tpu.memory_space<vmem>> -> memref<128x128xf32, #tpu.memory_space<vmem>>
        %dma_start3A_172 = arith.constant 0 : i32
        %dma_start3A_173 = arith.constant 0 : i32
        %dma_start3A_174 = tpu.memref_slice %arg10[%dma_start3A_172, %dma_start3A_173] : memref<10000x128xf32, #tpu.memory_space<vmem_shared>> -> memref<10000x128xf32, #tpu.memory_space<vmem_shared>>
        tpu.enqueue_indirect_dma source(%dma_start3A_171 : memref<128x128xf32, #tpu.memory_space<vmem>>) target(%dma_start3A_174 : memref<10000x128xf32, #tpu.memory_space<vmem_shared>>) offsets(%arg8 : memref<128xi32, #tpu.memory_space<vmem>>) semaphore(%run_scoped3A_167 : memref<!tpu.dma_semaphore, #tpu.memory_space<semaphore_mem>>) {add = true}
        %dma_wait3A_175 = arith.constant 0 : i32
        %dma_wait3A_176 = arith.constant 0 : i32
        %dma_wait3A_177 = tpu.memref_slice %arg9[%run_scoped3A_117, %dma_wait3A_175, %dma_wait3A_176] : memref<2x128x128xf32, #tpu.memory_space<vmem>> -> memref<1x128x128xf32, #tpu.memory_space<vmem>>
        %dma_wait3A_178 = tpu.memref_squeeze %dma_wait3A_177 : memref<1x128x128xf32, #tpu.memory_space<vmem>> -> memref<128x128xf32, #tpu.memory_space<vmem>>
        %dma_wait3A_179 = arith.constant 0 : i32
        %dma_wait3A_180 = arith.constant 0 : i32
        %dma_wait3A_181 = tpu.memref_slice %arg10[%dma_wait3A_179, %dma_wait3A_180] : memref<10000x128xf32, #tpu.memory_space<vmem_shared>> -> memref<10000x128xf32, #tpu.memory_space<vmem_shared>>
        tpu.wait_indirect_dma semaphore(%run_scoped3A_167 : memref<!tpu.dma_semaphore, #tpu.memory_space<semaphore_mem>>) src(%dma_wait3A_178 : memref<128x128xf32, #tpu.memory_space<vmem>>) dst(%dma_wait3A_181 : memref<10000x128xf32, #tpu.memory_space<vmem_shared>>)
        tpu.yield
      }) : () -> ()
      %add3A_118 = arith.constant 2 : i32
      %add3A_119 = arith.addi %add3A_102, %add3A_118 : i32
      %mul3A_120 = arith.constant 32 : i32
      %mul3A_121 = arith.muli %mul3A_120, %add3A_119 : i32
      %add3A_122 = arith.addi %add3A, %mul3A_121 : i32
      %mul3A_123 = arith.constant 128 : i32
      %mul3A_124 = arith.muli %add3A_122, %mul3A_123 : i32
      %multiple_of3A_125 = tpu.assume_multiple %mul3A_124, 128 : i32
      "tpu.region"() ({
        %run_scoped3A_167 = tpu.sem_alloc : memref<!tpu.dma_semaphore, #tpu.memory_space<semaphore_mem>>
        %dma_start3A_168 = tpu.memref_slice %arg3[%multiple_of3A_125] : memref<320000xi32, #tpu.memory_space<hbm>> -> memref<128xi32, #tpu.memory_space<hbm>>
        %dma_start3A_169 = tpu.memref_slice %arg3[%multiple_of3A_125] : memref<320000xi32, #tpu.memory_space<hbm>> -> memref<128xi32, #tpu.memory_space<hbm>>
        tpu.enqueue_dma source(%dma_start3A_169 : memref<128xi32, #tpu.memory_space<hbm>>) target(%arg6 : memref<128xi32, #tpu.memory_space<vmem>>) target_semaphore(%run_scoped3A_167 : memref<!tpu.dma_semaphore, #tpu.memory_space<semaphore_mem>>)
        %dma_wait3A_170 = tpu.memref_slice %arg3[%multiple_of3A_125] : memref<320000xi32, #tpu.memory_space<hbm>> -> memref<128xi32, #tpu.memory_space<hbm>>
        %dma_wait3A_171 = tpu.memref_slice %arg3[%multiple_of3A_125] : memref<320000xi32, #tpu.memory_space<hbm>> -> memref<128xi32, #tpu.memory_space<hbm>>
        tpu.wait_dma2 semaphore(%run_scoped3A_167 : memref<!tpu.dma_semaphore, #tpu.memory_space<semaphore_mem>>) src(%dma_wait3A_171 : memref<128xi32, #tpu.memory_space<hbm>>) dst(%arg6 : memref<128xi32, #tpu.memory_space<vmem>>)
        tpu.yield
      }) : () -> ()
      %dma_start3A_126 = arith.constant 0 : i32
      %dma_start3A_127 = arith.constant 0 : i32
      %dma_start3A_128 = arith.constant 0 : i32
      %dma_start3A_129 = tpu.memref_slice %arg9[%dma_start3A_126, %dma_start3A_127, %dma_start3A_128] : memref<2x128x128xf32, #tpu.memory_space<vmem>> -> memref<1x128x128xf32, #tpu.memory_space<vmem>>
      %dma_start3A_130 = tpu.memref_squeeze %dma_start3A_129 : memref<1x128x128xf32, #tpu.memory_space<vmem>> -> memref<128x128xf32, #tpu.memory_space<vmem>>
      %dma_start3A_131 = arith.constant 0 : i32
      %dma_start3A_132 = arith.constant 0 : i32
      %dma_start3A_133 = tpu.memref_slice %arg2[%dma_start3A_131, %dma_start3A_132] : memref<10000x128xf32, #tpu.memory_space<hbm>> -> memref<10000x128xf32, #tpu.memory_space<hbm>>
      tpu.enqueue_indirect_dma source(%dma_start3A_133 : memref<10000x128xf32, #tpu.memory_space<hbm>>) target(%dma_start3A_130 : memref<128x128xf32, #tpu.memory_space<vmem>>) offsets(%arg6 : memref<128xi32, #tpu.memory_space<vmem>>) semaphore(%arg11 : memref<!tpu.dma_semaphore, #tpu.memory_space<semaphore_mem>>)
      %add3A_134 = arith.constant 1 : i32
      %add3A_135 = arith.addi %add3A_100, %add3A_134 : i32
      %dma_wait3A_136 = arith.constant 1 : i32
      %dma_wait3A_137 = arith.constant 0 : i32
      %dma_wait3A_138 = arith.constant 0 : i32
      %dma_wait3A_139 = tpu.memref_slice %arg9[%dma_wait3A_136, %dma_wait3A_137, %dma_wait3A_138] : memref<2x128x128xf32, #tpu.memory_space<vmem>> -> memref<1x128x128xf32, #tpu.memory_space<vmem>>
      %dma_wait3A_140 = tpu.memref_squeeze %dma_wait3A_139 : memref<1x128x128xf32, #tpu.memory_space<vmem>> -> memref<128x128xf32, #tpu.memory_space<vmem>>
      %dma_wait3A_141 = arith.constant 0 : i32
      %dma_wait3A_142 = arith.constant 0 : i32
      %dma_wait3A_143 = tpu.memref_slice %arg2[%dma_wait3A_141, %dma_wait3A_142] : memref<10000x128xf32, #tpu.memory_space<hbm>> -> memref<10000x128xf32, #tpu.memory_space<hbm>>
      tpu.wait_indirect_dma semaphore(%arg12 : memref<!tpu.dma_semaphore, #tpu.memory_space<semaphore_mem>>) src(%dma_wait3A_143 : memref<10000x128xf32, #tpu.memory_space<hbm>>) dst(%dma_wait3A_140 : memref<128x128xf32, #tpu.memory_space<vmem>>)
      %mul3A_144 = arith.constant 32 : i32
      %mul3A_145 = arith.muli %mul3A_144, %add3A_135 : i32
      %add3A_146 = arith.addi %add3A, %mul3A_145 : i32
      %mul3A_147 = arith.constant 128 : i32
      %mul3A_148 = arith.muli %add3A_146, %mul3A_147 : i32
      %multiple_of3A_149 = tpu.assume_multiple %mul3A_148, 128 : i32
      "tpu.region"() ({
        %run_scoped3A_167 = tpu.sem_alloc : memref<!tpu.dma_semaphore, #tpu.memory_space<semaphore_mem>>
        %dma_start3A_168 = tpu.memref_slice %arg4[%multiple_of3A_149] : memref<320000xi32, #tpu.memory_space<hbm>> -> memref<128xi32, #tpu.memory_space<hbm>>
        %dma_start3A_169 = tpu.memref_slice %arg4[%multiple_of3A_149] : memref<320000xi32, #tpu.memory_space<hbm>> -> memref<128xi32, #tpu.memory_space<hbm>>
        tpu.enqueue_dma source(%dma_start3A_169 : memref<128xi32, #tpu.memory_space<hbm>>) target(%arg8 : memref<128xi32, #tpu.memory_space<vmem>>) target_semaphore(%run_scoped3A_167 : memref<!tpu.dma_semaphore, #tpu.memory_space<semaphore_mem>>)
        %dma_wait3A_170 = tpu.memref_slice %arg4[%multiple_of3A_149] : memref<320000xi32, #tpu.memory_space<hbm>> -> memref<128xi32, #tpu.memory_space<hbm>>
        %dma_wait3A_171 = tpu.memref_slice %arg4[%multiple_of3A_149] : memref<320000xi32, #tpu.memory_space<hbm>> -> memref<128xi32, #tpu.memory_space<hbm>>
        tpu.wait_dma2 semaphore(%run_scoped3A_167 : memref<!tpu.dma_semaphore, #tpu.memory_space<semaphore_mem>>) src(%dma_wait3A_171 : memref<128xi32, #tpu.memory_space<hbm>>) dst(%arg8 : memref<128xi32, #tpu.memory_space<vmem>>)
        tpu.yield
      }) : () -> ()
      %run_scoped3A_150 = arith.constant 1 : i32
      "tpu.region"() ({
        %run_scoped3A_167 = tpu.sem_alloc : memref<!tpu.dma_semaphore, #tpu.memory_space<semaphore_mem>>
        %dma_start3A_168 = arith.constant 0 : i32
        %dma_start3A_169 = arith.constant 0 : i32
        %dma_start3A_170 = tpu.memref_slice %arg9[%run_scoped3A_150, %dma_start3A_168, %dma_start3A_169] : memref<2x128x128xf32, #tpu.memory_space<vmem>> -> memref<1x128x128xf32, #tpu.memory_space<vmem>>
        %dma_start3A_171 = tpu.memref_squeeze %dma_start3A_170 : memref<1x128x128xf32, #tpu.memory_space<vmem>> -> memref<128x128xf32, #tpu.memory_space<vmem>>
        %dma_start3A_172 = arith.constant 0 : i32
        %dma_start3A_173 = arith.constant 0 : i32
        %dma_start3A_174 = tpu.memref_slice %arg10[%dma_start3A_172, %dma_start3A_173] : memref<10000x128xf32, #tpu.memory_space<vmem_shared>> -> memref<10000x128xf32, #tpu.memory_space<vmem_shared>>
        tpu.enqueue_indirect_dma source(%dma_start3A_171 : memref<128x128xf32, #tpu.memory_space<vmem>>) target(%dma_start3A_174 : memref<10000x128xf32, #tpu.memory_space<vmem_shared>>) offsets(%arg8 : memref<128xi32, #tpu.memory_space<vmem>>) semaphore(%run_scoped3A_167 : memref<!tpu.dma_semaphore, #tpu.memory_space<semaphore_mem>>) {add = true}
        %dma_wait3A_175 = arith.constant 0 : i32
        %dma_wait3A_176 = arith.constant 0 : i32
        %dma_wait3A_177 = tpu.memref_slice %arg9[%run_scoped3A_150, %dma_wait3A_175, %dma_wait3A_176] : memref<2x128x128xf32, #tpu.memory_space<vmem>> -> memref<1x128x128xf32, #tpu.memory_space<vmem>>
        %dma_wait3A_178 = tpu.memref_squeeze %dma_wait3A_177 : memref<1x128x128xf32, #tpu.memory_space<vmem>> -> memref<128x128xf32, #tpu.memory_space<vmem>>
        %dma_wait3A_179 = arith.constant 0 : i32
        %dma_wait3A_180 = arith.constant 0 : i32
        %dma_wait3A_181 = tpu.memref_slice %arg10[%dma_wait3A_179, %dma_wait3A_180] : memref<10000x128xf32, #tpu.memory_space<vmem_shared>> -> memref<10000x128xf32, #tpu.memory_space<vmem_shared>>
        tpu.wait_indirect_dma semaphore(%run_scoped3A_167 : memref<!tpu.dma_semaphore, #tpu.memory_space<semaphore_mem>>) src(%dma_wait3A_178 : memref<128x128xf32, #tpu.memory_space<vmem>>) dst(%dma_wait3A_181 : memref<10000x128xf32, #tpu.memory_space<vmem_shared>>)
        tpu.yield
      }) : () -> ()
      %add3A_151 = arith.constant 2 : i32
      %add3A_152 = arith.addi %add3A_135, %add3A_151 : i32
      %mul3A_153 = arith.constant 32 : i32
      %mul3A_154 = arith.muli %mul3A_153, %add3A_152 : i32
      %add3A_155 = arith.addi %add3A, %mul3A_154 : i32
      %mul3A_156 = arith.constant 128 : i32
      %mul3A_157 = arith.muli %add3A_155, %mul3A_156 : i32
      %multiple_of3A_158 = tpu.assume_multiple %mul3A_157, 128 : i32
      "tpu.region"() ({
        %run_scoped3A_167 = tpu.sem_alloc : memref<!tpu.dma_semaphore, #tpu.memory_space<semaphore_mem>>
        %dma_start3A_168 = tpu.memref_slice %arg3[%multiple_of3A_158] : memref<320000xi32, #tpu.memory_space<hbm>> -> memref<128xi32, #tpu.memory_space<hbm>>
        %dma_start3A_169 = tpu.memref_slice %arg3[%multiple_of3A_158] : memref<320000xi32, #tpu.memory_space<hbm>> -> memref<128xi32, #tpu.memory_space<hbm>>
        tpu.enqueue_dma source(%dma_start3A_169 : memref<128xi32, #tpu.memory_space<hbm>>) target(%arg7 : memref<128xi32, #tpu.memory_space<vmem>>) target_semaphore(%run_scoped3A_167 : memref<!tpu.dma_semaphore, #tpu.memory_space<semaphore_mem>>)
        %dma_wait3A_170 = tpu.memref_slice %arg3[%multiple_of3A_158] : memref<320000xi32, #tpu.memory_space<hbm>> -> memref<128xi32, #tpu.memory_space<hbm>>
        %dma_wait3A_171 = tpu.memref_slice %arg3[%multiple_of3A_158] : memref<320000xi32, #tpu.memory_space<hbm>> -> memref<128xi32, #tpu.memory_space<hbm>>
        tpu.wait_dma2 semaphore(%run_scoped3A_167 : memref<!tpu.dma_semaphore, #tpu.memory_space<semaphore_mem>>) src(%dma_wait3A_171 : memref<128xi32, #tpu.memory_space<hbm>>) dst(%arg7 : memref<128xi32, #tpu.memory_space<vmem>>)
        tpu.yield
      }) : () -> ()
      %dma_start3A_159 = arith.constant 1 : i32
      %dma_start3A_160 = arith.constant 0 : i32
      %dma_start3A_161 = arith.constant 0 : i32
      %dma_start3A_162 = tpu.memref_slice %arg9[%dma_start3A_159, %dma_start3A_160, %dma_start3A_161] : memref<2x128x128xf32, #tpu.memory_space<vmem>> -> memref<1x128x128xf32, #tpu.memory_space<vmem>>
      %dma_start3A_163 = tpu.memref_squeeze %dma_start3A_162 : memref<1x128x128xf32, #tpu.memory_space<vmem>> -> memref<128x128xf32, #tpu.memory_space<vmem>>
      %dma_start3A_164 = arith.constant 0 : i32
      %dma_start3A_165 = arith.constant 0 : i32
      %dma_start3A_166 = tpu.memref_slice %arg2[%dma_start3A_164, %dma_start3A_165] : memref<10000x128xf32, #tpu.memory_space<hbm>> -> memref<10000x128xf32, #tpu.memory_space<hbm>>
      tpu.enqueue_indirect_dma source(%dma_start3A_166 : memref<10000x128xf32, #tpu.memory_space<hbm>>) target(%dma_start3A_163 : memref<128x128xf32, #tpu.memory_space<vmem>>) offsets(%arg7 : memref<128xi32, #tpu.memory_space<vmem>>) semaphore(%arg12 : memref<!tpu.dma_semaphore, #tpu.memory_space<semaphore_mem>>)
    }
    %scan3A_53 = arith.constant 38 : i32
    %dma_wait3A = arith.constant 0 : i32
    %dma_wait3A_54 = arith.constant 0 : i32
    %dma_wait3A_55 = arith.constant 0 : i32
    %dma_wait3A_56 = tpu.memref_slice %arg9[%dma_wait3A, %dma_wait3A_54, %dma_wait3A_55] : memref<2x128x128xf32, #tpu.memory_space<vmem>> -> memref<1x128x128xf32, #tpu.memory_space<vmem>>
    %dma_wait3A_57 = tpu.memref_squeeze %dma_wait3A_56 : memref<1x128x128xf32, #tpu.memory_space<vmem>> -> memref<128x128xf32, #tpu.memory_space<vmem>>
    %dma_wait3A_58 = arith.constant 0 : i32
    %dma_wait3A_59 = arith.constant 0 : i32
    %dma_wait3A_60 = tpu.memref_slice %arg2[%dma_wait3A_58, %dma_wait3A_59] : memref<10000x128xf32, #tpu.memory_space<hbm>> -> memref<10000x128xf32, #tpu.memory_space<hbm>>
    tpu.wait_indirect_dma semaphore(%arg11 : memref<!tpu.dma_semaphore, #tpu.memory_space<semaphore_mem>>) src(%dma_wait3A_60 : memref<10000x128xf32, #tpu.memory_space<hbm>>) dst(%dma_wait3A_57 : memref<128x128xf32, #tpu.memory_space<vmem>>)
    %add3A_61 = arith.constant 2432 : i32
    %add3A_62 = arith.addi %add3A, %add3A_61 : i32
    %mul3A_63 = arith.constant 128 : i32
    %mul3A_64 = arith.muli %add3A_62, %mul3A_63 : i32
    %multiple_of3A_65 = tpu.assume_multiple %mul3A_64, 128 : i32
    "tpu.region"() ({
      %run_scoped3A_96 = tpu.sem_alloc : memref<!tpu.dma_semaphore, #tpu.memory_space<semaphore_mem>>
      %dma_start3A_97 = tpu.memref_slice %arg4[%multiple_of3A_65] : memref<320000xi32, #tpu.memory_space<hbm>> -> memref<128xi32, #tpu.memory_space<hbm>>
      %dma_start3A_98 = tpu.memref_slice %arg4[%multiple_of3A_65] : memref<320000xi32, #tpu.memory_space<hbm>> -> memref<128xi32, #tpu.memory_space<hbm>>
      tpu.enqueue_dma source(%dma_start3A_98 : memref<128xi32, #tpu.memory_space<hbm>>) target(%arg8 : memref<128xi32, #tpu.memory_space<vmem>>) target_semaphore(%run_scoped3A_96 : memref<!tpu.dma_semaphore, #tpu.memory_space<semaphore_mem>>)
      %dma_wait3A_99 = tpu.memref_slice %arg4[%multiple_of3A_65] : memref<320000xi32, #tpu.memory_space<hbm>> -> memref<128xi32, #tpu.memory_space<hbm>>
      %dma_wait3A_100 = tpu.memref_slice %arg4[%multiple_of3A_65] : memref<320000xi32, #tpu.memory_space<hbm>> -> memref<128xi32, #tpu.memory_space<hbm>>
      tpu.wait_dma2 semaphore(%run_scoped3A_96 : memref<!tpu.dma_semaphore, #tpu.memory_space<semaphore_mem>>) src(%dma_wait3A_100 : memref<128xi32, #tpu.memory_space<hbm>>) dst(%arg8 : memref<128xi32, #tpu.memory_space<vmem>>)
      tpu.yield
    }) : () -> ()
    %run_scoped3A_66 = arith.constant 0 : i32
    "tpu.region"() ({
      %run_scoped3A_96 = tpu.sem_alloc : memref<!tpu.dma_semaphore, #tpu.memory_space<semaphore_mem>>
      %dma_start3A_97 = arith.constant 0 : i32
      %dma_start3A_98 = arith.constant 0 : i32
      %dma_start3A_99 = tpu.memref_slice %arg9[%run_scoped3A_66, %dma_start3A_97, %dma_start3A_98] : memref<2x128x128xf32, #tpu.memory_space<vmem>> -> memref<1x128x128xf32, #tpu.memory_space<vmem>>
      %dma_start3A_100 = tpu.memref_squeeze %dma_start3A_99 : memref<1x128x128xf32, #tpu.memory_space<vmem>> -> memref<128x128xf32, #tpu.memory_space<vmem>>
      %dma_start3A_101 = arith.constant 0 : i32
      %dma_start3A_102 = arith.constant 0 : i32
      %dma_start3A_103 = tpu.memref_slice %arg10[%dma_start3A_101, %dma_start3A_102] : memref<10000x128xf32, #tpu.memory_space<vmem_shared>> -> memref<10000x128xf32, #tpu.memory_space<vmem_shared>>
      tpu.enqueue_indirect_dma source(%dma_start3A_100 : memref<128x128xf32, #tpu.memory_space<vmem>>) target(%dma_start3A_103 : memref<10000x128xf32, #tpu.memory_space<vmem_shared>>) offsets(%arg8 : memref<128xi32, #tpu.memory_space<vmem>>) semaphore(%run_scoped3A_96 : memref<!tpu.dma_semaphore, #tpu.memory_space<semaphore_mem>>) {add = true}
      %dma_wait3A_104 = arith.constant 0 : i32
      %dma_wait3A_105 = arith.constant 0 : i32
      %dma_wait3A_106 = tpu.memref_slice %arg9[%run_scoped3A_66, %dma_wait3A_104, %dma_wait3A_105] : memref<2x128x128xf32, #tpu.memory_space<vmem>> -> memref<1x128x128xf32, #tpu.memory_space<vmem>>
      %dma_wait3A_107 = tpu.memref_squeeze %dma_wait3A_106 : memref<1x128x128xf32, #tpu.memory_space<vmem>> -> memref<128x128xf32, #tpu.memory_space<vmem>>
      %dma_wait3A_108 = arith.constant 0 : i32
      %dma_wait3A_109 = arith.constant 0 : i32
      %dma_wait3A_110 = tpu.memref_slice %arg10[%dma_wait3A_108, %dma_wait3A_109] : memref<10000x128xf32, #tpu.memory_space<vmem_shared>> -> memref<10000x128xf32, #tpu.memory_space<vmem_shared>>
      tpu.wait_indirect_dma semaphore(%run_scoped3A_96 : memref<!tpu.dma_semaphore, #tpu.memory_space<semaphore_mem>>) src(%dma_wait3A_107 : memref<128x128xf32, #tpu.memory_space<vmem>>) dst(%dma_wait3A_110 : memref<10000x128xf32, #tpu.memory_space<vmem_shared>>)
      tpu.yield
    }) : () -> ()
    %lt3A = arith.constant 4 : i32
    %lt3A_67 = arith.cmpi slt, %add3A, %lt3A : i32
    %convert_element_type3A_68 = arith.extui %lt3A_67 : i1 to i32
    %cond3A_69 = arith.constant 0 : i32
    %cond3A_70 = arith.cmpi ne, %convert_element_type3A_68, %cond3A_69 : i32
    scf.if %cond3A_70 {
      %add3A_96 = arith.constant 2496 : i32
      %add3A_97 = arith.addi %add3A, %add3A_96 : i32
      %mul3A_98 = arith.constant 128 : i32
      %mul3A_99 = arith.muli %add3A_97, %mul3A_98 : i32
      %multiple_of3A_100 = tpu.assume_multiple %mul3A_99, 128 : i32
      "tpu.region"() ({
        %run_scoped3A_109 = tpu.sem_alloc : memref<!tpu.dma_semaphore, #tpu.memory_space<semaphore_mem>>
        %dma_start3A_110 = tpu.memref_slice %arg3[%multiple_of3A_100] : memref<320000xi32, #tpu.memory_space<hbm>> -> memref<128xi32, #tpu.memory_space<hbm>>
        %dma_start3A_111 = tpu.memref_slice %arg3[%multiple_of3A_100] : memref<320000xi32, #tpu.memory_space<hbm>> -> memref<128xi32, #tpu.memory_space<hbm>>
        tpu.enqueue_dma source(%dma_start3A_111 : memref<128xi32, #tpu.memory_space<hbm>>) target(%arg6 : memref<128xi32, #tpu.memory_space<vmem>>) target_semaphore(%run_scoped3A_109 : memref<!tpu.dma_semaphore, #tpu.memory_space<semaphore_mem>>)
        %dma_wait3A_112 = tpu.memref_slice %arg3[%multiple_of3A_100] : memref<320000xi32, #tpu.memory_space<hbm>> -> memref<128xi32, #tpu.memory_space<hbm>>
        %dma_wait3A_113 = tpu.memref_slice %arg3[%multiple_of3A_100] : memref<320000xi32, #tpu.memory_space<hbm>> -> memref<128xi32, #tpu.memory_space<hbm>>
        tpu.wait_dma2 semaphore(%run_scoped3A_109 : memref<!tpu.dma_semaphore, #tpu.memory_space<semaphore_mem>>) src(%dma_wait3A_113 : memref<128xi32, #tpu.memory_space<hbm>>) dst(%arg6 : memref<128xi32, #tpu.memory_space<vmem>>)
        tpu.yield
      }) : () -> ()
      %dma_start3A_101 = arith.constant 0 : i32
      %dma_start3A_102 = arith.constant 0 : i32
      %dma_start3A_103 = arith.constant 0 : i32
      %dma_start3A_104 = tpu.memref_slice %arg9[%dma_start3A_101, %dma_start3A_102, %dma_start3A_103] : memref<2x128x128xf32, #tpu.memory_space<vmem>> -> memref<1x128x128xf32, #tpu.memory_space<vmem>>
      %dma_start3A_105 = tpu.memref_squeeze %dma_start3A_104 : memref<1x128x128xf32, #tpu.memory_space<vmem>> -> memref<128x128xf32, #tpu.memory_space<vmem>>
      %dma_start3A_106 = arith.constant 0 : i32
      %dma_start3A_107 = arith.constant 0 : i32
      %dma_start3A_108 = tpu.memref_slice %arg2[%dma_start3A_106, %dma_start3A_107] : memref<10000x128xf32, #tpu.memory_space<hbm>> -> memref<10000x128xf32, #tpu.memory_space<hbm>>
      tpu.enqueue_indirect_dma source(%dma_start3A_108 : memref<10000x128xf32, #tpu.memory_space<hbm>>) target(%dma_start3A_105 : memref<128x128xf32, #tpu.memory_space<vmem>>) offsets(%arg6 : memref<128xi32, #tpu.memory_space<vmem>>) semaphore(%arg11 : memref<!tpu.dma_semaphore, #tpu.memory_space<semaphore_mem>>)
    } else {
    }
    %dma_wait3A_71 = arith.constant 1 : i32
    %dma_wait3A_72 = arith.constant 0 : i32
    %dma_wait3A_73 = arith.constant 0 : i32
    %dma_wait3A_74 = tpu.memref_slice %arg9[%dma_wait3A_71, %dma_wait3A_72, %dma_wait3A_73] : memref<2x128x128xf32, #tpu.memory_space<vmem>> -> memref<1x128x128xf32, #tpu.memory_space<vmem>>
    %dma_wait3A_75 = tpu.memref_squeeze %dma_wait3A_74 : memref<1x128x128xf32, #tpu.memory_space<vmem>> -> memref<128x128xf32, #tpu.memory_space<vmem>>
    %dma_wait3A_76 = arith.constant 0 : i32
    %dma_wait3A_77 = arith.constant 0 : i32
    %dma_wait3A_78 = tpu.memref_slice %arg2[%dma_wait3A_76, %dma_wait3A_77] : memref<10000x128xf32, #tpu.memory_space<hbm>> -> memref<10000x128xf32, #tpu.memory_space<hbm>>
    tpu.wait_indirect_dma semaphore(%arg12 : memref<!tpu.dma_semaphore, #tpu.memory_space<semaphore_mem>>) src(%dma_wait3A_78 : memref<10000x128xf32, #tpu.memory_space<hbm>>) dst(%dma_wait3A_75 : memref<128x128xf32, #tpu.memory_space<vmem>>)
    %add3A_79 = arith.constant 2464 : i32
    %add3A_80 = arith.addi %add3A, %add3A_79 : i32
    %mul3A_81 = arith.constant 128 : i32
    %mul3A_82 = arith.muli %add3A_80, %mul3A_81 : i32
    %multiple_of3A_83 = tpu.assume_multiple %mul3A_82, 128 : i32
    "tpu.region"() ({
      %run_scoped3A_96 = tpu.sem_alloc : memref<!tpu.dma_semaphore, #tpu.memory_space<semaphore_mem>>
      %dma_start3A_97 = tpu.memref_slice %arg4[%multiple_of3A_83] : memref<320000xi32, #tpu.memory_space<hbm>> -> memref<128xi32, #tpu.memory_space<hbm>>
      %dma_start3A_98 = tpu.memref_slice %arg4[%multiple_of3A_83] : memref<320000xi32, #tpu.memory_space<hbm>> -> memref<128xi32, #tpu.memory_space<hbm>>
      tpu.enqueue_dma source(%dma_start3A_98 : memref<128xi32, #tpu.memory_space<hbm>>) target(%arg8 : memref<128xi32, #tpu.memory_space<vmem>>) target_semaphore(%run_scoped3A_96 : memref<!tpu.dma_semaphore, #tpu.memory_space<semaphore_mem>>)
      %dma_wait3A_99 = tpu.memref_slice %arg4[%multiple_of3A_83] : memref<320000xi32, #tpu.memory_space<hbm>> -> memref<128xi32, #tpu.memory_space<hbm>>
      %dma_wait3A_100 = tpu.memref_slice %arg4[%multiple_of3A_83] : memref<320000xi32, #tpu.memory_space<hbm>> -> memref<128xi32, #tpu.memory_space<hbm>>
      tpu.wait_dma2 semaphore(%run_scoped3A_96 : memref<!tpu.dma_semaphore, #tpu.memory_space<semaphore_mem>>) src(%dma_wait3A_100 : memref<128xi32, #tpu.memory_space<hbm>>) dst(%arg8 : memref<128xi32, #tpu.memory_space<vmem>>)
      tpu.yield
    }) : () -> ()
    %run_scoped3A_84 = arith.constant 1 : i32
    "tpu.region"() ({
      %run_scoped3A_96 = tpu.sem_alloc : memref<!tpu.dma_semaphore, #tpu.memory_space<semaphore_mem>>
      %dma_start3A_97 = arith.constant 0 : i32
      %dma_start3A_98 = arith.constant 0 : i32
      %dma_start3A_99 = tpu.memref_slice %arg9[%run_scoped3A_84, %dma_start3A_97, %dma_start3A_98] : memref<2x128x128xf32, #tpu.memory_space<vmem>> -> memref<1x128x128xf32, #tpu.memory_space<vmem>>
      %dma_start3A_100 = tpu.memref_squeeze %dma_start3A_99 : memref<1x128x128xf32, #tpu.memory_space<vmem>> -> memref<128x128xf32, #tpu.memory_space<vmem>>
      %dma_start3A_101 = arith.constant 0 : i32
      %dma_start3A_102 = arith.constant 0 : i32
      %dma_start3A_103 = tpu.memref_slice %arg10[%dma_start3A_101, %dma_start3A_102] : memref<10000x128xf32, #tpu.memory_space<vmem_shared>> -> memref<10000x128xf32, #tpu.memory_space<vmem_shared>>
      tpu.enqueue_indirect_dma source(%dma_start3A_100 : memref<128x128xf32, #tpu.memory_space<vmem>>) target(%dma_start3A_103 : memref<10000x128xf32, #tpu.memory_space<vmem_shared>>) offsets(%arg8 : memref<128xi32, #tpu.memory_space<vmem>>) semaphore(%run_scoped3A_96 : memref<!tpu.dma_semaphore, #tpu.memory_space<semaphore_mem>>) {add = true}
      %dma_wait3A_104 = arith.constant 0 : i32
      %dma_wait3A_105 = arith.constant 0 : i32
      %dma_wait3A_106 = tpu.memref_slice %arg9[%run_scoped3A_84, %dma_wait3A_104, %dma_wait3A_105] : memref<2x128x128xf32, #tpu.memory_space<vmem>> -> memref<1x128x128xf32, #tpu.memory_space<vmem>>
      %dma_wait3A_107 = tpu.memref_squeeze %dma_wait3A_106 : memref<1x128x128xf32, #tpu.memory_space<vmem>> -> memref<128x128xf32, #tpu.memory_space<vmem>>
      %dma_wait3A_108 = arith.constant 0 : i32
      %dma_wait3A_109 = arith.constant 0 : i32
      %dma_wait3A_110 = tpu.memref_slice %arg10[%dma_wait3A_108, %dma_wait3A_109] : memref<10000x128xf32, #tpu.memory_space<vmem_shared>> -> memref<10000x128xf32, #tpu.memory_space<vmem_shared>>
      tpu.wait_indirect_dma semaphore(%run_scoped3A_96 : memref<!tpu.dma_semaphore, #tpu.memory_space<semaphore_mem>>) src(%dma_wait3A_107 : memref<128x128xf32, #tpu.memory_space<vmem>>) dst(%dma_wait3A_110 : memref<10000x128xf32, #tpu.memory_space<vmem_shared>>)
      tpu.yield
    }) : () -> ()
    %lt3A_85 = arith.constant 4 : i32
    %lt3A_86 = arith.cmpi slt, %add3A, %lt3A_85 : i32
    %convert_element_type3A_87 = arith.extui %lt3A_86 : i1 to i32
    %cond3A_88 = arith.constant 0 : i32
    %cond3A_89 = arith.cmpi ne, %convert_element_type3A_87, %cond3A_88 : i32
    scf.if %cond3A_89 {
      %dma_wait3A_96 = arith.constant 0 : i32
      %dma_wait3A_97 = arith.constant 0 : i32
      %dma_wait3A_98 = arith.constant 0 : i32
      %dma_wait3A_99 = tpu.memref_slice %arg9[%dma_wait3A_96, %dma_wait3A_97, %dma_wait3A_98] : memref<2x128x128xf32, #tpu.memory_space<vmem>> -> memref<1x128x128xf32, #tpu.memory_space<vmem>>
      %dma_wait3A_100 = tpu.memref_squeeze %dma_wait3A_99 : memref<1x128x128xf32, #tpu.memory_space<vmem>> -> memref<128x128xf32, #tpu.memory_space<vmem>>
      %dma_wait3A_101 = arith.constant 0 : i32
      %dma_wait3A_102 = arith.constant 0 : i32
      %dma_wait3A_103 = tpu.memref_slice %arg2[%dma_wait3A_101, %dma_wait3A_102] : memref<10000x128xf32, #tpu.memory_space<hbm>> -> memref<10000x128xf32, #tpu.memory_space<hbm>>
      tpu.wait_indirect_dma semaphore(%arg11 : memref<!tpu.dma_semaphore, #tpu.memory_space<semaphore_mem>>) src(%dma_wait3A_103 : memref<10000x128xf32, #tpu.memory_space<hbm>>) dst(%dma_wait3A_100 : memref<128x128xf32, #tpu.memory_space<vmem>>)
      %add3A_104 = arith.constant 2496 : i32
      %add3A_105 = arith.addi %add3A, %add3A_104 : i32
      %mul3A_106 = arith.constant 128 : i32
      %mul3A_107 = arith.muli %add3A_105, %mul3A_106 : i32
      %multiple_of3A_108 = tpu.assume_multiple %mul3A_107, 128 : i32
      "tpu.region"() ({
        %run_scoped3A_110 = tpu.sem_alloc : memref<!tpu.dma_semaphore, #tpu.memory_space<semaphore_mem>>
        %dma_start3A_111 = tpu.memref_slice %arg4[%multiple_of3A_108] : memref<320000xi32, #tpu.memory_space<hbm>> -> memref<128xi32, #tpu.memory_space<hbm>>
        %dma_start3A_112 = tpu.memref_slice %arg4[%multiple_of3A_108] : memref<320000xi32, #tpu.memory_space<hbm>> -> memref<128xi32, #tpu.memory_space<hbm>>
        tpu.enqueue_dma source(%dma_start3A_112 : memref<128xi32, #tpu.memory_space<hbm>>) target(%arg8 : memref<128xi32, #tpu.memory_space<vmem>>) target_semaphore(%run_scoped3A_110 : memref<!tpu.dma_semaphore, #tpu.memory_space<semaphore_mem>>)
        %dma_wait3A_113 = tpu.memref_slice %arg4[%multiple_of3A_108] : memref<320000xi32, #tpu.memory_space<hbm>> -> memref<128xi32, #tpu.memory_space<hbm>>
        %dma_wait3A_114 = tpu.memref_slice %arg4[%multiple_of3A_108] : memref<320000xi32, #tpu.memory_space<hbm>> -> memref<128xi32, #tpu.memory_space<hbm>>
        tpu.wait_dma2 semaphore(%run_scoped3A_110 : memref<!tpu.dma_semaphore, #tpu.memory_space<semaphore_mem>>) src(%dma_wait3A_114 : memref<128xi32, #tpu.memory_space<hbm>>) dst(%arg8 : memref<128xi32, #tpu.memory_space<vmem>>)
        tpu.yield
      }) : () -> ()
      %run_scoped3A_109 = arith.constant 0 : i32
      "tpu.region"() ({
        %run_scoped3A_110 = tpu.sem_alloc : memref<!tpu.dma_semaphore, #tpu.memory_space<semaphore_mem>>
        %dma_start3A_111 = arith.constant 0 : i32
        %dma_start3A_112 = arith.constant 0 : i32
        %dma_start3A_113 = tpu.memref_slice %arg9[%run_scoped3A_109, %dma_start3A_111, %dma_start3A_112] : memref<2x128x128xf32, #tpu.memory_space<vmem>> -> memref<1x128x128xf32, #tpu.memory_space<vmem>>
        %dma_start3A_114 = tpu.memref_squeeze %dma_start3A_113 : memref<1x128x128xf32, #tpu.memory_space<vmem>> -> memref<128x128xf32, #tpu.memory_space<vmem>>
        %dma_start3A_115 = arith.constant 0 : i32
        %dma_start3A_116 = arith.constant 0 : i32
        %dma_start3A_117 = tpu.memref_slice %arg10[%dma_start3A_115, %dma_start3A_116] : memref<10000x128xf32, #tpu.memory_space<vmem_shared>> -> memref<10000x128xf32, #tpu.memory_space<vmem_shared>>
        tpu.enqueue_indirect_dma source(%dma_start3A_114 : memref<128x128xf32, #tpu.memory_space<vmem>>) target(%dma_start3A_117 : memref<10000x128xf32, #tpu.memory_space<vmem_shared>>) offsets(%arg8 : memref<128xi32, #tpu.memory_space<vmem>>) semaphore(%run_scoped3A_110 : memref<!tpu.dma_semaphore, #tpu.memory_space<semaphore_mem>>) {add = true}
        %dma_wait3A_118 = arith.constant 0 : i32
        %dma_wait3A_119 = arith.constant 0 : i32
        %dma_wait3A_120 = tpu.memref_slice %arg9[%run_scoped3A_109, %dma_wait3A_118, %dma_wait3A_119] : memref<2x128x128xf32, #tpu.memory_space<vmem>> -> memref<1x128x128xf32, #tpu.memory_space<vmem>>
        %dma_wait3A_121 = tpu.memref_squeeze %dma_wait3A_120 : memref<1x128x128xf32, #tpu.memory_space<vmem>> -> memref<128x128xf32, #tpu.memory_space<vmem>>
        %dma_wait3A_122 = arith.constant 0 : i32
        %dma_wait3A_123 = arith.constant 0 : i32
        %dma_wait3A_124 = tpu.memref_slice %arg10[%dma_wait3A_122, %dma_wait3A_123] : memref<10000x128xf32, #tpu.memory_space<vmem_shared>> -> memref<10000x128xf32, #tpu.memory_space<vmem_shared>>
        tpu.wait_indirect_dma semaphore(%run_scoped3A_110 : memref<!tpu.dma_semaphore, #tpu.memory_space<semaphore_mem>>) src(%dma_wait3A_121 : memref<128x128xf32, #tpu.memory_space<vmem>>) dst(%dma_wait3A_124 : memref<10000x128xf32, #tpu.memory_space<vmem_shared>>)
        tpu.yield
      }) : () -> ()
    } else {
    }
    %barrier3A_90 = arith.constant 0 : index
    tpu.barrier barrier_id(%barrier3A_90)
    "tpu.region"() ({
      %run_scoped3A_96 = tpu.sem_alloc : memref<!tpu.dma_semaphore, #tpu.memory_space<semaphore_mem>>
      %dma_start3A_97 = arith.constant 0 : i32
      %dma_start3A_98 = tpu.memref_slice %arg5[%arg0, %multiple_of3A, %dma_start3A_97] : memref<2x10000x128xf32, #tpu.memory_space<hbm>> -> memref<1x624x128xf32, #tpu.memory_space<hbm>>
      %dma_start3A_99 = tpu.memref_squeeze %dma_start3A_98 : memref<1x624x128xf32, #tpu.memory_space<hbm>> -> memref<624x128xf32, #tpu.memory_space<hbm>>
      %dma_start3A_100 = arith.constant 0 : i32
      %dma_start3A_101 = tpu.memref_slice %arg10[%multiple_of3A, %dma_start3A_100] : memref<10000x128xf32, #tpu.memory_space<vmem_shared>> -> memref<624x128xf32, #tpu.memory_space<vmem_shared>>
      tpu.enqueue_dma source(%dma_start3A_101 : memref<624x128xf32, #tpu.memory_space<vmem_shared>>) target(%dma_start3A_99 : memref<624x128xf32, #tpu.memory_space<hbm>>) target_semaphore(%run_scoped3A_96 : memref<!tpu.dma_semaphore, #tpu.memory_space<semaphore_mem>>)
      %dma_wait3A_102 = arith.constant 0 : i32
      %dma_wait3A_103 = tpu.memref_slice %arg5[%arg0, %multiple_of3A, %dma_wait3A_102] : memref<2x10000x128xf32, #tpu.memory_space<hbm>> -> memref<1x624x128xf32, #tpu.memory_space<hbm>>
      %dma_wait3A_104 = tpu.memref_squeeze %dma_wait3A_103 : memref<1x624x128xf32, #tpu.memory_space<hbm>> -> memref<624x128xf32, #tpu.memory_space<hbm>>
      %dma_wait3A_105 = arith.constant 0 : i32
      %dma_wait3A_106 = tpu.memref_slice %arg10[%multiple_of3A, %dma_wait3A_105] : memref<10000x128xf32, #tpu.memory_space<vmem_shared>> -> memref<624x128xf32, #tpu.memory_space<vmem_shared>>
      tpu.wait_dma2 semaphore(%run_scoped3A_96 : memref<!tpu.dma_semaphore, #tpu.memory_space<semaphore_mem>>) src(%dma_wait3A_106 : memref<624x128xf32, #tpu.memory_space<vmem_shared>>) dst(%dma_wait3A_104 : memref<624x128xf32, #tpu.memory_space<hbm>>)
      tpu.yield
    }) : () -> ()
    %eq3A_91 = arith.constant 15 : i32
    %eq3A_92 = arith.cmpi eq, %arg1, %eq3A_91 : i32
    %convert_element_type3A_93 = arith.extui %eq3A_92 : i1 to i32
    %cond3A_94 = arith.constant 0 : i32
    %cond3A_95 = arith.cmpi ne, %convert_element_type3A_93, %cond3A_94 : i32
    scf.if %cond3A_95 {
      "tpu.region"() ({
        %run_scoped3A_96 = tpu.sem_alloc : memref<!tpu.dma_semaphore, #tpu.memory_space<semaphore_mem>>
        %dma_start3A_97 = arith.constant 9984 : i32
        %dma_start3A_98 = arith.constant 0 : i32
        %dma_start3A_99 = tpu.memref_slice %arg5[%arg0, %dma_start3A_97, %dma_start3A_98] : memref<2x10000x128xf32, #tpu.memory_space<hbm>> -> memref<1x16x128xf32, #tpu.memory_space<hbm>>
        %dma_start3A_100 = tpu.memref_squeeze %dma_start3A_99 : memref<1x16x128xf32, #tpu.memory_space<hbm>> -> memref<16x128xf32, #tpu.memory_space<hbm>>
        %dma_start3A_101 = arith.constant 9984 : i32
        %dma_start3A_102 = arith.constant 0 : i32
        %dma_start3A_103 = tpu.memref_slice %arg10[%dma_start3A_101, %dma_start3A_102] : memref<10000x128xf32, #tpu.memory_space<vmem_shared>> -> memref<16x128xf32, #tpu.memory_space<vmem_shared>>
        tpu.enqueue_dma source(%dma_start3A_103 : memref<16x128xf32, #tpu.memory_space<vmem_shared>>) target(%dma_start3A_100 : memref<16x128xf32, #tpu.memory_space<hbm>>) target_semaphore(%run_scoped3A_96 : memref<!tpu.dma_semaphore, #tpu.memory_space<semaphore_mem>>)
        %dma_wait3A_104 = arith.constant 9984 : i32
        %dma_wait3A_105 = arith.constant 0 : i32
        %dma_wait3A_106 = tpu.memref_slice %arg5[%arg0, %dma_wait3A_104, %dma_wait3A_105] : memref<2x10000x128xf32, #tpu.memory_space<hbm>> -> memref<1x16x128xf32, #tpu.memory_space<hbm>>
        %dma_wait3A_107 = tpu.memref_squeeze %dma_wait3A_106 : memref<1x16x128xf32, #tpu.memory_space<hbm>> -> memref<16x128xf32, #tpu.memory_space<hbm>>
        %dma_wait3A_108 = arith.constant 9984 : i32
        %dma_wait3A_109 = arith.constant 0 : i32
        %dma_wait3A_110 = tpu.memref_slice %arg10[%dma_wait3A_108, %dma_wait3A_109] : memref<10000x128xf32, #tpu.memory_space<vmem_shared>> -> memref<16x128xf32, #tpu.memory_space<vmem_shared>>
        tpu.wait_dma2 semaphore(%run_scoped3A_96 : memref<!tpu.dma_semaphore, #tpu.memory_space<semaphore_mem>>) src(%dma_wait3A_110 : memref<16x128xf32, #tpu.memory_space<vmem_shared>>) dst(%dma_wait3A_107 : memref<16x128xf32, #tpu.memory_space<hbm>>)
        tpu.yield
      }) : () -> ()
    } else {
    }
    return
  }
}

#map = affine_map<(d0, d1) -> (0)>
#map1 = affine_map<(d0, d1) -> (0, 0, 0)>
module attributes {stable_mosaic.version = 14 : i64} {
  func.func @_deg_body(%arg0: i32, %arg1: i32, %arg2: memref<320000xi32, #tpu.memory_space<hbm>>, %arg3: memref<2x10000x16xf32, #tpu.memory_space<hbm>>, %arg4: memref<128xi32, #tpu.memory_space<vmem>>, %arg5: memref<128x16xf32, #tpu.memory_space<vmem>>, %arg6: memref<208x16xf32, #tpu.memory_space<vmem>>, %arg7: memref<10000x16xf32, #tpu.memory_space<vmem_shared>>) attributes {dimension_semantics = [#tpu.dimension_semantics<core_parallel>, #tpu.dimension_semantics<subcore_parallel>], iteration_bounds = array<i64: 2, 16>, scalar_prefetch = 0 : i64, scratch_operands = 4 : i64, tpu.core_type = #tpu.core_type<sc_vector_subcore>, window_params = [{transform_indices = #map}, {transform_indices = #map1}]} {
    %mul3A = arith.constant 2 : i32
    %mul3A_0 = arith.muli %arg1, %mul3A : i32
    %add3A = arith.addi %mul3A_0, %arg0 : i32
    %scan3A = arith.constant 0 : i32
    %scan3A_1 = arith.constant 128 : i32
    %scan3A_2 = arith.addi %scan3A, %scan3A_1 : i32
    %scan3A_3 = arith.constant 1 : i32
    scf.for %scan3A_41 = %scan3A to %scan3A_2 step %scan3A_3  : i32 {
      %mul3A_42 = arith.constant 1 : i32
      %mul3A_43 = arith.muli %scan3A_41, %mul3A_42 : i32
      %add3A_44 = arith.constant 0 : i32
      %add3A_45 = arith.addi %add3A_44, %mul3A_43 : i32
      %broadcast_in_dim3A = arith.constant 1.000000e+00 : f32
      %broadcast_in_dim3A_46 = vector.broadcast %broadcast_in_dim3A : f32 to vector<16xf32>
      %swap3A = arith.index_cast %add3A_45 : i32 to index
      %swap3A_47 = arith.constant 0 : index
      %swap3A_48 = tpu.vector_load %arg5[%swap3A, %swap3A_47] {strides = array<i32>} : memref<128x16xf32, #tpu.memory_space<vmem>>, vector<1x16xf32>,
      %swap3A_49 = vector.shape_cast %swap3A_48 : vector<1x16xf32> to vector<16xf32>
      %swap3A_50 = vector.shape_cast %broadcast_in_dim3A_46 : vector<16xf32> to vector<1x16xf32>
      tpu.vector_store %arg5[%swap3A, %swap3A_47], %swap3A_50 {strides = array<i32>} : memref<128x16xf32, #tpu.memory_space<vmem>>, vector<1x16xf32>,
    }
    %scan3A_4 = arith.constant 128 : i32
    %scan3A_5 = arith.constant 0 : i32
    %scan3A_6 = arith.constant 208 : i32
    %scan3A_7 = arith.addi %scan3A_5, %scan3A_6 : i32
    %scan3A_8 = arith.constant 1 : i32
    scf.for %scan3A_41 = %scan3A_5 to %scan3A_7 step %scan3A_8  : i32 {
      %mul3A_42 = arith.constant 1 : i32
      %mul3A_43 = arith.muli %scan3A_41, %mul3A_42 : i32
      %add3A_44 = arith.constant 0 : i32
      %add3A_45 = arith.addi %add3A_44, %mul3A_43 : i32
      %broadcast_in_dim3A = arith.constant 0.000000e+00 : f32
      %broadcast_in_dim3A_46 = vector.broadcast %broadcast_in_dim3A : f32 to vector<16xf32>
      %swap3A = arith.index_cast %add3A_45 : i32 to index
      %swap3A_47 = arith.constant 0 : index
      %swap3A_48 = tpu.vector_load %arg6[%swap3A, %swap3A_47] {strides = array<i32>} : memref<208x16xf32, #tpu.memory_space<vmem>>, vector<1x16xf32>,
      %swap3A_49 = vector.shape_cast %swap3A_48 : vector<1x16xf32> to vector<16xf32>
      %swap3A_50 = vector.shape_cast %broadcast_in_dim3A_46 : vector<16xf32> to vector<1x16xf32>
      tpu.vector_store %arg6[%swap3A, %swap3A_47], %swap3A_50 {strides = array<i32>} : memref<208x16xf32, #tpu.memory_space<vmem>>, vector<1x16xf32>,
    }
    %scan3A_9 = arith.constant 208 : i32
    %mul3A_10 = arith.constant 624 : i32
    %mul3A_11 = arith.muli %arg1, %mul3A_10 : i32
    %multiple_of3A = tpu.assume_multiple %mul3A_11, 8 : i32
    %add3A_12 = arith.constant 0 : i32
    %add3A_13 = arith.addi %multiple_of3A, %add3A_12 : i32
    "tpu.region"() ({
      %run_scoped3A = tpu.sem_alloc : memref<!tpu.dma_semaphore, #tpu.memory_space<semaphore_mem>>
      %dma_start3A = arith.constant 0 : i32
      %dma_start3A_41 = tpu.memref_slice %arg7[%add3A_13, %dma_start3A] : memref<10000x16xf32, #tpu.memory_space<vmem_shared>> -> memref<208x16xf32, #tpu.memory_space<vmem_shared>>
      %dma_start3A_42 = arith.constant 0 : i32
      %dma_start3A_43 = tpu.memref_slice %arg7[%add3A_13, %dma_start3A_42] : memref<10000x16xf32, #tpu.memory_space<vmem_shared>> -> memref<208x16xf32, #tpu.memory_space<vmem_shared>>
      tpu.enqueue_dma source(%arg6 : memref<208x16xf32, #tpu.memory_space<vmem>>) target(%dma_start3A_43 : memref<208x16xf32, #tpu.memory_space<vmem_shared>>) target_semaphore(%run_scoped3A : memref<!tpu.dma_semaphore, #tpu.memory_space<semaphore_mem>>)
      %dma_wait3A = arith.constant 0 : i32
      %dma_wait3A_44 = tpu.memref_slice %arg7[%add3A_13, %dma_wait3A] : memref<10000x16xf32, #tpu.memory_space<vmem_shared>> -> memref<208x16xf32, #tpu.memory_space<vmem_shared>>
      %dma_wait3A_45 = arith.constant 0 : i32
      %dma_wait3A_46 = tpu.memref_slice %arg7[%add3A_13, %dma_wait3A_45] : memref<10000x16xf32, #tpu.memory_space<vmem_shared>> -> memref<208x16xf32, #tpu.memory_space<vmem_shared>>
      tpu.wait_dma2 semaphore(%run_scoped3A : memref<!tpu.dma_semaphore, #tpu.memory_space<semaphore_mem>>) src(%arg6 : memref<208x16xf32, #tpu.memory_space<vmem>>) dst(%dma_wait3A_46 : memref<208x16xf32, #tpu.memory_space<vmem_shared>>)
      tpu.yield
    }) : () -> ()
    %add3A_14 = arith.constant 208 : i32
    %add3A_15 = arith.addi %multiple_of3A, %add3A_14 : i32
    "tpu.region"() ({
      %run_scoped3A = tpu.sem_alloc : memref<!tpu.dma_semaphore, #tpu.memory_space<semaphore_mem>>
      %dma_start3A = arith.constant 0 : i32
      %dma_start3A_41 = tpu.memref_slice %arg7[%add3A_15, %dma_start3A] : memref<10000x16xf32, #tpu.memory_space<vmem_shared>> -> memref<208x16xf32, #tpu.memory_space<vmem_shared>>
      %dma_start3A_42 = arith.constant 0 : i32
      %dma_start3A_43 = tpu.memref_slice %arg7[%add3A_15, %dma_start3A_42] : memref<10000x16xf32, #tpu.memory_space<vmem_shared>> -> memref<208x16xf32, #tpu.memory_space<vmem_shared>>
      tpu.enqueue_dma source(%arg6 : memref<208x16xf32, #tpu.memory_space<vmem>>) target(%dma_start3A_43 : memref<208x16xf32, #tpu.memory_space<vmem_shared>>) target_semaphore(%run_scoped3A : memref<!tpu.dma_semaphore, #tpu.memory_space<semaphore_mem>>)
      %dma_wait3A = arith.constant 0 : i32
      %dma_wait3A_44 = tpu.memref_slice %arg7[%add3A_15, %dma_wait3A] : memref<10000x16xf32, #tpu.memory_space<vmem_shared>> -> memref<208x16xf32, #tpu.memory_space<vmem_shared>>
      %dma_wait3A_45 = arith.constant 0 : i32
      %dma_wait3A_46 = tpu.memref_slice %arg7[%add3A_15, %dma_wait3A_45] : memref<10000x16xf32, #tpu.memory_space<vmem_shared>> -> memref<208x16xf32, #tpu.memory_space<vmem_shared>>
      tpu.wait_dma2 semaphore(%run_scoped3A : memref<!tpu.dma_semaphore, #tpu.memory_space<semaphore_mem>>) src(%arg6 : memref<208x16xf32, #tpu.memory_space<vmem>>) dst(%dma_wait3A_46 : memref<208x16xf32, #tpu.memory_space<vmem_shared>>)
      tpu.yield
    }) : () -> ()
    %add3A_16 = arith.constant 416 : i32
    %add3A_17 = arith.addi %multiple_of3A, %add3A_16 : i32
    "tpu.region"() ({
      %run_scoped3A = tpu.sem_alloc : memref<!tpu.dma_semaphore, #tpu.memory_space<semaphore_mem>>
      %dma_start3A = arith.constant 0 : i32
      %dma_start3A_41 = tpu.memref_slice %arg7[%add3A_17, %dma_start3A] : memref<10000x16xf32, #tpu.memory_space<vmem_shared>> -> memref<208x16xf32, #tpu.memory_space<vmem_shared>>
      %dma_start3A_42 = arith.constant 0 : i32
      %dma_start3A_43 = tpu.memref_slice %arg7[%add3A_17, %dma_start3A_42] : memref<10000x16xf32, #tpu.memory_space<vmem_shared>> -> memref<208x16xf32, #tpu.memory_space<vmem_shared>>
      tpu.enqueue_dma source(%arg6 : memref<208x16xf32, #tpu.memory_space<vmem>>) target(%dma_start3A_43 : memref<208x16xf32, #tpu.memory_space<vmem_shared>>) target_semaphore(%run_scoped3A : memref<!tpu.dma_semaphore, #tpu.memory_space<semaphore_mem>>)
      %dma_wait3A = arith.constant 0 : i32
      %dma_wait3A_44 = tpu.memref_slice %arg7[%add3A_17, %dma_wait3A] : memref<10000x16xf32, #tpu.memory_space<vmem_shared>> -> memref<208x16xf32, #tpu.memory_space<vmem_shared>>
      %dma_wait3A_45 = arith.constant 0 : i32
      %dma_wait3A_46 = tpu.memref_slice %arg7[%add3A_17, %dma_wait3A_45] : memref<10000x16xf32, #tpu.memory_space<vmem_shared>> -> memref<208x16xf32, #tpu.memory_space<vmem_shared>>
      tpu.wait_dma2 semaphore(%run_scoped3A : memref<!tpu.dma_semaphore, #tpu.memory_space<semaphore_mem>>) src(%arg6 : memref<208x16xf32, #tpu.memory_space<vmem>>) dst(%dma_wait3A_46 : memref<208x16xf32, #tpu.memory_space<vmem_shared>>)
      tpu.yield
    }) : () -> ()
    %eq3A = arith.constant 15 : i32
    %eq3A_18 = arith.cmpi eq, %arg1, %eq3A : i32
    %convert_element_type3A = arith.extui %eq3A_18 : i1 to i32
    %cond3A = arith.constant 0 : i32
    %cond3A_19 = arith.cmpi ne, %convert_element_type3A, %cond3A : i32
    scf.if %cond3A_19 {
      "tpu.region"() ({
        %run_scoped3A = tpu.sem_alloc : memref<!tpu.dma_semaphore, #tpu.memory_space<semaphore_mem>>
        %dma_start3A = arith.constant 0 : i32
        %dma_start3A_41 = arith.constant 0 : i32
        %dma_start3A_42 = tpu.memref_slice %arg6[%dma_start3A, %dma_start3A_41] : memref<208x16xf32, #tpu.memory_space<vmem>> -> memref<16x16xf32, #tpu.memory_space<vmem>>
        %dma_start3A_43 = arith.constant 9984 : i32
        %dma_start3A_44 = arith.constant 0 : i32
        %dma_start3A_45 = tpu.memref_slice %arg7[%dma_start3A_43, %dma_start3A_44] : memref<10000x16xf32, #tpu.memory_space<vmem_shared>> -> memref<16x16xf32, #tpu.memory_space<vmem_shared>>
        %dma_start3A_46 = arith.constant 9984 : i32
        %dma_start3A_47 = arith.constant 0 : i32
        %dma_start3A_48 = tpu.memref_slice %arg7[%dma_start3A_46, %dma_start3A_47] : memref<10000x16xf32, #tpu.memory_space<vmem_shared>> -> memref<16x16xf32, #tpu.memory_space<vmem_shared>>
        %dma_start3A_49 = arith.constant 0 : i32
        %dma_start3A_50 = arith.constant 0 : i32
        %dma_start3A_51 = tpu.memref_slice %arg6[%dma_start3A_49, %dma_start3A_50] : memref<208x16xf32, #tpu.memory_space<vmem>> -> memref<16x16xf32, #tpu.memory_space<vmem>>
        tpu.enqueue_dma source(%dma_start3A_51 : memref<16x16xf32, #tpu.memory_space<vmem>>) target(%dma_start3A_48 : memref<16x16xf32, #tpu.memory_space<vmem_shared>>) target_semaphore(%run_scoped3A : memref<!tpu.dma_semaphore, #tpu.memory_space<semaphore_mem>>)
        %dma_wait3A = arith.constant 0 : i32
        %dma_wait3A_52 = arith.constant 0 : i32
        %dma_wait3A_53 = tpu.memref_slice %arg6[%dma_wait3A, %dma_wait3A_52] : memref<208x16xf32, #tpu.memory_space<vmem>> -> memref<16x16xf32, #tpu.memory_space<vmem>>
        %dma_wait3A_54 = arith.constant 9984 : i32
        %dma_wait3A_55 = arith.constant 0 : i32
        %dma_wait3A_56 = tpu.memref_slice %arg7[%dma_wait3A_54, %dma_wait3A_55] : memref<10000x16xf32, #tpu.memory_space<vmem_shared>> -> memref<16x16xf32, #tpu.memory_space<vmem_shared>>
        %dma_wait3A_57 = arith.constant 9984 : i32
        %dma_wait3A_58 = arith.constant 0 : i32
        %dma_wait3A_59 = tpu.memref_slice %arg7[%dma_wait3A_57, %dma_wait3A_58] : memref<10000x16xf32, #tpu.memory_space<vmem_shared>> -> memref<16x16xf32, #tpu.memory_space<vmem_shared>>
        %dma_wait3A_60 = arith.constant 0 : i32
        %dma_wait3A_61 = arith.constant 0 : i32
        %dma_wait3A_62 = tpu.memref_slice %arg6[%dma_wait3A_60, %dma_wait3A_61] : memref<208x16xf32, #tpu.memory_space<vmem>> -> memref<16x16xf32, #tpu.memory_space<vmem>>
        tpu.wait_dma2 semaphore(%run_scoped3A : memref<!tpu.dma_semaphore, #tpu.memory_space<semaphore_mem>>) src(%dma_wait3A_62 : memref<16x16xf32, #tpu.memory_space<vmem>>) dst(%dma_wait3A_59 : memref<16x16xf32, #tpu.memory_space<vmem_shared>>)
        tpu.yield
      }) : () -> ()
    } else {
    }
    %barrier3A = arith.constant 0 : index
    tpu.barrier barrier_id(%barrier3A)
    %sub3A = arith.constant 2500 : i32
    %sub3A_20 = arith.subi %sub3A, %add3A : i32
    %sub3A_21 = arith.constant 32 : i32
    %sub3A_22 = arith.constant 1 : i32
    %sub3A_23 = arith.subi %sub3A_21, %sub3A_22 : i32
    %add3A_24 = arith.addi %sub3A_20, %sub3A_23 : i32
    %div3A = arith.constant 32 : i32
    %div3A_25 = arith.divsi %add3A_24, %div3A : i32
    %while3A = arith.constant 32 : i32
    %while3A_26 = arith.constant 0 : i32
    %while3A_27 = arith.subi %div3A_25, %while3A_26 : i32
    %while3A_28 = arith.addi %while3A_26, %while3A_27 : i32
    %while3A_29 = arith.constant 1 : i32
    %while3A_30 = arith.divsi %while3A_27, %while3A_29 : i32
    %while3A_31 = arith.muli %while3A_30, %while3A_29 : i32
    %while3A_32 = arith.addi %while3A_26, %while3A_31 : i32
    %while3A_33 = arith.constant 1 : i32
    scf.for %while3A_41 = %while3A_26 to %while3A_32 step %while3A_33  : i32 {
      %mul3A_42 = arith.muli %while3A_41, %while3A : i32
      %add3A_43 = arith.addi %add3A, %mul3A_42 : i32
      %mul3A_44 = arith.constant 128 : i32
      %mul3A_45 = arith.muli %add3A_43, %mul3A_44 : i32
      %multiple_of3A_46 = tpu.assume_multiple %mul3A_45, 128 : i32
      "tpu.region"() ({
        %run_scoped3A = tpu.sem_alloc : memref<!tpu.dma_semaphore, #tpu.memory_space<semaphore_mem>>
        %dma_start3A = tpu.memref_slice %arg2[%multiple_of3A_46] : memref<320000xi32, #tpu.memory_space<hbm>> -> memref<128xi32, #tpu.memory_space<hbm>>
        %dma_start3A_47 = tpu.memref_slice %arg2[%multiple_of3A_46] : memref<320000xi32, #tpu.memory_space<hbm>> -> memref<128xi32, #tpu.memory_space<hbm>>
        tpu.enqueue_dma source(%dma_start3A_47 : memref<128xi32, #tpu.memory_space<hbm>>) target(%arg4 : memref<128xi32, #tpu.memory_space<vmem>>) target_semaphore(%run_scoped3A : memref<!tpu.dma_semaphore, #tpu.memory_space<semaphore_mem>>)
        %dma_wait3A = tpu.memref_slice %arg2[%multiple_of3A_46] : memref<320000xi32, #tpu.memory_space<hbm>> -> memref<128xi32, #tpu.memory_space<hbm>>
        %dma_wait3A_48 = tpu.memref_slice %arg2[%multiple_of3A_46] : memref<320000xi32, #tpu.memory_space<hbm>> -> memref<128xi32, #tpu.memory_space<hbm>>
        tpu.wait_dma2 semaphore(%run_scoped3A : memref<!tpu.dma_semaphore, #tpu.memory_space<semaphore_mem>>) src(%dma_wait3A_48 : memref<128xi32, #tpu.memory_space<hbm>>) dst(%arg4 : memref<128xi32, #tpu.memory_space<vmem>>)
        tpu.yield
      }) : () -> ()
      "tpu.region"() ({
        %run_scoped3A = tpu.sem_alloc : memref<!tpu.dma_semaphore, #tpu.memory_space<semaphore_mem>>
        %dma_start3A = arith.constant 0 : i32
        %dma_start3A_47 = arith.constant 0 : i32
        %dma_start3A_48 = tpu.memref_slice %arg7[%dma_start3A, %dma_start3A_47] : memref<10000x16xf32, #tpu.memory_space<vmem_shared>> -> memref<10000x16xf32, #tpu.memory_space<vmem_shared>>
        tpu.enqueue_indirect_dma source(%arg5 : memref<128x16xf32, #tpu.memory_space<vmem>>) target(%dma_start3A_48 : memref<10000x16xf32, #tpu.memory_space<vmem_shared>>) offsets(%arg4 : memref<128xi32, #tpu.memory_space<vmem>>) semaphore(%run_scoped3A : memref<!tpu.dma_semaphore, #tpu.memory_space<semaphore_mem>>) {add = true}
        %dma_wait3A = arith.constant 0 : i32
        %dma_wait3A_49 = arith.constant 0 : i32
        %dma_wait3A_50 = tpu.memref_slice %arg7[%dma_wait3A, %dma_wait3A_49] : memref<10000x16xf32, #tpu.memory_space<vmem_shared>> -> memref<10000x16xf32, #tpu.memory_space<vmem_shared>>
        tpu.wait_indirect_dma semaphore(%run_scoped3A : memref<!tpu.dma_semaphore, #tpu.memory_space<semaphore_mem>>) src(%arg5 : memref<128x16xf32, #tpu.memory_space<vmem>>) dst(%dma_wait3A_50 : memref<10000x16xf32, #tpu.memory_space<vmem_shared>>)
        tpu.yield
      }) : () -> ()
    }
    %while3A_34 = arith.constant 1 : i32
    scf.for %while3A_41 = %while3A_32 to %while3A_28 step %while3A_34  : i32 {
      %mul3A_42 = arith.muli %while3A_41, %while3A : i32
      %add3A_43 = arith.addi %add3A, %mul3A_42 : i32
      %mul3A_44 = arith.constant 128 : i32
      %mul3A_45 = arith.muli %add3A_43, %mul3A_44 : i32
      %multiple_of3A_46 = tpu.assume_multiple %mul3A_45, 128 : i32
      "tpu.region"() ({
        %run_scoped3A = tpu.sem_alloc : memref<!tpu.dma_semaphore, #tpu.memory_space<semaphore_mem>>
        %dma_start3A = tpu.memref_slice %arg2[%multiple_of3A_46] : memref<320000xi32, #tpu.memory_space<hbm>> -> memref<128xi32, #tpu.memory_space<hbm>>
        %dma_start3A_47 = tpu.memref_slice %arg2[%multiple_of3A_46] : memref<320000xi32, #tpu.memory_space<hbm>> -> memref<128xi32, #tpu.memory_space<hbm>>
        tpu.enqueue_dma source(%dma_start3A_47 : memref<128xi32, #tpu.memory_space<hbm>>) target(%arg4 : memref<128xi32, #tpu.memory_space<vmem>>) target_semaphore(%run_scoped3A : memref<!tpu.dma_semaphore, #tpu.memory_space<semaphore_mem>>)
        %dma_wait3A = tpu.memref_slice %arg2[%multiple_of3A_46] : memref<320000xi32, #tpu.memory_space<hbm>> -> memref<128xi32, #tpu.memory_space<hbm>>
        %dma_wait3A_48 = tpu.memref_slice %arg2[%multiple_of3A_46] : memref<320000xi32, #tpu.memory_space<hbm>> -> memref<128xi32, #tpu.memory_space<hbm>>
        tpu.wait_dma2 semaphore(%run_scoped3A : memref<!tpu.dma_semaphore, #tpu.memory_space<semaphore_mem>>) src(%dma_wait3A_48 : memref<128xi32, #tpu.memory_space<hbm>>) dst(%arg4 : memref<128xi32, #tpu.memory_space<vmem>>)
        tpu.yield
      }) : () -> ()
      "tpu.region"() ({
        %run_scoped3A = tpu.sem_alloc : memref<!tpu.dma_semaphore, #tpu.memory_space<semaphore_mem>>
        %dma_start3A = arith.constant 0 : i32
        %dma_start3A_47 = arith.constant 0 : i32
        %dma_start3A_48 = tpu.memref_slice %arg7[%dma_start3A, %dma_start3A_47] : memref<10000x16xf32, #tpu.memory_space<vmem_shared>> -> memref<10000x16xf32, #tpu.memory_space<vmem_shared>>
        tpu.enqueue_indirect_dma source(%arg5 : memref<128x16xf32, #tpu.memory_space<vmem>>) target(%dma_start3A_48 : memref<10000x16xf32, #tpu.memory_space<vmem_shared>>) offsets(%arg4 : memref<128xi32, #tpu.memory_space<vmem>>) semaphore(%run_scoped3A : memref<!tpu.dma_semaphore, #tpu.memory_space<semaphore_mem>>) {add = true}
        %dma_wait3A = arith.constant 0 : i32
        %dma_wait3A_49 = arith.constant 0 : i32
        %dma_wait3A_50 = tpu.memref_slice %arg7[%dma_wait3A, %dma_wait3A_49] : memref<10000x16xf32, #tpu.memory_space<vmem_shared>> -> memref<10000x16xf32, #tpu.memory_space<vmem_shared>>
        tpu.wait_indirect_dma semaphore(%run_scoped3A : memref<!tpu.dma_semaphore, #tpu.memory_space<semaphore_mem>>) src(%arg5 : memref<128x16xf32, #tpu.memory_space<vmem>>) dst(%dma_wait3A_50 : memref<10000x16xf32, #tpu.memory_space<vmem_shared>>)
        tpu.yield
      }) : () -> ()
    }
    %barrier3A_35 = arith.constant 0 : index
    tpu.barrier barrier_id(%barrier3A_35)
    "tpu.region"() ({
      %run_scoped3A = tpu.sem_alloc : memref<!tpu.dma_semaphore, #tpu.memory_space<semaphore_mem>>
      %dma_start3A = arith.constant 0 : i32
      %dma_start3A_41 = tpu.memref_slice %arg3[%arg0, %multiple_of3A, %dma_start3A] : memref<2x10000x16xf32, #tpu.memory_space<hbm>> -> memref<1x624x16xf32, #tpu.memory_space<hbm>>
      %dma_start3A_42 = tpu.memref_squeeze %dma_start3A_41 : memref<1x624x16xf32, #tpu.memory_space<hbm>> -> memref<624x16xf32, #tpu.memory_space<hbm>>
      %dma_start3A_43 = arith.constant 0 : i32
      %dma_start3A_44 = tpu.memref_slice %arg7[%multiple_of3A, %dma_start3A_43] : memref<10000x16xf32, #tpu.memory_space<vmem_shared>> -> memref<624x16xf32, #tpu.memory_space<vmem_shared>>
      tpu.enqueue_dma source(%dma_start3A_44 : memref<624x16xf32, #tpu.memory_space<vmem_shared>>) target(%dma_start3A_42 : memref<624x16xf32, #tpu.memory_space<hbm>>) target_semaphore(%run_scoped3A : memref<!tpu.dma_semaphore, #tpu.memory_space<semaphore_mem>>)
      %dma_wait3A = arith.constant 0 : i32
      %dma_wait3A_45 = tpu.memref_slice %arg3[%arg0, %multiple_of3A, %dma_wait3A] : memref<2x10000x16xf32, #tpu.memory_space<hbm>> -> memref<1x624x16xf32, #tpu.memory_space<hbm>>
      %dma_wait3A_46 = tpu.memref_squeeze %dma_wait3A_45 : memref<1x624x16xf32, #tpu.memory_space<hbm>> -> memref<624x16xf32, #tpu.memory_space<hbm>>
      %dma_wait3A_47 = arith.constant 0 : i32
      %dma_wait3A_48 = tpu.memref_slice %arg7[%multiple_of3A, %dma_wait3A_47] : memref<10000x16xf32, #tpu.memory_space<vmem_shared>> -> memref<624x16xf32, #tpu.memory_space<vmem_shared>>
      tpu.wait_dma2 semaphore(%run_scoped3A : memref<!tpu.dma_semaphore, #tpu.memory_space<semaphore_mem>>) src(%dma_wait3A_48 : memref<624x16xf32, #tpu.memory_space<vmem_shared>>) dst(%dma_wait3A_46 : memref<624x16xf32, #tpu.memory_space<hbm>>)
      tpu.yield
    }) : () -> ()
    %eq3A_36 = arith.constant 15 : i32
    %eq3A_37 = arith.cmpi eq, %arg1, %eq3A_36 : i32
    %convert_element_type3A_38 = arith.extui %eq3A_37 : i1 to i32
    %cond3A_39 = arith.constant 0 : i32
    %cond3A_40 = arith.cmpi ne, %convert_element_type3A_38, %cond3A_39 : i32
    scf.if %cond3A_40 {
      "tpu.region"() ({
        %run_scoped3A = tpu.sem_alloc : memref<!tpu.dma_semaphore, #tpu.memory_space<semaphore_mem>>
        %dma_start3A = arith.constant 9984 : i32
        %dma_start3A_41 = arith.constant 0 : i32
        %dma_start3A_42 = tpu.memref_slice %arg3[%arg0, %dma_start3A, %dma_start3A_41] : memref<2x10000x16xf32, #tpu.memory_space<hbm>> -> memref<1x16x16xf32, #tpu.memory_space<hbm>>
        %dma_start3A_43 = tpu.memref_squeeze %dma_start3A_42 : memref<1x16x16xf32, #tpu.memory_space<hbm>> -> memref<16x16xf32, #tpu.memory_space<hbm>>
        %dma_start3A_44 = arith.constant 9984 : i32
        %dma_start3A_45 = arith.constant 0 : i32
        %dma_start3A_46 = tpu.memref_slice %arg7[%dma_start3A_44, %dma_start3A_45] : memref<10000x16xf32, #tpu.memory_space<vmem_shared>> -> memref<16x16xf32, #tpu.memory_space<vmem_shared>>
        tpu.enqueue_dma source(%dma_start3A_46 : memref<16x16xf32, #tpu.memory_space<vmem_shared>>) target(%dma_start3A_43 : memref<16x16xf32, #tpu.memory_space<hbm>>) target_semaphore(%run_scoped3A : memref<!tpu.dma_semaphore, #tpu.memory_space<semaphore_mem>>)
        %dma_wait3A = arith.constant 9984 : i32
        %dma_wait3A_47 = arith.constant 0 : i32
        %dma_wait3A_48 = tpu.memref_slice %arg3[%arg0, %dma_wait3A, %dma_wait3A_47] : memref<2x10000x16xf32, #tpu.memory_space<hbm>> -> memref<1x16x16xf32, #tpu.memory_space<hbm>>
        %dma_wait3A_49 = tpu.memref_squeeze %dma_wait3A_48 : memref<1x16x16xf32, #tpu.memory_space<hbm>> -> memref<16x16xf32, #tpu.memory_space<hbm>>
        %dma_wait3A_50 = arith.constant 9984 : i32
        %dma_wait3A_51 = arith.constant 0 : i32
        %dma_wait3A_52 = tpu.memref_slice %arg7[%dma_wait3A_50, %dma_wait3A_51] : memref<10000x16xf32, #tpu.memory_space<vmem_shared>> -> memref<16x16xf32, #tpu.memory_space<vmem_shared>>
        tpu.wait_dma2 semaphore(%run_scoped3A : memref<!tpu.dma_semaphore, #tpu.memory_space<semaphore_mem>>) src(%dma_wait3A_52 : memref<16x16xf32, #tpu.memory_space<vmem_shared>>) dst(%dma_wait3A_49 : memref<16x16xf32, #tpu.memory_space<hbm>>)
        tpu.yield
      }) : () -> ()
    } else {
    }
    return
  }
}

#map = affine_map<(d0, d1) -> (0, 0)>
#map1 = affine_map<(d0, d1) -> (0)>
#map2 = affine_map<(d0, d1) -> (0, 0, 0)>
module attributes {stable_mosaic.version = 14 : i64} {
  func.func @_agg_body(%arg0: i32, %arg1: i32, %arg2: memref<10000x128xf32, #tpu.memory_space<hbm>>, %arg3: memref<320000xi32, #tpu.memory_space<hbm>>, %arg4: memref<320000xi32, #tpu.memory_space<hbm>>, %arg5: memref<2x10000x128xf32, #tpu.memory_space<hbm>>, %arg6: memref<128xi32, #tpu.memory_space<vmem>>, %arg7: memref<128xi32, #tpu.memory_space<vmem>>, %arg8: memref<128xi32, #tpu.memory_space<vmem>>, %arg9: memref<2x128x128xf32, #tpu.memory_space<vmem>>, %arg10: memref<10000x128xf32, #tpu.memory_space<vmem_shared>>, %arg11: memref<!tpu.dma_semaphore, #tpu.memory_space<semaphore_mem>>, %arg12: memref<!tpu.dma_semaphore, #tpu.memory_space<semaphore_mem>>) attributes {dimension_semantics = [#tpu.dimension_semantics<core_parallel>, #tpu.dimension_semantics<subcore_parallel>], iteration_bounds = array<i64: 2, 16>, scalar_prefetch = 0 : i64, scratch_operands = 7 : i64, tpu.core_type = #tpu.core_type<sc_vector_subcore>, window_params = [{transform_indices = #map}, {transform_indices = #map1}, {transform_indices = #map1}, {transform_indices = #map2}]} {
    %mul3A = arith.constant 2 : i32
    %mul3A_0 = arith.muli %arg1, %mul3A : i32
    %add3A = arith.addi %mul3A_0, %arg0 : i32
    %scan3A = arith.constant 0 : i32
    %scan3A_1 = arith.constant 128 : i32
    %scan3A_2 = arith.addi %scan3A, %scan3A_1 : i32
    %scan3A_3 = arith.constant 1 : i32
    scf.for %scan3A_96 = %scan3A to %scan3A_2 step %scan3A_3  : i32 {
      %mul3A_97 = arith.constant 1 : i32
      %mul3A_98 = arith.muli %scan3A_96, %mul3A_97 : i32
      %add3A_99 = arith.constant 0 : i32
      %add3A_100 = arith.addi %add3A_99, %mul3A_98 : i32
      %broadcast_in_dim3A = arith.constant 0.000000e+00 : f32
      %broadcast_in_dim3A_101 = vector.broadcast %broadcast_in_dim3A : f32 to vector<16xf32>
      %swap3A = arith.constant 0 : i32
      %swap3A_102 = arith.index_cast %swap3A : i32 to index
      %swap3A_103 = arith.index_cast %add3A_100 : i32 to index
      %swap3A_104 = arith.constant 0 : index
      %swap3A_105 = tpu.vector_load %arg9[%swap3A_102, %swap3A_103, %swap3A_104] {strides = array<i32>} : memref<2x128x128xf32, #tpu.memory_space<vmem>>, vector<1x1x16xf32>,
      %swap3A_106 = vector.shape_cast %swap3A_105 : vector<1x1x16xf32> to vector<16xf32>
      %swap3A_107 = vector.shape_cast %broadcast_in_dim3A_101 : vector<16xf32> to vector<1x1x16xf32>
      tpu.vector_store %arg9[%swap3A_102, %swap3A_103, %swap3A_104], %swap3A_107 {strides = array<i32>} : memref<2x128x128xf32, #tpu.memory_space<vmem>>, vector<1x1x16xf32>,
      %broadcast_in_dim3A_108 = arith.constant 0.000000e+00 : f32
      %broadcast_in_dim3A_109 = vector.broadcast %broadcast_in_dim3A_108 : f32 to vector<16xf32>
      %swap3A_110 = arith.constant 0 : i32
      %swap3A_111 = arith.index_cast %swap3A_110 : i32 to index
      %swap3A_112 = arith.index_cast %add3A_100 : i32 to index
      %swap3A_113 = arith.constant 16 : index
      %swap3A_114 = tpu.vector_load %arg9[%swap3A_111, %swap3A_112, %swap3A_113] {strides = array<i32>} : memref<2x128x128xf32, #tpu.memory_space<vmem>>, vector<1x1x16xf32>,
      %swap3A_115 = vector.shape_cast %swap3A_114 : vector<1x1x16xf32> to vector<16xf32>
      %swap3A_116 = vector.shape_cast %broadcast_in_dim3A_109 : vector<16xf32> to vector<1x1x16xf32>
      tpu.vector_store %arg9[%swap3A_111, %swap3A_112, %swap3A_113], %swap3A_116 {strides = array<i32>} : memref<2x128x128xf32, #tpu.memory_space<vmem>>, vector<1x1x16xf32>,
      %broadcast_in_dim3A_117 = arith.constant 0.000000e+00 : f32
      %broadcast_in_dim3A_118 = vector.broadcast %broadcast_in_dim3A_117 : f32 to vector<16xf32>
      %swap3A_119 = arith.constant 0 : i32
      %swap3A_120 = arith.index_cast %swap3A_119 : i32 to index
      %swap3A_121 = arith.index_cast %add3A_100 : i32 to index
      %swap3A_122 = arith.constant 32 : index
      %swap3A_123 = tpu.vector_load %arg9[%swap3A_120, %swap3A_121, %swap3A_122] {strides = array<i32>} : memref<2x128x128xf32, #tpu.memory_space<vmem>>, vector<1x1x16xf32>,
      %swap3A_124 = vector.shape_cast %swap3A_123 : vector<1x1x16xf32> to vector<16xf32>
      %swap3A_125 = vector.shape_cast %broadcast_in_dim3A_118 : vector<16xf32> to vector<1x1x16xf32>
      tpu.vector_store %arg9[%swap3A_120, %swap3A_121, %swap3A_122], %swap3A_125 {strides = array<i32>} : memref<2x128x128xf32, #tpu.memory_space<vmem>>, vector<1x1x16xf32>,
      %broadcast_in_dim3A_126 = arith.constant 0.000000e+00 : f32
      %broadcast_in_dim3A_127 = vector.broadcast %broadcast_in_dim3A_126 : f32 to vector<16xf32>
      %swap3A_128 = arith.constant 0 : i32
      %swap3A_129 = arith.index_cast %swap3A_128 : i32 to index
      %swap3A_130 = arith.index_cast %add3A_100 : i32 to index
      %swap3A_131 = arith.constant 48 : index
      %swap3A_132 = tpu.vector_load %arg9[%swap3A_129, %swap3A_130, %swap3A_131] {strides = array<i32>} : memref<2x128x128xf32, #tpu.memory_space<vmem>>, vector<1x1x16xf32>,
      %swap3A_133 = vector.shape_cast %swap3A_132 : vector<1x1x16xf32> to vector<16xf32>
      %swap3A_134 = vector.shape_cast %broadcast_in_dim3A_127 : vector<16xf32> to vector<1x1x16xf32>
      tpu.vector_store %arg9[%swap3A_129, %swap3A_130, %swap3A_131], %swap3A_134 {strides = array<i32>} : memref<2x128x128xf32, #tpu.memory_space<vmem>>, vector<1x1x16xf32>,
      %broadcast_in_dim3A_135 = arith.constant 0.000000e+00 : f32
      %broadcast_in_dim3A_136 = vector.broadcast %broadcast_in_dim3A_135 : f32 to vector<16xf32>
      %swap3A_137 = arith.constant 0 : i32
      %swap3A_138 = arith.index_cast %swap3A_137 : i32 to index
      %swap3A_139 = arith.index_cast %add3A_100 : i32 to index
      %swap3A_140 = arith.constant 64 : index
      %swap3A_141 = tpu.vector_load %arg9[%swap3A_138, %swap3A_139, %swap3A_140] {strides = array<i32>} : memref<2x128x128xf32, #tpu.memory_space<vmem>>, vector<1x1x16xf32>,
      %swap3A_142 = vector.shape_cast %swap3A_141 : vector<1x1x16xf32> to vector<16xf32>
      %swap3A_143 = vector.shape_cast %broadcast_in_dim3A_136 : vector<16xf32> to vector<1x1x16xf32>
      tpu.vector_store %arg9[%swap3A_138, %swap3A_139, %swap3A_140], %swap3A_143 {strides = array<i32>} : memref<2x128x128xf32, #tpu.memory_space<vmem>>, vector<1x1x16xf32>,
      %broadcast_in_dim3A_144 = arith.constant 0.000000e+00 : f32
      %broadcast_in_dim3A_145 = vector.broadcast %broadcast_in_dim3A_144 : f32 to vector<16xf32>
      %swap3A_146 = arith.constant 0 : i32
      %swap3A_147 = arith.index_cast %swap3A_146 : i32 to index
      %swap3A_148 = arith.index_cast %add3A_100 : i32 to index
      %swap3A_149 = arith.constant 80 : index
      %swap3A_150 = tpu.vector_load %arg9[%swap3A_147, %swap3A_148, %swap3A_149] {strides = array<i32>} : memref<2x128x128xf32, #tpu.memory_space<vmem>>, vector<1x1x16xf32>,
      %swap3A_151 = vector.shape_cast %swap3A_150 : vector<1x1x16xf32> to vector<16xf32>
      %swap3A_152 = vector.shape_cast %broadcast_in_dim3A_145 : vector<16xf32> to vector<1x1x16xf32>
      tpu.vector_store %arg9[%swap3A_147, %swap3A_148, %swap3A_149], %swap3A_152 {strides = array<i32>} : memref<2x128x128xf32, #tpu.memory_space<vmem>>, vector<1x1x16xf32>,
      %broadcast_in_dim3A_153 = arith.constant 0.000000e+00 : f32
      %broadcast_in_dim3A_154 = vector.broadcast %broadcast_in_dim3A_153 : f32 to vector<16xf32>
      %swap3A_155 = arith.constant 0 : i32
      %swap3A_156 = arith.index_cast %swap3A_155 : i32 to index
      %swap3A_157 = arith.index_cast %add3A_100 : i32 to index
      %swap3A_158 = arith.constant 96 : index
      %swap3A_159 = tpu.vector_load %arg9[%swap3A_156, %swap3A_157, %swap3A_158] {strides = array<i32>} : memref<2x128x128xf32, #tpu.memory_space<vmem>>, vector<1x1x16xf32>,
      %swap3A_160 = vector.shape_cast %swap3A_159 : vector<1x1x16xf32> to vector<16xf32>
      %swap3A_161 = vector.shape_cast %broadcast_in_dim3A_154 : vector<16xf32> to vector<1x1x16xf32>
      tpu.vector_store %arg9[%swap3A_156, %swap3A_157, %swap3A_158], %swap3A_161 {strides = array<i32>} : memref<2x128x128xf32, #tpu.memory_space<vmem>>, vector<1x1x16xf32>,
      %broadcast_in_dim3A_162 = arith.constant 0.000000e+00 : f32
      %broadcast_in_dim3A_163 = vector.broadcast %broadcast_in_dim3A_162 : f32 to vector<16xf32>
      %swap3A_164 = arith.constant 0 : i32
      %swap3A_165 = arith.index_cast %swap3A_164 : i32 to index
      %swap3A_166 = arith.index_cast %add3A_100 : i32 to index
      %swap3A_167 = arith.constant 112 : index
      %swap3A_168 = tpu.vector_load %arg9[%swap3A_165, %swap3A_166, %swap3A_167] {strides = array<i32>} : memref<2x128x128xf32, #tpu.memory_space<vmem>>, vector<1x1x16xf32>,
      %swap3A_169 = vector.shape_cast %swap3A_168 : vector<1x1x16xf32> to vector<16xf32>
      %swap3A_170 = vector.shape_cast %broadcast_in_dim3A_163 : vector<16xf32> to vector<1x1x16xf32>
      tpu.vector_store %arg9[%swap3A_165, %swap3A_166, %swap3A_167], %swap3A_170 {strides = array<i32>} : memref<2x128x128xf32, #tpu.memory_space<vmem>>, vector<1x1x16xf32>,
    }
    %scan3A_4 = arith.constant 128 : i32
    %mul3A_5 = arith.constant 624 : i32
    %mul3A_6 = arith.muli %arg1, %mul3A_5 : i32
    %multiple_of3A = tpu.assume_multiple %mul3A_6, 8 : i32
    %add3A_7 = arith.constant 0 : i32
    %add3A_8 = arith.addi %multiple_of3A, %add3A_7 : i32
    %run_scoped3A = arith.constant 0 : i32
    "tpu.region"() ({
      %run_scoped3A_96 = tpu.sem_alloc : memref<!tpu.dma_semaphore, #tpu.memory_space<semaphore_mem>>
      %dma_start3A_97 = arith.constant 0 : i32
      %dma_start3A_98 = arith.constant 0 : i32
      %dma_start3A_99 = tpu.memref_slice %arg9[%run_scoped3A, %dma_start3A_97, %dma_start3A_98] : memref<2x128x128xf32, #tpu.memory_space<vmem>> -> memref<1x128x128xf32, #tpu.memory_space<vmem>>
      %dma_start3A_100 = tpu.memref_squeeze %dma_start3A_99 : memref<1x128x128xf32, #tpu.memory_space<vmem>> -> memref<128x128xf32, #tpu.memory_space<vmem>>
      %dma_start3A_101 = arith.constant 0 : i32
      %dma_start3A_102 = tpu.memref_slice %arg10[%add3A_8, %dma_start3A_101] : memref<10000x128xf32, #tpu.memory_space<vmem_shared>> -> memref<128x128xf32, #tpu.memory_space<vmem_shared>>
      %dma_start3A_103 = arith.constant 0 : i32
      %dma_start3A_104 = tpu.memref_slice %arg10[%add3A_8, %dma_start3A_103] : memref<10000x128xf32, #tpu.memory_space<vmem_shared>> -> memref<128x128xf32, #tpu.memory_space<vmem_shared>>
      %dma_start3A_105 = arith.constant 0 : i32
      %dma_start3A_106 = arith.constant 0 : i32
      %dma_start3A_107 = tpu.memref_slice %arg9[%run_scoped3A, %dma_start3A_105, %dma_start3A_106] : memref<2x128x128xf32, #tpu.memory_space<vmem>> -> memref<1x128x128xf32, #tpu.memory_space<vmem>>
      %dma_start3A_108 = tpu.memref_squeeze %dma_start3A_107 : memref<1x128x128xf32, #tpu.memory_space<vmem>> -> memref<128x128xf32, #tpu.memory_space<vmem>>
      tpu.enqueue_dma source(%dma_start3A_108 : memref<128x128xf32, #tpu.memory_space<vmem>>) target(%dma_start3A_104 : memref<128x128xf32, #tpu.memory_space<vmem_shared>>) target_semaphore(%run_scoped3A_96 : memref<!tpu.dma_semaphore, #tpu.memory_space<semaphore_mem>>)
      %dma_wait3A_109 = arith.constant 0 : i32
      %dma_wait3A_110 = arith.constant 0 : i32
      %dma_wait3A_111 = tpu.memref_slice %arg9[%run_scoped3A, %dma_wait3A_109, %dma_wait3A_110] : memref<2x128x128xf32, #tpu.memory_space<vmem>> -> memref<1x128x128xf32, #tpu.memory_space<vmem>>
      %dma_wait3A_112 = tpu.memref_squeeze %dma_wait3A_111 : memref<1x128x128xf32, #tpu.memory_space<vmem>> -> memref<128x128xf32, #tpu.memory_space<vmem>>
      %dma_wait3A_113 = arith.constant 0 : i32
      %dma_wait3A_114 = tpu.memref_slice %arg10[%add3A_8, %dma_wait3A_113] : memref<10000x128xf32, #tpu.memory_space<vmem_shared>> -> memref<128x128xf32, #tpu.memory_space<vmem_shared>>
      %dma_wait3A_115 = arith.constant 0 : i32
      %dma_wait3A_116 = tpu.memref_slice %arg10[%add3A_8, %dma_wait3A_115] : memref<10000x128xf32, #tpu.memory_space<vmem_shared>> -> memref<128x128xf32, #tpu.memory_space<vmem_shared>>
      %dma_wait3A_117 = arith.constant 0 : i32
      %dma_wait3A_118 = arith.constant 0 : i32
      %dma_wait3A_119 = tpu.memref_slice %arg9[%run_scoped3A, %dma_wait3A_117, %dma_wait3A_118] : memref<2x128x128xf32, #tpu.memory_space<vmem>> -> memref<1x128x128xf32, #tpu.memory_space<vmem>>
      %dma_wait3A_120 = tpu.memref_squeeze %dma_wait3A_119 : memref<1x128x128xf32, #tpu.memory_space<vmem>> -> memref<128x128xf32, #tpu.memory_space<vmem>>
      tpu.wait_dma2 semaphore(%run_scoped3A_96 : memref<!tpu.dma_semaphore, #tpu.memory_space<semaphore_mem>>) src(%dma_wait3A_120 : memref<128x128xf32, #tpu.memory_space<vmem>>) dst(%dma_wait3A_116 : memref<128x128xf32, #tpu.memory_space<vmem_shared>>)
      tpu.yield
    }) : () -> ()
    %add3A_9 = arith.constant 128 : i32
    %add3A_10 = arith.addi %multiple_of3A, %add3A_9 : i32
    %run_scoped3A_11 = arith.constant 0 : i32
    "tpu.region"() ({
      %run_scoped3A_96 = tpu.sem_alloc : memref<!tpu.dma_semaphore, #tpu.memory_space<semaphore_mem>>
      %dma_start3A_97 = arith.constant 0 : i32
      %dma_start3A_98 = arith.constant 0 : i32
      %dma_start3A_99 = tpu.memref_slice %arg9[%run_scoped3A_11, %dma_start3A_97, %dma_start3A_98] : memref<2x128x128xf32, #tpu.memory_space<vmem>> -> memref<1x128x128xf32, #tpu.memory_space<vmem>>
      %dma_start3A_100 = tpu.memref_squeeze %dma_start3A_99 : memref<1x128x128xf32, #tpu.memory_space<vmem>> -> memref<128x128xf32, #tpu.memory_space<vmem>>
      %dma_start3A_101 = arith.constant 0 : i32
      %dma_start3A_102 = tpu.memref_slice %arg10[%add3A_10, %dma_start3A_101] : memref<10000x128xf32, #tpu.memory_space<vmem_shared>> -> memref<128x128xf32, #tpu.memory_space<vmem_shared>>
      %dma_start3A_103 = arith.constant 0 : i32
      %dma_start3A_104 = tpu.memref_slice %arg10[%add3A_10, %dma_start3A_103] : memref<10000x128xf32, #tpu.memory_space<vmem_shared>> -> memref<128x128xf32, #tpu.memory_space<vmem_shared>>
      %dma_start3A_105 = arith.constant 0 : i32
      %dma_start3A_106 = arith.constant 0 : i32
      %dma_start3A_107 = tpu.memref_slice %arg9[%run_scoped3A_11, %dma_start3A_105, %dma_start3A_106] : memref<2x128x128xf32, #tpu.memory_space<vmem>> -> memref<1x128x128xf32, #tpu.memory_space<vmem>>
      %dma_start3A_108 = tpu.memref_squeeze %dma_start3A_107 : memref<1x128x128xf32, #tpu.memory_space<vmem>> -> memref<128x128xf32, #tpu.memory_space<vmem>>
      tpu.enqueue_dma source(%dma_start3A_108 : memref<128x128xf32, #tpu.memory_space<vmem>>) target(%dma_start3A_104 : memref<128x128xf32, #tpu.memory_space<vmem_shared>>) target_semaphore(%run_scoped3A_96 : memref<!tpu.dma_semaphore, #tpu.memory_space<semaphore_mem>>)
      %dma_wait3A_109 = arith.constant 0 : i32
      %dma_wait3A_110 = arith.constant 0 : i32
      %dma_wait3A_111 = tpu.memref_slice %arg9[%run_scoped3A_11, %dma_wait3A_109, %dma_wait3A_110] : memref<2x128x128xf32, #tpu.memory_space<vmem>> -> memref<1x128x128xf32, #tpu.memory_space<vmem>>
      %dma_wait3A_112 = tpu.memref_squeeze %dma_wait3A_111 : memref<1x128x128xf32, #tpu.memory_space<vmem>> -> memref<128x128xf32, #tpu.memory_space<vmem>>
      %dma_wait3A_113 = arith.constant 0 : i32
      %dma_wait3A_114 = tpu.memref_slice %arg10[%add3A_10, %dma_wait3A_113] : memref<10000x128xf32, #tpu.memory_space<vmem_shared>> -> memref<128x128xf32, #tpu.memory_space<vmem_shared>>
      %dma_wait3A_115 = arith.constant 0 : i32
      %dma_wait3A_116 = tpu.memref_slice %arg10[%add3A_10, %dma_wait3A_115] : memref<10000x128xf32, #tpu.memory_space<vmem_shared>> -> memref<128x128xf32, #tpu.memory_space<vmem_shared>>
      %dma_wait3A_117 = arith.constant 0 : i32
      %dma_wait3A_118 = arith.constant 0 : i32
      %dma_wait3A_119 = tpu.memref_slice %arg9[%run_scoped3A_11, %dma_wait3A_117, %dma_wait3A_118] : memref<2x128x128xf32, #tpu.memory_space<vmem>> -> memref<1x128x128xf32, #tpu.memory_space<vmem>>
      %dma_wait3A_120 = tpu.memref_squeeze %dma_wait3A_119 : memref<1x128x128xf32, #tpu.memory_space<vmem>> -> memref<128x128xf32, #tpu.memory_space<vmem>>
      tpu.wait_dma2 semaphore(%run_scoped3A_96 : memref<!tpu.dma_semaphore, #tpu.memory_space<semaphore_mem>>) src(%dma_wait3A_120 : memref<128x128xf32, #tpu.memory_space<vmem>>) dst(%dma_wait3A_116 : memref<128x128xf32, #tpu.memory_space<vmem_shared>>)
      tpu.yield
    }) : () -> ()
    %add3A_12 = arith.constant 256 : i32
    %add3A_13 = arith.addi %multiple_of3A, %add3A_12 : i32
    %run_scoped3A_14 = arith.constant 0 : i32
    "tpu.region"() ({
      %run_scoped3A_96 = tpu.sem_alloc : memref<!tpu.dma_semaphore, #tpu.memory_space<semaphore_mem>>
      %dma_start3A_97 = arith.constant 0 : i32
      %dma_start3A_98 = arith.constant 0 : i32
      %dma_start3A_99 = tpu.memref_slice %arg9[%run_scoped3A_14, %dma_start3A_97, %dma_start3A_98] : memref<2x128x128xf32, #tpu.memory_space<vmem>> -> memref<1x128x128xf32, #tpu.memory_space<vmem>>
      %dma_start3A_100 = tpu.memref_squeeze %dma_start3A_99 : memref<1x128x128xf32, #tpu.memory_space<vmem>> -> memref<128x128xf32, #tpu.memory_space<vmem>>
      %dma_start3A_101 = arith.constant 0 : i32
      %dma_start3A_102 = tpu.memref_slice %arg10[%add3A_13, %dma_start3A_101] : memref<10000x128xf32, #tpu.memory_space<vmem_shared>> -> memref<128x128xf32, #tpu.memory_space<vmem_shared>>
      %dma_start3A_103 = arith.constant 0 : i32
      %dma_start3A_104 = tpu.memref_slice %arg10[%add3A_13, %dma_start3A_103] : memref<10000x128xf32, #tpu.memory_space<vmem_shared>> -> memref<128x128xf32, #tpu.memory_space<vmem_shared>>
      %dma_start3A_105 = arith.constant 0 : i32
      %dma_start3A_106 = arith.constant 0 : i32
      %dma_start3A_107 = tpu.memref_slice %arg9[%run_scoped3A_14, %dma_start3A_105, %dma_start3A_106] : memref<2x128x128xf32, #tpu.memory_space<vmem>> -> memref<1x128x128xf32, #tpu.memory_space<vmem>>
      %dma_start3A_108 = tpu.memref_squeeze %dma_start3A_107 : memref<1x128x128xf32, #tpu.memory_space<vmem>> -> memref<128x128xf32, #tpu.memory_space<vmem>>
      tpu.enqueue_dma source(%dma_start3A_108 : memref<128x128xf32, #tpu.memory_space<vmem>>) target(%dma_start3A_104 : memref<128x128xf32, #tpu.memory_space<vmem_shared>>) target_semaphore(%run_scoped3A_96 : memref<!tpu.dma_semaphore, #tpu.memory_space<semaphore_mem>>)
      %dma_wait3A_109 = arith.constant 0 : i32
      %dma_wait3A_110 = arith.constant 0 : i32
      %dma_wait3A_111 = tpu.memref_slice %arg9[%run_scoped3A_14, %dma_wait3A_109, %dma_wait3A_110] : memref<2x128x128xf32, #tpu.memory_space<vmem>> -> memref<1x128x128xf32, #tpu.memory_space<vmem>>
      %dma_wait3A_112 = tpu.memref_squeeze %dma_wait3A_111 : memref<1x128x128xf32, #tpu.memory_space<vmem>> -> memref<128x128xf32, #tpu.memory_space<vmem>>
      %dma_wait3A_113 = arith.constant 0 : i32
      %dma_wait3A_114 = tpu.memref_slice %arg10[%add3A_13, %dma_wait3A_113] : memref<10000x128xf32, #tpu.memory_space<vmem_shared>> -> memref<128x128xf32, #tpu.memory_space<vmem_shared>>
      %dma_wait3A_115 = arith.constant 0 : i32
      %dma_wait3A_116 = tpu.memref_slice %arg10[%add3A_13, %dma_wait3A_115] : memref<10000x128xf32, #tpu.memory_space<vmem_shared>> -> memref<128x128xf32, #tpu.memory_space<vmem_shared>>
      %dma_wait3A_117 = arith.constant 0 : i32
      %dma_wait3A_118 = arith.constant 0 : i32
      %dma_wait3A_119 = tpu.memref_slice %arg9[%run_scoped3A_14, %dma_wait3A_117, %dma_wait3A_118] : memref<2x128x128xf32, #tpu.memory_space<vmem>> -> memref<1x128x128xf32, #tpu.memory_space<vmem>>
      %dma_wait3A_120 = tpu.memref_squeeze %dma_wait3A_119 : memref<1x128x128xf32, #tpu.memory_space<vmem>> -> memref<128x128xf32, #tpu.memory_space<vmem>>
      tpu.wait_dma2 semaphore(%run_scoped3A_96 : memref<!tpu.dma_semaphore, #tpu.memory_space<semaphore_mem>>) src(%dma_wait3A_120 : memref<128x128xf32, #tpu.memory_space<vmem>>) dst(%dma_wait3A_116 : memref<128x128xf32, #tpu.memory_space<vmem_shared>>)
      tpu.yield
    }) : () -> ()
    %add3A_15 = arith.constant 384 : i32
    %add3A_16 = arith.addi %multiple_of3A, %add3A_15 : i32
    %run_scoped3A_17 = arith.constant 0 : i32
    "tpu.region"() ({
      %run_scoped3A_96 = tpu.sem_alloc : memref<!tpu.dma_semaphore, #tpu.memory_space<semaphore_mem>>
      %dma_start3A_97 = arith.constant 0 : i32
      %dma_start3A_98 = arith.constant 0 : i32
      %dma_start3A_99 = tpu.memref_slice %arg9[%run_scoped3A_17, %dma_start3A_97, %dma_start3A_98] : memref<2x128x128xf32, #tpu.memory_space<vmem>> -> memref<1x128x128xf32, #tpu.memory_space<vmem>>
      %dma_start3A_100 = tpu.memref_squeeze %dma_start3A_99 : memref<1x128x128xf32, #tpu.memory_space<vmem>> -> memref<128x128xf32, #tpu.memory_space<vmem>>
      %dma_start3A_101 = arith.constant 0 : i32
      %dma_start3A_102 = tpu.memref_slice %arg10[%add3A_16, %dma_start3A_101] : memref<10000x128xf32, #tpu.memory_space<vmem_shared>> -> memref<128x128xf32, #tpu.memory_space<vmem_shared>>
      %dma_start3A_103 = arith.constant 0 : i32
      %dma_start3A_104 = tpu.memref_slice %arg10[%add3A_16, %dma_start3A_103] : memref<10000x128xf32, #tpu.memory_space<vmem_shared>> -> memref<128x128xf32, #tpu.memory_space<vmem_shared>>
      %dma_start3A_105 = arith.constant 0 : i32
      %dma_start3A_106 = arith.constant 0 : i32
      %dma_start3A_107 = tpu.memref_slice %arg9[%run_scoped3A_17, %dma_start3A_105, %dma_start3A_106] : memref<2x128x128xf32, #tpu.memory_space<vmem>> -> memref<1x128x128xf32, #tpu.memory_space<vmem>>
      %dma_start3A_108 = tpu.memref_squeeze %dma_start3A_107 : memref<1x128x128xf32, #tpu.memory_space<vmem>> -> memref<128x128xf32, #tpu.memory_space<vmem>>
      tpu.enqueue_dma source(%dma_start3A_108 : memref<128x128xf32, #tpu.memory_space<vmem>>) target(%dma_start3A_104 : memref<128x128xf32, #tpu.memory_space<vmem_shared>>) target_semaphore(%run_scoped3A_96 : memref<!tpu.dma_semaphore, #tpu.memory_space<semaphore_mem>>)
      %dma_wait3A_109 = arith.constant 0 : i32
      %dma_wait3A_110 = arith.constant 0 : i32
      %dma_wait3A_111 = tpu.memref_slice %arg9[%run_scoped3A_17, %dma_wait3A_109, %dma_wait3A_110] : memref<2x128x128xf32, #tpu.memory_space<vmem>> -> memref<1x128x128xf32, #tpu.memory_space<vmem>>
      %dma_wait3A_112 = tpu.memref_squeeze %dma_wait3A_111 : memref<1x128x128xf32, #tpu.memory_space<vmem>> -> memref<128x128xf32, #tpu.memory_space<vmem>>
      %dma_wait3A_113 = arith.constant 0 : i32
      %dma_wait3A_114 = tpu.memref_slice %arg10[%add3A_16, %dma_wait3A_113] : memref<10000x128xf32, #tpu.memory_space<vmem_shared>> -> memref<128x128xf32, #tpu.memory_space<vmem_shared>>
      %dma_wait3A_115 = arith.constant 0 : i32
      %dma_wait3A_116 = tpu.memref_slice %arg10[%add3A_16, %dma_wait3A_115] : memref<10000x128xf32, #tpu.memory_space<vmem_shared>> -> memref<128x128xf32, #tpu.memory_space<vmem_shared>>
      %dma_wait3A_117 = arith.constant 0 : i32
      %dma_wait3A_118 = arith.constant 0 : i32
      %dma_wait3A_119 = tpu.memref_slice %arg9[%run_scoped3A_17, %dma_wait3A_117, %dma_wait3A_118] : memref<2x128x128xf32, #tpu.memory_space<vmem>> -> memref<1x128x128xf32, #tpu.memory_space<vmem>>
      %dma_wait3A_120 = tpu.memref_squeeze %dma_wait3A_119 : memref<1x128x128xf32, #tpu.memory_space<vmem>> -> memref<128x128xf32, #tpu.memory_space<vmem>>
      tpu.wait_dma2 semaphore(%run_scoped3A_96 : memref<!tpu.dma_semaphore, #tpu.memory_space<semaphore_mem>>) src(%dma_wait3A_120 : memref<128x128xf32, #tpu.memory_space<vmem>>) dst(%dma_wait3A_116 : memref<128x128xf32, #tpu.memory_space<vmem_shared>>)
      tpu.yield
    }) : () -> ()
    %add3A_18 = arith.constant 624 : i32
    %add3A_19 = arith.addi %multiple_of3A, %add3A_18 : i32
    %sub3A = arith.constant 112 : i32
    %sub3A_20 = arith.subi %add3A_19, %sub3A : i32
    %run_scoped3A_21 = arith.constant 0 : i32
    "tpu.region"() ({
      %run_scoped3A_96 = tpu.sem_alloc : memref<!tpu.dma_semaphore, #tpu.memory_space<semaphore_mem>>
      %dma_start3A_97 = arith.constant 0 : i32
      %dma_start3A_98 = arith.constant 0 : i32
      %dma_start3A_99 = tpu.memref_slice %arg9[%run_scoped3A_21, %dma_start3A_97, %dma_start3A_98] : memref<2x128x128xf32, #tpu.memory_space<vmem>> -> memref<1x112x128xf32, #tpu.memory_space<vmem>>
      %dma_start3A_100 = tpu.memref_squeeze %dma_start3A_99 : memref<1x112x128xf32, #tpu.memory_space<vmem>> -> memref<112x128xf32, #tpu.memory_space<vmem>>
      %dma_start3A_101 = arith.constant 0 : i32
      %dma_start3A_102 = tpu.memref_slice %arg10[%sub3A_20, %dma_start3A_101] : memref<10000x128xf32, #tpu.memory_space<vmem_shared>> -> memref<112x128xf32, #tpu.memory_space<vmem_shared>>
      %dma_start3A_103 = arith.constant 0 : i32
      %dma_start3A_104 = tpu.memref_slice %arg10[%sub3A_20, %dma_start3A_103] : memref<10000x128xf32, #tpu.memory_space<vmem_shared>> -> memref<112x128xf32, #tpu.memory_space<vmem_shared>>
      %dma_start3A_105 = arith.constant 0 : i32
      %dma_start3A_106 = arith.constant 0 : i32
      %dma_start3A_107 = tpu.memref_slice %arg9[%run_scoped3A_21, %dma_start3A_105, %dma_start3A_106] : memref<2x128x128xf32, #tpu.memory_space<vmem>> -> memref<1x112x128xf32, #tpu.memory_space<vmem>>
      %dma_start3A_108 = tpu.memref_squeeze %dma_start3A_107 : memref<1x112x128xf32, #tpu.memory_space<vmem>> -> memref<112x128xf32, #tpu.memory_space<vmem>>
      tpu.enqueue_dma source(%dma_start3A_108 : memref<112x128xf32, #tpu.memory_space<vmem>>) target(%dma_start3A_104 : memref<112x128xf32, #tpu.memory_space<vmem_shared>>) target_semaphore(%run_scoped3A_96 : memref<!tpu.dma_semaphore, #tpu.memory_space<semaphore_mem>>)
      %dma_wait3A_109 = arith.constant 0 : i32
      %dma_wait3A_110 = arith.constant 0 : i32
      %dma_wait3A_111 = tpu.memref_slice %arg9[%run_scoped3A_21, %dma_wait3A_109, %dma_wait3A_110] : memref<2x128x128xf32, #tpu.memory_space<vmem>> -> memref<1x112x128xf32, #tpu.memory_space<vmem>>
      %dma_wait3A_112 = tpu.memref_squeeze %dma_wait3A_111 : memref<1x112x128xf32, #tpu.memory_space<vmem>> -> memref<112x128xf32, #tpu.memory_space<vmem>>
      %dma_wait3A_113 = arith.constant 0 : i32
      %dma_wait3A_114 = tpu.memref_slice %arg10[%sub3A_20, %dma_wait3A_113] : memref<10000x128xf32, #tpu.memory_space<vmem_shared>> -> memref<112x128xf32, #tpu.memory_space<vmem_shared>>
      %dma_wait3A_115 = arith.constant 0 : i32
      %dma_wait3A_116 = tpu.memref_slice %arg10[%sub3A_20, %dma_wait3A_115] : memref<10000x128xf32, #tpu.memory_space<vmem_shared>> -> memref<112x128xf32, #tpu.memory_space<vmem_shared>>
      %dma_wait3A_117 = arith.constant 0 : i32
      %dma_wait3A_118 = arith.constant 0 : i32
      %dma_wait3A_119 = tpu.memref_slice %arg9[%run_scoped3A_21, %dma_wait3A_117, %dma_wait3A_118] : memref<2x128x128xf32, #tpu.memory_space<vmem>> -> memref<1x112x128xf32, #tpu.memory_space<vmem>>
      %dma_wait3A_120 = tpu.memref_squeeze %dma_wait3A_119 : memref<1x112x128xf32, #tpu.memory_space<vmem>> -> memref<112x128xf32, #tpu.memory_space<vmem>>
      tpu.wait_dma2 semaphore(%run_scoped3A_96 : memref<!tpu.dma_semaphore, #tpu.memory_space<semaphore_mem>>) src(%dma_wait3A_120 : memref<112x128xf32, #tpu.memory_space<vmem>>) dst(%dma_wait3A_116 : memref<112x128xf32, #tpu.memory_space<vmem_shared>>)
      tpu.yield
    }) : () -> ()
    %eq3A = arith.constant 15 : i32
    %eq3A_22 = arith.cmpi eq, %arg1, %eq3A : i32
    %convert_element_type3A = arith.extui %eq3A_22 : i1 to i32
    %cond3A = arith.constant 0 : i32
    %cond3A_23 = arith.cmpi ne, %convert_element_type3A, %cond3A : i32
    scf.if %cond3A_23 {
      %run_scoped3A_96 = arith.constant 0 : i32
      "tpu.region"() ({
        %run_scoped3A_97 = tpu.sem_alloc : memref<!tpu.dma_semaphore, #tpu.memory_space<semaphore_mem>>
        %dma_start3A_98 = arith.constant 0 : i32
        %dma_start3A_99 = arith.constant 0 : i32
        %dma_start3A_100 = tpu.memref_slice %arg9[%run_scoped3A_96, %dma_start3A_98, %dma_start3A_99] : memref<2x128x128xf32, #tpu.memory_space<vmem>> -> memref<1x16x128xf32, #tpu.memory_space<vmem>>
        %dma_start3A_101 = tpu.memref_squeeze %dma_start3A_100 : memref<1x16x128xf32, #tpu.memory_space<vmem>> -> memref<16x128xf32, #tpu.memory_space<vmem>>
        %dma_start3A_102 = arith.constant 9984 : i32
        %dma_start3A_103 = arith.constant 0 : i32
        %dma_start3A_104 = tpu.memref_slice %arg10[%dma_start3A_102, %dma_start3A_103] : memref<10000x128xf32, #tpu.memory_space<vmem_shared>> -> memref<16x128xf32, #tpu.memory_space<vmem_shared>>
        %dma_start3A_105 = arith.constant 9984 : i32
        %dma_start3A_106 = arith.constant 0 : i32
        %dma_start3A_107 = tpu.memref_slice %arg10[%dma_start3A_105, %dma_start3A_106] : memref<10000x128xf32, #tpu.memory_space<vmem_shared>> -> memref<16x128xf32, #tpu.memory_space<vmem_shared>>
        %dma_start3A_108 = arith.constant 0 : i32
        %dma_start3A_109 = arith.constant 0 : i32
        %dma_start3A_110 = tpu.memref_slice %arg9[%run_scoped3A_96, %dma_start3A_108, %dma_start3A_109] : memref<2x128x128xf32, #tpu.memory_space<vmem>> -> memref<1x16x128xf32, #tpu.memory_space<vmem>>
        %dma_start3A_111 = tpu.memref_squeeze %dma_start3A_110 : memref<1x16x128xf32, #tpu.memory_space<vmem>> -> memref<16x128xf32, #tpu.memory_space<vmem>>
        tpu.enqueue_dma source(%dma_start3A_111 : memref<16x128xf32, #tpu.memory_space<vmem>>) target(%dma_start3A_107 : memref<16x128xf32, #tpu.memory_space<vmem_shared>>) target_semaphore(%run_scoped3A_97 : memref<!tpu.dma_semaphore, #tpu.memory_space<semaphore_mem>>)
        %dma_wait3A_112 = arith.constant 0 : i32
        %dma_wait3A_113 = arith.constant 0 : i32
        %dma_wait3A_114 = tpu.memref_slice %arg9[%run_scoped3A_96, %dma_wait3A_112, %dma_wait3A_113] : memref<2x128x128xf32, #tpu.memory_space<vmem>> -> memref<1x16x128xf32, #tpu.memory_space<vmem>>
        %dma_wait3A_115 = tpu.memref_squeeze %dma_wait3A_114 : memref<1x16x128xf32, #tpu.memory_space<vmem>> -> memref<16x128xf32, #tpu.memory_space<vmem>>
        %dma_wait3A_116 = arith.constant 9984 : i32
        %dma_wait3A_117 = arith.constant 0 : i32
        %dma_wait3A_118 = tpu.memref_slice %arg10[%dma_wait3A_116, %dma_wait3A_117] : memref<10000x128xf32, #tpu.memory_space<vmem_shared>> -> memref<16x128xf32, #tpu.memory_space<vmem_shared>>
        %dma_wait3A_119 = arith.constant 9984 : i32
        %dma_wait3A_120 = arith.constant 0 : i32
        %dma_wait3A_121 = tpu.memref_slice %arg10[%dma_wait3A_119, %dma_wait3A_120] : memref<10000x128xf32, #tpu.memory_space<vmem_shared>> -> memref<16x128xf32, #tpu.memory_space<vmem_shared>>
        %dma_wait3A_122 = arith.constant 0 : i32
        %dma_wait3A_123 = arith.constant 0 : i32
        %dma_wait3A_124 = tpu.memref_slice %arg9[%run_scoped3A_96, %dma_wait3A_122, %dma_wait3A_123] : memref<2x128x128xf32, #tpu.memory_space<vmem>> -> memref<1x16x128xf32, #tpu.memory_space<vmem>>
        %dma_wait3A_125 = tpu.memref_squeeze %dma_wait3A_124 : memref<1x16x128xf32, #tpu.memory_space<vmem>> -> memref<16x128xf32, #tpu.memory_space<vmem>>
        tpu.wait_dma2 semaphore(%run_scoped3A_97 : memref<!tpu.dma_semaphore, #tpu.memory_space<semaphore_mem>>) src(%dma_wait3A_125 : memref<16x128xf32, #tpu.memory_space<vmem>>) dst(%dma_wait3A_121 : memref<16x128xf32, #tpu.memory_space<vmem_shared>>)
        tpu.yield
      }) : () -> ()
    } else {
    }
    %barrier3A = arith.constant 0 : index
    tpu.barrier barrier_id(%barrier3A)
    %add3A_24 = arith.constant 0 : i32
    %add3A_25 = arith.addi %add3A, %add3A_24 : i32
    %mul3A_26 = arith.constant 128 : i32
    %mul3A_27 = arith.muli %add3A_25, %mul3A_26 : i32
    %multiple_of3A_28 = tpu.assume_multiple %mul3A_27, 128 : i32
    "tpu.region"() ({
      %run_scoped3A_96 = tpu.sem_alloc : memref<!tpu.dma_semaphore, #tpu.memory_space<semaphore_mem>>
      %dma_start3A_97 = tpu.memref_slice %arg3[%multiple_of3A_28] : memref<320000xi32, #tpu.memory_space<hbm>> -> memref<128xi32, #tpu.memory_space<hbm>>
      %dma_start3A_98 = tpu.memref_slice %arg3[%multiple_of3A_28] : memref<320000xi32, #tpu.memory_space<hbm>> -> memref<128xi32, #tpu.memory_space<hbm>>
      tpu.enqueue_dma source(%dma_start3A_98 : memref<128xi32, #tpu.memory_space<hbm>>) target(%arg6 : memref<128xi32, #tpu.memory_space<vmem>>) target_semaphore(%run_scoped3A_96 : memref<!tpu.dma_semaphore, #tpu.memory_space<semaphore_mem>>)
      %dma_wait3A_99 = tpu.memref_slice %arg3[%multiple_of3A_28] : memref<320000xi32, #tpu.memory_space<hbm>> -> memref<128xi32, #tpu.memory_space<hbm>>
      %dma_wait3A_100 = tpu.memref_slice %arg3[%multiple_of3A_28] : memref<320000xi32, #tpu.memory_space<hbm>> -> memref<128xi32, #tpu.memory_space<hbm>>
      tpu.wait_dma2 semaphore(%run_scoped3A_96 : memref<!tpu.dma_semaphore, #tpu.memory_space<semaphore_mem>>) src(%dma_wait3A_100 : memref<128xi32, #tpu.memory_space<hbm>>) dst(%arg6 : memref<128xi32, #tpu.memory_space<vmem>>)
      tpu.yield
    }) : () -> ()
    %dma_start3A = arith.constant 0 : i32
    %dma_start3A_29 = arith.constant 0 : i32
    %dma_start3A_30 = arith.constant 0 : i32
    %dma_start3A_31 = tpu.memref_slice %arg9[%dma_start3A, %dma_start3A_29, %dma_start3A_30] : memref<2x128x128xf32, #tpu.memory_space<vmem>> -> memref<1x128x128xf32, #tpu.memory_space<vmem>>
    %dma_start3A_32 = tpu.memref_squeeze %dma_start3A_31 : memref<1x128x128xf32, #tpu.memory_space<vmem>> -> memref<128x128xf32, #tpu.memory_space<vmem>>
    %dma_start3A_33 = arith.constant 0 : i32
    %dma_start3A_34 = arith.constant 0 : i32
    %dma_start3A_35 = tpu.memref_slice %arg2[%dma_start3A_33, %dma_start3A_34] : memref<10000x128xf32, #tpu.memory_space<hbm>> -> memref<10000x128xf32, #tpu.memory_space<hbm>>
    tpu.enqueue_indirect_dma source(%dma_start3A_35 : memref<10000x128xf32, #tpu.memory_space<hbm>>) target(%dma_start3A_32 : memref<128x128xf32, #tpu.memory_space<vmem>>) offsets(%arg6 : memref<128xi32, #tpu.memory_space<vmem>>) semaphore(%arg11 : memref<!tpu.dma_semaphore, #tpu.memory_space<semaphore_mem>>)
    %add3A_36 = arith.constant 32 : i32
    %add3A_37 = arith.addi %add3A, %add3A_36 : i32
    %mul3A_38 = arith.constant 128 : i32
    %mul3A_39 = arith.muli %add3A_37, %mul3A_38 : i32
    %multiple_of3A_40 = tpu.assume_multiple %mul3A_39, 128 : i32
    "tpu.region"() ({
      %run_scoped3A_96 = tpu.sem_alloc : memref<!tpu.dma_semaphore, #tpu.memory_space<semaphore_mem>>
      %dma_start3A_97 = tpu.memref_slice %arg3[%multiple_of3A_40] : memref<320000xi32, #tpu.memory_space<hbm>> -> memref<128xi32, #tpu.memory_space<hbm>>
      %dma_start3A_98 = tpu.memref_slice %arg3[%multiple_of3A_40] : memref<320000xi32, #tpu.memory_space<hbm>> -> memref<128xi32, #tpu.memory_space<hbm>>
      tpu.enqueue_dma source(%dma_start3A_98 : memref<128xi32, #tpu.memory_space<hbm>>) target(%arg7 : memref<128xi32, #tpu.memory_space<vmem>>) target_semaphore(%run_scoped3A_96 : memref<!tpu.dma_semaphore, #tpu.memory_space<semaphore_mem>>)
      %dma_wait3A_99 = tpu.memref_slice %arg3[%multiple_of3A_40] : memref<320000xi32, #tpu.memory_space<hbm>> -> memref<128xi32, #tpu.memory_space<hbm>>
      %dma_wait3A_100 = tpu.memref_slice %arg3[%multiple_of3A_40] : memref<320000xi32, #tpu.memory_space<hbm>> -> memref<128xi32, #tpu.memory_space<hbm>>
      tpu.wait_dma2 semaphore(%run_scoped3A_96 : memref<!tpu.dma_semaphore, #tpu.memory_space<semaphore_mem>>) src(%dma_wait3A_100 : memref<128xi32, #tpu.memory_space<hbm>>) dst(%arg7 : memref<128xi32, #tpu.memory_space<vmem>>)
      tpu.yield
    }) : () -> ()
    %dma_start3A_41 = arith.constant 1 : i32
    %dma_start3A_42 = arith.constant 0 : i32
    %dma_start3A_43 = arith.constant 0 : i32
    %dma_start3A_44 = tpu.memref_slice %arg9[%dma_start3A_41, %dma_start3A_42, %dma_start3A_43] : memref<2x128x128xf32, #tpu.memory_space<vmem>> -> memref<1x128x128xf32, #tpu.memory_space<vmem>>
    %dma_start3A_45 = tpu.memref_squeeze %dma_start3A_44 : memref<1x128x128xf32, #tpu.memory_space<vmem>> -> memref<128x128xf32, #tpu.memory_space<vmem>>
    %dma_start3A_46 = arith.constant 0 : i32
    %dma_start3A_47 = arith.constant 0 : i32
    %dma_start3A_48 = tpu.memref_slice %arg2[%dma_start3A_46, %dma_start3A_47] : memref<10000x128xf32, #tpu.memory_space<hbm>> -> memref<10000x128xf32, #tpu.memory_space<hbm>>
    tpu.enqueue_indirect_dma source(%dma_start3A_48 : memref<10000x128xf32, #tpu.memory_space<hbm>>) target(%dma_start3A_45 : memref<128x128xf32, #tpu.memory_space<vmem>>) offsets(%arg7 : memref<128xi32, #tpu.memory_space<vmem>>) semaphore(%arg12 : memref<!tpu.dma_semaphore, #tpu.memory_space<semaphore_mem>>)
    %scan3A_49 = arith.constant 0 : i32
    %scan3A_50 = arith.constant 38 : i32
    %scan3A_51 = arith.addi %scan3A_49, %scan3A_50 : i32
    %scan3A_52 = arith.constant 1 : i32
    scf.for %scan3A_96 = %scan3A_49 to %scan3A_51 step %scan3A_52  : i32 {
      %mul3A_97 = arith.constant 2 : i32
      %mul3A_98 = arith.muli %scan3A_96, %mul3A_97 : i32
      %add3A_99 = arith.constant 0 : i32
      %add3A_100 = arith.addi %add3A_99, %mul3A_98 : i32
      %add3A_101 = arith.constant 0 : i32
      %add3A_102 = arith.addi %add3A_100, %add3A_101 : i32
      %dma_wait3A_103 = arith.constant 0 : i32
      %dma_wait3A_104 = arith.constant 0 : i32
      %dma_wait3A_105 = arith.constant 0 : i32
      %dma_wait3A_106 = tpu.memref_slice %arg9[%dma_wait3A_103, %dma_wait3A_104, %dma_wait3A_105] : memref<2x128x128xf32, #tpu.memory_space<vmem>> -> memref<1x128x128xf32, #tpu.memory_space<vmem>>
      %dma_wait3A_107 = tpu.memref_squeeze %dma_wait3A_106 : memref<1x128x128xf32, #tpu.memory_space<vmem>> -> memref<128x128xf32, #tpu.memory_space<vmem>>
      %dma_wait3A_108 = arith.constant 0 : i32
      %dma_wait3A_109 = arith.constant 0 : i32
      %dma_wait3A_110 = tpu.memref_slice %arg2[%dma_wait3A_108, %dma_wait3A_109] : memref<10000x128xf32, #tpu.memory_space<hbm>> -> memref<10000x128xf32, #tpu.memory_space<hbm>>
      tpu.wait_indirect_dma semaphore(%arg11 : memref<!tpu.dma_semaphore, #tpu.memory_space<semaphore_mem>>) src(%dma_wait3A_110 : memref<10000x128xf32, #tpu.memory_space<hbm>>) dst(%dma_wait3A_107 : memref<128x128xf32, #tpu.memory_space<vmem>>)
      %mul3A_111 = arith.constant 32 : i32
      %mul3A_112 = arith.muli %mul3A_111, %add3A_102 : i32
      %add3A_113 = arith.addi %add3A, %mul3A_112 : i32
      %mul3A_114 = arith.constant 128 : i32
      %mul3A_115 = arith.muli %add3A_113, %mul3A_114 : i32
      %multiple_of3A_116 = tpu.assume_multiple %mul3A_115, 128 : i32
      "tpu.region"() ({
        %run_scoped3A_167 = tpu.sem_alloc : memref<!tpu.dma_semaphore, #tpu.memory_space<semaphore_mem>>
        %dma_start3A_168 = tpu.memref_slice %arg4[%multiple_of3A_116] : memref<320000xi32, #tpu.memory_space<hbm>> -> memref<128xi32, #tpu.memory_space<hbm>>
        %dma_start3A_169 = tpu.memref_slice %arg4[%multiple_of3A_116] : memref<320000xi32, #tpu.memory_space<hbm>> -> memref<128xi32, #tpu.memory_space<hbm>>
        tpu.enqueue_dma source(%dma_start3A_169 : memref<128xi32, #tpu.memory_space<hbm>>) target(%arg8 : memref<128xi32, #tpu.memory_space<vmem>>) target_semaphore(%run_scoped3A_167 : memref<!tpu.dma_semaphore, #tpu.memory_space<semaphore_mem>>)
        %dma_wait3A_170 = tpu.memref_slice %arg4[%multiple_of3A_116] : memref<320000xi32, #tpu.memory_space<hbm>> -> memref<128xi32, #tpu.memory_space<hbm>>
        %dma_wait3A_171 = tpu.memref_slice %arg4[%multiple_of3A_116] : memref<320000xi32, #tpu.memory_space<hbm>> -> memref<128xi32, #tpu.memory_space<hbm>>
        tpu.wait_dma2 semaphore(%run_scoped3A_167 : memref<!tpu.dma_semaphore, #tpu.memory_space<semaphore_mem>>) src(%dma_wait3A_171 : memref<128xi32, #tpu.memory_space<hbm>>) dst(%arg8 : memref<128xi32, #tpu.memory_space<vmem>>)
        tpu.yield
      }) : () -> ()
      %run_scoped3A_117 = arith.constant 0 : i32
      "tpu.region"() ({
        %run_scoped3A_167 = tpu.sem_alloc : memref<!tpu.dma_semaphore, #tpu.memory_space<semaphore_mem>>
        %dma_start3A_168 = arith.constant 0 : i32
        %dma_start3A_169 = arith.constant 0 : i32
        %dma_start3A_170 = tpu.memref_slice %arg9[%run_scoped3A_117, %dma_start3A_168, %dma_start3A_169] : memref<2x128x128xf32, #tpu.memory_space<vmem>> -> memref<1x128x128xf32, #tpu.memory_space<vmem>>
        %dma_start3A_171 = tpu.memref_squeeze %dma_start3A_170 : memref<1x128x128xf32, #tpu.memory_space<vmem>> -> memref<128x128xf32, #tpu.memory_space<vmem>>
        %dma_start3A_172 = arith.constant 0 : i32
        %dma_start3A_173 = arith.constant 0 : i32
        %dma_start3A_174 = tpu.memref_slice %arg10[%dma_start3A_172, %dma_start3A_173] : memref<10000x128xf32, #tpu.memory_space<vmem_shared>> -> memref<10000x128xf32, #tpu.memory_space<vmem_shared>>
        tpu.enqueue_indirect_dma source(%dma_start3A_171 : memref<128x128xf32, #tpu.memory_space<vmem>>) target(%dma_start3A_174 : memref<10000x128xf32, #tpu.memory_space<vmem_shared>>) offsets(%arg8 : memref<128xi32, #tpu.memory_space<vmem>>) semaphore(%run_scoped3A_167 : memref<!tpu.dma_semaphore, #tpu.memory_space<semaphore_mem>>) {add = true}
        %dma_wait3A_175 = arith.constant 0 : i32
        %dma_wait3A_176 = arith.constant 0 : i32
        %dma_wait3A_177 = tpu.memref_slice %arg9[%run_scoped3A_117, %dma_wait3A_175, %dma_wait3A_176] : memref<2x128x128xf32, #tpu.memory_space<vmem>> -> memref<1x128x128xf32, #tpu.memory_space<vmem>>
        %dma_wait3A_178 = tpu.memref_squeeze %dma_wait3A_177 : memref<1x128x128xf32, #tpu.memory_space<vmem>> -> memref<128x128xf32, #tpu.memory_space<vmem>>
        %dma_wait3A_179 = arith.constant 0 : i32
        %dma_wait3A_180 = arith.constant 0 : i32
        %dma_wait3A_181 = tpu.memref_slice %arg10[%dma_wait3A_179, %dma_wait3A_180] : memref<10000x128xf32, #tpu.memory_space<vmem_shared>> -> memref<10000x128xf32, #tpu.memory_space<vmem_shared>>
        tpu.wait_indirect_dma semaphore(%run_scoped3A_167 : memref<!tpu.dma_semaphore, #tpu.memory_space<semaphore_mem>>) src(%dma_wait3A_178 : memref<128x128xf32, #tpu.memory_space<vmem>>) dst(%dma_wait3A_181 : memref<10000x128xf32, #tpu.memory_space<vmem_shared>>)
        tpu.yield
      }) : () -> ()
      %add3A_118 = arith.constant 2 : i32
      %add3A_119 = arith.addi %add3A_102, %add3A_118 : i32
      %mul3A_120 = arith.constant 32 : i32
      %mul3A_121 = arith.muli %mul3A_120, %add3A_119 : i32
      %add3A_122 = arith.addi %add3A, %mul3A_121 : i32
      %mul3A_123 = arith.constant 128 : i32
      %mul3A_124 = arith.muli %add3A_122, %mul3A_123 : i32
      %multiple_of3A_125 = tpu.assume_multiple %mul3A_124, 128 : i32
      "tpu.region"() ({
        %run_scoped3A_167 = tpu.sem_alloc : memref<!tpu.dma_semaphore, #tpu.memory_space<semaphore_mem>>
        %dma_start3A_168 = tpu.memref_slice %arg3[%multiple_of3A_125] : memref<320000xi32, #tpu.memory_space<hbm>> -> memref<128xi32, #tpu.memory_space<hbm>>
        %dma_start3A_169 = tpu.memref_slice %arg3[%multiple_of3A_125] : memref<320000xi32, #tpu.memory_space<hbm>> -> memref<128xi32, #tpu.memory_space<hbm>>
        tpu.enqueue_dma source(%dma_start3A_169 : memref<128xi32, #tpu.memory_space<hbm>>) target(%arg6 : memref<128xi32, #tpu.memory_space<vmem>>) target_semaphore(%run_scoped3A_167 : memref<!tpu.dma_semaphore, #tpu.memory_space<semaphore_mem>>)
        %dma_wait3A_170 = tpu.memref_slice %arg3[%multiple_of3A_125] : memref<320000xi32, #tpu.memory_space<hbm>> -> memref<128xi32, #tpu.memory_space<hbm>>
        %dma_wait3A_171 = tpu.memref_slice %arg3[%multiple_of3A_125] : memref<320000xi32, #tpu.memory_space<hbm>> -> memref<128xi32, #tpu.memory_space<hbm>>
        tpu.wait_dma2 semaphore(%run_scoped3A_167 : memref<!tpu.dma_semaphore, #tpu.memory_space<semaphore_mem>>) src(%dma_wait3A_171 : memref<128xi32, #tpu.memory_space<hbm>>) dst(%arg6 : memref<128xi32, #tpu.memory_space<vmem>>)
        tpu.yield
      }) : () -> ()
      %dma_start3A_126 = arith.constant 0 : i32
      %dma_start3A_127 = arith.constant 0 : i32
      %dma_start3A_128 = arith.constant 0 : i32
      %dma_start3A_129 = tpu.memref_slice %arg9[%dma_start3A_126, %dma_start3A_127, %dma_start3A_128] : memref<2x128x128xf32, #tpu.memory_space<vmem>> -> memref<1x128x128xf32, #tpu.memory_space<vmem>>
      %dma_start3A_130 = tpu.memref_squeeze %dma_start3A_129 : memref<1x128x128xf32, #tpu.memory_space<vmem>> -> memref<128x128xf32, #tpu.memory_space<vmem>>
      %dma_start3A_131 = arith.constant 0 : i32
      %dma_start3A_132 = arith.constant 0 : i32
      %dma_start3A_133 = tpu.memref_slice %arg2[%dma_start3A_131, %dma_start3A_132] : memref<10000x128xf32, #tpu.memory_space<hbm>> -> memref<10000x128xf32, #tpu.memory_space<hbm>>
      tpu.enqueue_indirect_dma source(%dma_start3A_133 : memref<10000x128xf32, #tpu.memory_space<hbm>>) target(%dma_start3A_130 : memref<128x128xf32, #tpu.memory_space<vmem>>) offsets(%arg6 : memref<128xi32, #tpu.memory_space<vmem>>) semaphore(%arg11 : memref<!tpu.dma_semaphore, #tpu.memory_space<semaphore_mem>>)
      %add3A_134 = arith.constant 1 : i32
      %add3A_135 = arith.addi %add3A_100, %add3A_134 : i32
      %dma_wait3A_136 = arith.constant 1 : i32
      %dma_wait3A_137 = arith.constant 0 : i32
      %dma_wait3A_138 = arith.constant 0 : i32
      %dma_wait3A_139 = tpu.memref_slice %arg9[%dma_wait3A_136, %dma_wait3A_137, %dma_wait3A_138] : memref<2x128x128xf32, #tpu.memory_space<vmem>> -> memref<1x128x128xf32, #tpu.memory_space<vmem>>
      %dma_wait3A_140 = tpu.memref_squeeze %dma_wait3A_139 : memref<1x128x128xf32, #tpu.memory_space<vmem>> -> memref<128x128xf32, #tpu.memory_space<vmem>>
      %dma_wait3A_141 = arith.constant 0 : i32
      %dma_wait3A_142 = arith.constant 0 : i32
      %dma_wait3A_143 = tpu.memref_slice %arg2[%dma_wait3A_141, %dma_wait3A_142] : memref<10000x128xf32, #tpu.memory_space<hbm>> -> memref<10000x128xf32, #tpu.memory_space<hbm>>
      tpu.wait_indirect_dma semaphore(%arg12 : memref<!tpu.dma_semaphore, #tpu.memory_space<semaphore_mem>>) src(%dma_wait3A_143 : memref<10000x128xf32, #tpu.memory_space<hbm>>) dst(%dma_wait3A_140 : memref<128x128xf32, #tpu.memory_space<vmem>>)
      %mul3A_144 = arith.constant 32 : i32
      %mul3A_145 = arith.muli %mul3A_144, %add3A_135 : i32
      %add3A_146 = arith.addi %add3A, %mul3A_145 : i32
      %mul3A_147 = arith.constant 128 : i32
      %mul3A_148 = arith.muli %add3A_146, %mul3A_147 : i32
      %multiple_of3A_149 = tpu.assume_multiple %mul3A_148, 128 : i32
      "tpu.region"() ({
        %run_scoped3A_167 = tpu.sem_alloc : memref<!tpu.dma_semaphore, #tpu.memory_space<semaphore_mem>>
        %dma_start3A_168 = tpu.memref_slice %arg4[%multiple_of3A_149] : memref<320000xi32, #tpu.memory_space<hbm>> -> memref<128xi32, #tpu.memory_space<hbm>>
        %dma_start3A_169 = tpu.memref_slice %arg4[%multiple_of3A_149] : memref<320000xi32, #tpu.memory_space<hbm>> -> memref<128xi32, #tpu.memory_space<hbm>>
        tpu.enqueue_dma source(%dma_start3A_169 : memref<128xi32, #tpu.memory_space<hbm>>) target(%arg8 : memref<128xi32, #tpu.memory_space<vmem>>) target_semaphore(%run_scoped3A_167 : memref<!tpu.dma_semaphore, #tpu.memory_space<semaphore_mem>>)
        %dma_wait3A_170 = tpu.memref_slice %arg4[%multiple_of3A_149] : memref<320000xi32, #tpu.memory_space<hbm>> -> memref<128xi32, #tpu.memory_space<hbm>>
        %dma_wait3A_171 = tpu.memref_slice %arg4[%multiple_of3A_149] : memref<320000xi32, #tpu.memory_space<hbm>> -> memref<128xi32, #tpu.memory_space<hbm>>
        tpu.wait_dma2 semaphore(%run_scoped3A_167 : memref<!tpu.dma_semaphore, #tpu.memory_space<semaphore_mem>>) src(%dma_wait3A_171 : memref<128xi32, #tpu.memory_space<hbm>>) dst(%arg8 : memref<128xi32, #tpu.memory_space<vmem>>)
        tpu.yield
      }) : () -> ()
      %run_scoped3A_150 = arith.constant 1 : i32
      "tpu.region"() ({
        %run_scoped3A_167 = tpu.sem_alloc : memref<!tpu.dma_semaphore, #tpu.memory_space<semaphore_mem>>
        %dma_start3A_168 = arith.constant 0 : i32
        %dma_start3A_169 = arith.constant 0 : i32
        %dma_start3A_170 = tpu.memref_slice %arg9[%run_scoped3A_150, %dma_start3A_168, %dma_start3A_169] : memref<2x128x128xf32, #tpu.memory_space<vmem>> -> memref<1x128x128xf32, #tpu.memory_space<vmem>>
        %dma_start3A_171 = tpu.memref_squeeze %dma_start3A_170 : memref<1x128x128xf32, #tpu.memory_space<vmem>> -> memref<128x128xf32, #tpu.memory_space<vmem>>
        %dma_start3A_172 = arith.constant 0 : i32
        %dma_start3A_173 = arith.constant 0 : i32
        %dma_start3A_174 = tpu.memref_slice %arg10[%dma_start3A_172, %dma_start3A_173] : memref<10000x128xf32, #tpu.memory_space<vmem_shared>> -> memref<10000x128xf32, #tpu.memory_space<vmem_shared>>
        tpu.enqueue_indirect_dma source(%dma_start3A_171 : memref<128x128xf32, #tpu.memory_space<vmem>>) target(%dma_start3A_174 : memref<10000x128xf32, #tpu.memory_space<vmem_shared>>) offsets(%arg8 : memref<128xi32, #tpu.memory_space<vmem>>) semaphore(%run_scoped3A_167 : memref<!tpu.dma_semaphore, #tpu.memory_space<semaphore_mem>>) {add = true}
        %dma_wait3A_175 = arith.constant 0 : i32
        %dma_wait3A_176 = arith.constant 0 : i32
        %dma_wait3A_177 = tpu.memref_slice %arg9[%run_scoped3A_150, %dma_wait3A_175, %dma_wait3A_176] : memref<2x128x128xf32, #tpu.memory_space<vmem>> -> memref<1x128x128xf32, #tpu.memory_space<vmem>>
        %dma_wait3A_178 = tpu.memref_squeeze %dma_wait3A_177 : memref<1x128x128xf32, #tpu.memory_space<vmem>> -> memref<128x128xf32, #tpu.memory_space<vmem>>
        %dma_wait3A_179 = arith.constant 0 : i32
        %dma_wait3A_180 = arith.constant 0 : i32
        %dma_wait3A_181 = tpu.memref_slice %arg10[%dma_wait3A_179, %dma_wait3A_180] : memref<10000x128xf32, #tpu.memory_space<vmem_shared>> -> memref<10000x128xf32, #tpu.memory_space<vmem_shared>>
        tpu.wait_indirect_dma semaphore(%run_scoped3A_167 : memref<!tpu.dma_semaphore, #tpu.memory_space<semaphore_mem>>) src(%dma_wait3A_178 : memref<128x128xf32, #tpu.memory_space<vmem>>) dst(%dma_wait3A_181 : memref<10000x128xf32, #tpu.memory_space<vmem_shared>>)
        tpu.yield
      }) : () -> ()
      %add3A_151 = arith.constant 2 : i32
      %add3A_152 = arith.addi %add3A_135, %add3A_151 : i32
      %mul3A_153 = arith.constant 32 : i32
      %mul3A_154 = arith.muli %mul3A_153, %add3A_152 : i32
      %add3A_155 = arith.addi %add3A, %mul3A_154 : i32
      %mul3A_156 = arith.constant 128 : i32
      %mul3A_157 = arith.muli %add3A_155, %mul3A_156 : i32
      %multiple_of3A_158 = tpu.assume_multiple %mul3A_157, 128 : i32
      "tpu.region"() ({
        %run_scoped3A_167 = tpu.sem_alloc : memref<!tpu.dma_semaphore, #tpu.memory_space<semaphore_mem>>
        %dma_start3A_168 = tpu.memref_slice %arg3[%multiple_of3A_158] : memref<320000xi32, #tpu.memory_space<hbm>> -> memref<128xi32, #tpu.memory_space<hbm>>
        %dma_start3A_169 = tpu.memref_slice %arg3[%multiple_of3A_158] : memref<320000xi32, #tpu.memory_space<hbm>> -> memref<128xi32, #tpu.memory_space<hbm>>
        tpu.enqueue_dma source(%dma_start3A_169 : memref<128xi32, #tpu.memory_space<hbm>>) target(%arg7 : memref<128xi32, #tpu.memory_space<vmem>>) target_semaphore(%run_scoped3A_167 : memref<!tpu.dma_semaphore, #tpu.memory_space<semaphore_mem>>)
        %dma_wait3A_170 = tpu.memref_slice %arg3[%multiple_of3A_158] : memref<320000xi32, #tpu.memory_space<hbm>> -> memref<128xi32, #tpu.memory_space<hbm>>
        %dma_wait3A_171 = tpu.memref_slice %arg3[%multiple_of3A_158] : memref<320000xi32, #tpu.memory_space<hbm>> -> memref<128xi32, #tpu.memory_space<hbm>>
        tpu.wait_dma2 semaphore(%run_scoped3A_167 : memref<!tpu.dma_semaphore, #tpu.memory_space<semaphore_mem>>) src(%dma_wait3A_171 : memref<128xi32, #tpu.memory_space<hbm>>) dst(%arg7 : memref<128xi32, #tpu.memory_space<vmem>>)
        tpu.yield
      }) : () -> ()
      %dma_start3A_159 = arith.constant 1 : i32
      %dma_start3A_160 = arith.constant 0 : i32
      %dma_start3A_161 = arith.constant 0 : i32
      %dma_start3A_162 = tpu.memref_slice %arg9[%dma_start3A_159, %dma_start3A_160, %dma_start3A_161] : memref<2x128x128xf32, #tpu.memory_space<vmem>> -> memref<1x128x128xf32, #tpu.memory_space<vmem>>
      %dma_start3A_163 = tpu.memref_squeeze %dma_start3A_162 : memref<1x128x128xf32, #tpu.memory_space<vmem>> -> memref<128x128xf32, #tpu.memory_space<vmem>>
      %dma_start3A_164 = arith.constant 0 : i32
      %dma_start3A_165 = arith.constant 0 : i32
      %dma_start3A_166 = tpu.memref_slice %arg2[%dma_start3A_164, %dma_start3A_165] : memref<10000x128xf32, #tpu.memory_space<hbm>> -> memref<10000x128xf32, #tpu.memory_space<hbm>>
      tpu.enqueue_indirect_dma source(%dma_start3A_166 : memref<10000x128xf32, #tpu.memory_space<hbm>>) target(%dma_start3A_163 : memref<128x128xf32, #tpu.memory_space<vmem>>) offsets(%arg7 : memref<128xi32, #tpu.memory_space<vmem>>) semaphore(%arg12 : memref<!tpu.dma_semaphore, #tpu.memory_space<semaphore_mem>>)
    }
    %scan3A_53 = arith.constant 38 : i32
    %dma_wait3A = arith.constant 0 : i32
    %dma_wait3A_54 = arith.constant 0 : i32
    %dma_wait3A_55 = arith.constant 0 : i32
    %dma_wait3A_56 = tpu.memref_slice %arg9[%dma_wait3A, %dma_wait3A_54, %dma_wait3A_55] : memref<2x128x128xf32, #tpu.memory_space<vmem>> -> memref<1x128x128xf32, #tpu.memory_space<vmem>>
    %dma_wait3A_57 = tpu.memref_squeeze %dma_wait3A_56 : memref<1x128x128xf32, #tpu.memory_space<vmem>> -> memref<128x128xf32, #tpu.memory_space<vmem>>
    %dma_wait3A_58 = arith.constant 0 : i32
    %dma_wait3A_59 = arith.constant 0 : i32
    %dma_wait3A_60 = tpu.memref_slice %arg2[%dma_wait3A_58, %dma_wait3A_59] : memref<10000x128xf32, #tpu.memory_space<hbm>> -> memref<10000x128xf32, #tpu.memory_space<hbm>>
    tpu.wait_indirect_dma semaphore(%arg11 : memref<!tpu.dma_semaphore, #tpu.memory_space<semaphore_mem>>) src(%dma_wait3A_60 : memref<10000x128xf32, #tpu.memory_space<hbm>>) dst(%dma_wait3A_57 : memref<128x128xf32, #tpu.memory_space<vmem>>)
    %add3A_61 = arith.constant 2432 : i32
    %add3A_62 = arith.addi %add3A, %add3A_61 : i32
    %mul3A_63 = arith.constant 128 : i32
    %mul3A_64 = arith.muli %add3A_62, %mul3A_63 : i32
    %multiple_of3A_65 = tpu.assume_multiple %mul3A_64, 128 : i32
    "tpu.region"() ({
      %run_scoped3A_96 = tpu.sem_alloc : memref<!tpu.dma_semaphore, #tpu.memory_space<semaphore_mem>>
      %dma_start3A_97 = tpu.memref_slice %arg4[%multiple_of3A_65] : memref<320000xi32, #tpu.memory_space<hbm>> -> memref<128xi32, #tpu.memory_space<hbm>>
      %dma_start3A_98 = tpu.memref_slice %arg4[%multiple_of3A_65] : memref<320000xi32, #tpu.memory_space<hbm>> -> memref<128xi32, #tpu.memory_space<hbm>>
      tpu.enqueue_dma source(%dma_start3A_98 : memref<128xi32, #tpu.memory_space<hbm>>) target(%arg8 : memref<128xi32, #tpu.memory_space<vmem>>) target_semaphore(%run_scoped3A_96 : memref<!tpu.dma_semaphore, #tpu.memory_space<semaphore_mem>>)
      %dma_wait3A_99 = tpu.memref_slice %arg4[%multiple_of3A_65] : memref<320000xi32, #tpu.memory_space<hbm>> -> memref<128xi32, #tpu.memory_space<hbm>>
      %dma_wait3A_100 = tpu.memref_slice %arg4[%multiple_of3A_65] : memref<320000xi32, #tpu.memory_space<hbm>> -> memref<128xi32, #tpu.memory_space<hbm>>
      tpu.wait_dma2 semaphore(%run_scoped3A_96 : memref<!tpu.dma_semaphore, #tpu.memory_space<semaphore_mem>>) src(%dma_wait3A_100 : memref<128xi32, #tpu.memory_space<hbm>>) dst(%arg8 : memref<128xi32, #tpu.memory_space<vmem>>)
      tpu.yield
    }) : () -> ()
    %run_scoped3A_66 = arith.constant 0 : i32
    "tpu.region"() ({
      %run_scoped3A_96 = tpu.sem_alloc : memref<!tpu.dma_semaphore, #tpu.memory_space<semaphore_mem>>
      %dma_start3A_97 = arith.constant 0 : i32
      %dma_start3A_98 = arith.constant 0 : i32
      %dma_start3A_99 = tpu.memref_slice %arg9[%run_scoped3A_66, %dma_start3A_97, %dma_start3A_98] : memref<2x128x128xf32, #tpu.memory_space<vmem>> -> memref<1x128x128xf32, #tpu.memory_space<vmem>>
      %dma_start3A_100 = tpu.memref_squeeze %dma_start3A_99 : memref<1x128x128xf32, #tpu.memory_space<vmem>> -> memref<128x128xf32, #tpu.memory_space<vmem>>
      %dma_start3A_101 = arith.constant 0 : i32
      %dma_start3A_102 = arith.constant 0 : i32
      %dma_start3A_103 = tpu.memref_slice %arg10[%dma_start3A_101, %dma_start3A_102] : memref<10000x128xf32, #tpu.memory_space<vmem_shared>> -> memref<10000x128xf32, #tpu.memory_space<vmem_shared>>
      tpu.enqueue_indirect_dma source(%dma_start3A_100 : memref<128x128xf32, #tpu.memory_space<vmem>>) target(%dma_start3A_103 : memref<10000x128xf32, #tpu.memory_space<vmem_shared>>) offsets(%arg8 : memref<128xi32, #tpu.memory_space<vmem>>) semaphore(%run_scoped3A_96 : memref<!tpu.dma_semaphore, #tpu.memory_space<semaphore_mem>>) {add = true}
      %dma_wait3A_104 = arith.constant 0 : i32
      %dma_wait3A_105 = arith.constant 0 : i32
      %dma_wait3A_106 = tpu.memref_slice %arg9[%run_scoped3A_66, %dma_wait3A_104, %dma_wait3A_105] : memref<2x128x128xf32, #tpu.memory_space<vmem>> -> memref<1x128x128xf32, #tpu.memory_space<vmem>>
      %dma_wait3A_107 = tpu.memref_squeeze %dma_wait3A_106 : memref<1x128x128xf32, #tpu.memory_space<vmem>> -> memref<128x128xf32, #tpu.memory_space<vmem>>
      %dma_wait3A_108 = arith.constant 0 : i32
      %dma_wait3A_109 = arith.constant 0 : i32
      %dma_wait3A_110 = tpu.memref_slice %arg10[%dma_wait3A_108, %dma_wait3A_109] : memref<10000x128xf32, #tpu.memory_space<vmem_shared>> -> memref<10000x128xf32, #tpu.memory_space<vmem_shared>>
      tpu.wait_indirect_dma semaphore(%run_scoped3A_96 : memref<!tpu.dma_semaphore, #tpu.memory_space<semaphore_mem>>) src(%dma_wait3A_107 : memref<128x128xf32, #tpu.memory_space<vmem>>) dst(%dma_wait3A_110 : memref<10000x128xf32, #tpu.memory_space<vmem_shared>>)
      tpu.yield
    }) : () -> ()
    %lt3A = arith.constant 4 : i32
    %lt3A_67 = arith.cmpi slt, %add3A, %lt3A : i32
    %convert_element_type3A_68 = arith.extui %lt3A_67 : i1 to i32
    %cond3A_69 = arith.constant 0 : i32
    %cond3A_70 = arith.cmpi ne, %convert_element_type3A_68, %cond3A_69 : i32
    scf.if %cond3A_70 {
      %add3A_96 = arith.constant 2496 : i32
      %add3A_97 = arith.addi %add3A, %add3A_96 : i32
      %mul3A_98 = arith.constant 128 : i32
      %mul3A_99 = arith.muli %add3A_97, %mul3A_98 : i32
      %multiple_of3A_100 = tpu.assume_multiple %mul3A_99, 128 : i32
      "tpu.region"() ({
        %run_scoped3A_109 = tpu.sem_alloc : memref<!tpu.dma_semaphore, #tpu.memory_space<semaphore_mem>>
        %dma_start3A_110 = tpu.memref_slice %arg3[%multiple_of3A_100] : memref<320000xi32, #tpu.memory_space<hbm>> -> memref<128xi32, #tpu.memory_space<hbm>>
        %dma_start3A_111 = tpu.memref_slice %arg3[%multiple_of3A_100] : memref<320000xi32, #tpu.memory_space<hbm>> -> memref<128xi32, #tpu.memory_space<hbm>>
        tpu.enqueue_dma source(%dma_start3A_111 : memref<128xi32, #tpu.memory_space<hbm>>) target(%arg6 : memref<128xi32, #tpu.memory_space<vmem>>) target_semaphore(%run_scoped3A_109 : memref<!tpu.dma_semaphore, #tpu.memory_space<semaphore_mem>>)
        %dma_wait3A_112 = tpu.memref_slice %arg3[%multiple_of3A_100] : memref<320000xi32, #tpu.memory_space<hbm>> -> memref<128xi32, #tpu.memory_space<hbm>>
        %dma_wait3A_113 = tpu.memref_slice %arg3[%multiple_of3A_100] : memref<320000xi32, #tpu.memory_space<hbm>> -> memref<128xi32, #tpu.memory_space<hbm>>
        tpu.wait_dma2 semaphore(%run_scoped3A_109 : memref<!tpu.dma_semaphore, #tpu.memory_space<semaphore_mem>>) src(%dma_wait3A_113 : memref<128xi32, #tpu.memory_space<hbm>>) dst(%arg6 : memref<128xi32, #tpu.memory_space<vmem>>)
        tpu.yield
      }) : () -> ()
      %dma_start3A_101 = arith.constant 0 : i32
      %dma_start3A_102 = arith.constant 0 : i32
      %dma_start3A_103 = arith.constant 0 : i32
      %dma_start3A_104 = tpu.memref_slice %arg9[%dma_start3A_101, %dma_start3A_102, %dma_start3A_103] : memref<2x128x128xf32, #tpu.memory_space<vmem>> -> memref<1x128x128xf32, #tpu.memory_space<vmem>>
      %dma_start3A_105 = tpu.memref_squeeze %dma_start3A_104 : memref<1x128x128xf32, #tpu.memory_space<vmem>> -> memref<128x128xf32, #tpu.memory_space<vmem>>
      %dma_start3A_106 = arith.constant 0 : i32
      %dma_start3A_107 = arith.constant 0 : i32
      %dma_start3A_108 = tpu.memref_slice %arg2[%dma_start3A_106, %dma_start3A_107] : memref<10000x128xf32, #tpu.memory_space<hbm>> -> memref<10000x128xf32, #tpu.memory_space<hbm>>
      tpu.enqueue_indirect_dma source(%dma_start3A_108 : memref<10000x128xf32, #tpu.memory_space<hbm>>) target(%dma_start3A_105 : memref<128x128xf32, #tpu.memory_space<vmem>>) offsets(%arg6 : memref<128xi32, #tpu.memory_space<vmem>>) semaphore(%arg11 : memref<!tpu.dma_semaphore, #tpu.memory_space<semaphore_mem>>)
    } else {
    }
    %dma_wait3A_71 = arith.constant 1 : i32
    %dma_wait3A_72 = arith.constant 0 : i32
    %dma_wait3A_73 = arith.constant 0 : i32
    %dma_wait3A_74 = tpu.memref_slice %arg9[%dma_wait3A_71, %dma_wait3A_72, %dma_wait3A_73] : memref<2x128x128xf32, #tpu.memory_space<vmem>> -> memref<1x128x128xf32, #tpu.memory_space<vmem>>
    %dma_wait3A_75 = tpu.memref_squeeze %dma_wait3A_74 : memref<1x128x128xf32, #tpu.memory_space<vmem>> -> memref<128x128xf32, #tpu.memory_space<vmem>>
    %dma_wait3A_76 = arith.constant 0 : i32
    %dma_wait3A_77 = arith.constant 0 : i32
    %dma_wait3A_78 = tpu.memref_slice %arg2[%dma_wait3A_76, %dma_wait3A_77] : memref<10000x128xf32, #tpu.memory_space<hbm>> -> memref<10000x128xf32, #tpu.memory_space<hbm>>
    tpu.wait_indirect_dma semaphore(%arg12 : memref<!tpu.dma_semaphore, #tpu.memory_space<semaphore_mem>>) src(%dma_wait3A_78 : memref<10000x128xf32, #tpu.memory_space<hbm>>) dst(%dma_wait3A_75 : memref<128x128xf32, #tpu.memory_space<vmem>>)
    %add3A_79 = arith.constant 2464 : i32
    %add3A_80 = arith.addi %add3A, %add3A_79 : i32
    %mul3A_81 = arith.constant 128 : i32
    %mul3A_82 = arith.muli %add3A_80, %mul3A_81 : i32
    %multiple_of3A_83 = tpu.assume_multiple %mul3A_82, 128 : i32
    "tpu.region"() ({
      %run_scoped3A_96 = tpu.sem_alloc : memref<!tpu.dma_semaphore, #tpu.memory_space<semaphore_mem>>
      %dma_start3A_97 = tpu.memref_slice %arg4[%multiple_of3A_83] : memref<320000xi32, #tpu.memory_space<hbm>> -> memref<128xi32, #tpu.memory_space<hbm>>
      %dma_start3A_98 = tpu.memref_slice %arg4[%multiple_of3A_83] : memref<320000xi32, #tpu.memory_space<hbm>> -> memref<128xi32, #tpu.memory_space<hbm>>
      tpu.enqueue_dma source(%dma_start3A_98 : memref<128xi32, #tpu.memory_space<hbm>>) target(%arg8 : memref<128xi32, #tpu.memory_space<vmem>>) target_semaphore(%run_scoped3A_96 : memref<!tpu.dma_semaphore, #tpu.memory_space<semaphore_mem>>)
      %dma_wait3A_99 = tpu.memref_slice %arg4[%multiple_of3A_83] : memref<320000xi32, #tpu.memory_space<hbm>> -> memref<128xi32, #tpu.memory_space<hbm>>
      %dma_wait3A_100 = tpu.memref_slice %arg4[%multiple_of3A_83] : memref<320000xi32, #tpu.memory_space<hbm>> -> memref<128xi32, #tpu.memory_space<hbm>>
      tpu.wait_dma2 semaphore(%run_scoped3A_96 : memref<!tpu.dma_semaphore, #tpu.memory_space<semaphore_mem>>) src(%dma_wait3A_100 : memref<128xi32, #tpu.memory_space<hbm>>) dst(%arg8 : memref<128xi32, #tpu.memory_space<vmem>>)
      tpu.yield
    }) : () -> ()
    %run_scoped3A_84 = arith.constant 1 : i32
    "tpu.region"() ({
      %run_scoped3A_96 = tpu.sem_alloc : memref<!tpu.dma_semaphore, #tpu.memory_space<semaphore_mem>>
      %dma_start3A_97 = arith.constant 0 : i32
      %dma_start3A_98 = arith.constant 0 : i32
      %dma_start3A_99 = tpu.memref_slice %arg9[%run_scoped3A_84, %dma_start3A_97, %dma_start3A_98] : memref<2x128x128xf32, #tpu.memory_space<vmem>> -> memref<1x128x128xf32, #tpu.memory_space<vmem>>
      %dma_start3A_100 = tpu.memref_squeeze %dma_start3A_99 : memref<1x128x128xf32, #tpu.memory_space<vmem>> -> memref<128x128xf32, #tpu.memory_space<vmem>>
      %dma_start3A_101 = arith.constant 0 : i32
      %dma_start3A_102 = arith.constant 0 : i32
      %dma_start3A_103 = tpu.memref_slice %arg10[%dma_start3A_101, %dma_start3A_102] : memref<10000x128xf32, #tpu.memory_space<vmem_shared>> -> memref<10000x128xf32, #tpu.memory_space<vmem_shared>>
      tpu.enqueue_indirect_dma source(%dma_start3A_100 : memref<128x128xf32, #tpu.memory_space<vmem>>) target(%dma_start3A_103 : memref<10000x128xf32, #tpu.memory_space<vmem_shared>>) offsets(%arg8 : memref<128xi32, #tpu.memory_space<vmem>>) semaphore(%run_scoped3A_96 : memref<!tpu.dma_semaphore, #tpu.memory_space<semaphore_mem>>) {add = true}
      %dma_wait3A_104 = arith.constant 0 : i32
      %dma_wait3A_105 = arith.constant 0 : i32
      %dma_wait3A_106 = tpu.memref_slice %arg9[%run_scoped3A_84, %dma_wait3A_104, %dma_wait3A_105] : memref<2x128x128xf32, #tpu.memory_space<vmem>> -> memref<1x128x128xf32, #tpu.memory_space<vmem>>
      %dma_wait3A_107 = tpu.memref_squeeze %dma_wait3A_106 : memref<1x128x128xf32, #tpu.memory_space<vmem>> -> memref<128x128xf32, #tpu.memory_space<vmem>>
      %dma_wait3A_108 = arith.constant 0 : i32
      %dma_wait3A_109 = arith.constant 0 : i32
      %dma_wait3A_110 = tpu.memref_slice %arg10[%dma_wait3A_108, %dma_wait3A_109] : memref<10000x128xf32, #tpu.memory_space<vmem_shared>> -> memref<10000x128xf32, #tpu.memory_space<vmem_shared>>
      tpu.wait_indirect_dma semaphore(%run_scoped3A_96 : memref<!tpu.dma_semaphore, #tpu.memory_space<semaphore_mem>>) src(%dma_wait3A_107 : memref<128x128xf32, #tpu.memory_space<vmem>>) dst(%dma_wait3A_110 : memref<10000x128xf32, #tpu.memory_space<vmem_shared>>)
      tpu.yield
    }) : () -> ()
    %lt3A_85 = arith.constant 4 : i32
    %lt3A_86 = arith.cmpi slt, %add3A, %lt3A_85 : i32
    %convert_element_type3A_87 = arith.extui %lt3A_86 : i1 to i32
    %cond3A_88 = arith.constant 0 : i32
    %cond3A_89 = arith.cmpi ne, %convert_element_type3A_87, %cond3A_88 : i32
    scf.if %cond3A_89 {
      %dma_wait3A_96 = arith.constant 0 : i32
      %dma_wait3A_97 = arith.constant 0 : i32
      %dma_wait3A_98 = arith.constant 0 : i32
      %dma_wait3A_99 = tpu.memref_slice %arg9[%dma_wait3A_96, %dma_wait3A_97, %dma_wait3A_98] : memref<2x128x128xf32, #tpu.memory_space<vmem>> -> memref<1x128x128xf32, #tpu.memory_space<vmem>>
      %dma_wait3A_100 = tpu.memref_squeeze %dma_wait3A_99 : memref<1x128x128xf32, #tpu.memory_space<vmem>> -> memref<128x128xf32, #tpu.memory_space<vmem>>
      %dma_wait3A_101 = arith.constant 0 : i32
      %dma_wait3A_102 = arith.constant 0 : i32
      %dma_wait3A_103 = tpu.memref_slice %arg2[%dma_wait3A_101, %dma_wait3A_102] : memref<10000x128xf32, #tpu.memory_space<hbm>> -> memref<10000x128xf32, #tpu.memory_space<hbm>>
      tpu.wait_indirect_dma semaphore(%arg11 : memref<!tpu.dma_semaphore, #tpu.memory_space<semaphore_mem>>) src(%dma_wait3A_103 : memref<10000x128xf32, #tpu.memory_space<hbm>>) dst(%dma_wait3A_100 : memref<128x128xf32, #tpu.memory_space<vmem>>)
      %add3A_104 = arith.constant 2496 : i32
      %add3A_105 = arith.addi %add3A, %add3A_104 : i32
      %mul3A_106 = arith.constant 128 : i32
      %mul3A_107 = arith.muli %add3A_105, %mul3A_106 : i32
      %multiple_of3A_108 = tpu.assume_multiple %mul3A_107, 128 : i32
      "tpu.region"() ({
        %run_scoped3A_110 = tpu.sem_alloc : memref<!tpu.dma_semaphore, #tpu.memory_space<semaphore_mem>>
        %dma_start3A_111 = tpu.memref_slice %arg4[%multiple_of3A_108] : memref<320000xi32, #tpu.memory_space<hbm>> -> memref<128xi32, #tpu.memory_space<hbm>>
        %dma_start3A_112 = tpu.memref_slice %arg4[%multiple_of3A_108] : memref<320000xi32, #tpu.memory_space<hbm>> -> memref<128xi32, #tpu.memory_space<hbm>>
        tpu.enqueue_dma source(%dma_start3A_112 : memref<128xi32, #tpu.memory_space<hbm>>) target(%arg8 : memref<128xi32, #tpu.memory_space<vmem>>) target_semaphore(%run_scoped3A_110 : memref<!tpu.dma_semaphore, #tpu.memory_space<semaphore_mem>>)
        %dma_wait3A_113 = tpu.memref_slice %arg4[%multiple_of3A_108] : memref<320000xi32, #tpu.memory_space<hbm>> -> memref<128xi32, #tpu.memory_space<hbm>>
        %dma_wait3A_114 = tpu.memref_slice %arg4[%multiple_of3A_108] : memref<320000xi32, #tpu.memory_space<hbm>> -> memref<128xi32, #tpu.memory_space<hbm>>
        tpu.wait_dma2 semaphore(%run_scoped3A_110 : memref<!tpu.dma_semaphore, #tpu.memory_space<semaphore_mem>>) src(%dma_wait3A_114 : memref<128xi32, #tpu.memory_space<hbm>>) dst(%arg8 : memref<128xi32, #tpu.memory_space<vmem>>)
        tpu.yield
      }) : () -> ()
      %run_scoped3A_109 = arith.constant 0 : i32
      "tpu.region"() ({
        %run_scoped3A_110 = tpu.sem_alloc : memref<!tpu.dma_semaphore, #tpu.memory_space<semaphore_mem>>
        %dma_start3A_111 = arith.constant 0 : i32
        %dma_start3A_112 = arith.constant 0 : i32
        %dma_start3A_113 = tpu.memref_slice %arg9[%run_scoped3A_109, %dma_start3A_111, %dma_start3A_112] : memref<2x128x128xf32, #tpu.memory_space<vmem>> -> memref<1x128x128xf32, #tpu.memory_space<vmem>>
        %dma_start3A_114 = tpu.memref_squeeze %dma_start3A_113 : memref<1x128x128xf32, #tpu.memory_space<vmem>> -> memref<128x128xf32, #tpu.memory_space<vmem>>
        %dma_start3A_115 = arith.constant 0 : i32
        %dma_start3A_116 = arith.constant 0 : i32
        %dma_start3A_117 = tpu.memref_slice %arg10[%dma_start3A_115, %dma_start3A_116] : memref<10000x128xf32, #tpu.memory_space<vmem_shared>> -> memref<10000x128xf32, #tpu.memory_space<vmem_shared>>
        tpu.enqueue_indirect_dma source(%dma_start3A_114 : memref<128x128xf32, #tpu.memory_space<vmem>>) target(%dma_start3A_117 : memref<10000x128xf32, #tpu.memory_space<vmem_shared>>) offsets(%arg8 : memref<128xi32, #tpu.memory_space<vmem>>) semaphore(%run_scoped3A_110 : memref<!tpu.dma_semaphore, #tpu.memory_space<semaphore_mem>>) {add = true}
        %dma_wait3A_118 = arith.constant 0 : i32
        %dma_wait3A_119 = arith.constant 0 : i32
        %dma_wait3A_120 = tpu.memref_slice %arg9[%run_scoped3A_109, %dma_wait3A_118, %dma_wait3A_119] : memref<2x128x128xf32, #tpu.memory_space<vmem>> -> memref<1x128x128xf32, #tpu.memory_space<vmem>>
        %dma_wait3A_121 = tpu.memref_squeeze %dma_wait3A_120 : memref<1x128x128xf32, #tpu.memory_space<vmem>> -> memref<128x128xf32, #tpu.memory_space<vmem>>
        %dma_wait3A_122 = arith.constant 0 : i32
        %dma_wait3A_123 = arith.constant 0 : i32
        %dma_wait3A_124 = tpu.memref_slice %arg10[%dma_wait3A_122, %dma_wait3A_123] : memref<10000x128xf32, #tpu.memory_space<vmem_shared>> -> memref<10000x128xf32, #tpu.memory_space<vmem_shared>>
        tpu.wait_indirect_dma semaphore(%run_scoped3A_110 : memref<!tpu.dma_semaphore, #tpu.memory_space<semaphore_mem>>) src(%dma_wait3A_121 : memref<128x128xf32, #tpu.memory_space<vmem>>) dst(%dma_wait3A_124 : memref<10000x128xf32, #tpu.memory_space<vmem_shared>>)
        tpu.yield
      }) : () -> ()
    } else {
    }
    %barrier3A_90 = arith.constant 0 : index
    tpu.barrier barrier_id(%barrier3A_90)
    "tpu.region"() ({
      %run_scoped3A_96 = tpu.sem_alloc : memref<!tpu.dma_semaphore, #tpu.memory_space<semaphore_mem>>
      %dma_start3A_97 = arith.constant 0 : i32
      %dma_start3A_98 = tpu.memref_slice %arg5[%arg0, %multiple_of3A, %dma_start3A_97] : memref<2x10000x128xf32, #tpu.memory_space<hbm>> -> memref<1x624x128xf32, #tpu.memory_space<hbm>>
      %dma_start3A_99 = tpu.memref_squeeze %dma_start3A_98 : memref<1x624x128xf32, #tpu.memory_space<hbm>> -> memref<624x128xf32, #tpu.memory_space<hbm>>
      %dma_start3A_100 = arith.constant 0 : i32
      %dma_start3A_101 = tpu.memref_slice %arg10[%multiple_of3A, %dma_start3A_100] : memref<10000x128xf32, #tpu.memory_space<vmem_shared>> -> memref<624x128xf32, #tpu.memory_space<vmem_shared>>
      tpu.enqueue_dma source(%dma_start3A_101 : memref<624x128xf32, #tpu.memory_space<vmem_shared>>) target(%dma_start3A_99 : memref<624x128xf32, #tpu.memory_space<hbm>>) target_semaphore(%run_scoped3A_96 : memref<!tpu.dma_semaphore, #tpu.memory_space<semaphore_mem>>)
      %dma_wait3A_102 = arith.constant 0 : i32
      %dma_wait3A_103 = tpu.memref_slice %arg5[%arg0, %multiple_of3A, %dma_wait3A_102] : memref<2x10000x128xf32, #tpu.memory_space<hbm>> -> memref<1x624x128xf32, #tpu.memory_space<hbm>>
      %dma_wait3A_104 = tpu.memref_squeeze %dma_wait3A_103 : memref<1x624x128xf32, #tpu.memory_space<hbm>> -> memref<624x128xf32, #tpu.memory_space<hbm>>
      %dma_wait3A_105 = arith.constant 0 : i32
      %dma_wait3A_106 = tpu.memref_slice %arg10[%multiple_of3A, %dma_wait3A_105] : memref<10000x128xf32, #tpu.memory_space<vmem_shared>> -> memref<624x128xf32, #tpu.memory_space<vmem_shared>>
      tpu.wait_dma2 semaphore(%run_scoped3A_96 : memref<!tpu.dma_semaphore, #tpu.memory_space<semaphore_mem>>) src(%dma_wait3A_106 : memref<624x128xf32, #tpu.memory_space<vmem_shared>>) dst(%dma_wait3A_104 : memref<624x128xf32, #tpu.memory_space<hbm>>)
      tpu.yield
    }) : () -> ()
    %eq3A_91 = arith.constant 15 : i32
    %eq3A_92 = arith.cmpi eq, %arg1, %eq3A_91 : i32
    %convert_element_type3A_93 = arith.extui %eq3A_92 : i1 to i32
    %cond3A_94 = arith.constant 0 : i32
    %cond3A_95 = arith.cmpi ne, %convert_element_type3A_93, %cond3A_94 : i32
    scf.if %cond3A_95 {
      "tpu.region"() ({
        %run_scoped3A_96 = tpu.sem_alloc : memref<!tpu.dma_semaphore, #tpu.memory_space<semaphore_mem>>
        %dma_start3A_97 = arith.constant 9984 : i32
        %dma_start3A_98 = arith.constant 0 : i32
        %dma_start3A_99 = tpu.memref_slice %arg5[%arg0, %dma_start3A_97, %dma_start3A_98] : memref<2x10000x128xf32, #tpu.memory_space<hbm>> -> memref<1x16x128xf32, #tpu.memory_space<hbm>>
        %dma_start3A_100 = tpu.memref_squeeze %dma_start3A_99 : memref<1x16x128xf32, #tpu.memory_space<hbm>> -> memref<16x128xf32, #tpu.memory_space<hbm>>
        %dma_start3A_101 = arith.constant 9984 : i32
        %dma_start3A_102 = arith.constant 0 : i32
        %dma_start3A_103 = tpu.memref_slice %arg10[%dma_start3A_101, %dma_start3A_102] : memref<10000x128xf32, #tpu.memory_space<vmem_shared>> -> memref<16x128xf32, #tpu.memory_space<vmem_shared>>
        tpu.enqueue_dma source(%dma_start3A_103 : memref<16x128xf32, #tpu.memory_space<vmem_shared>>) target(%dma_start3A_100 : memref<16x128xf32, #tpu.memory_space<hbm>>) target_semaphore(%run_scoped3A_96 : memref<!tpu.dma_semaphore, #tpu.memory_space<semaphore_mem>>)
        %dma_wait3A_104 = arith.constant 9984 : i32
        %dma_wait3A_105 = arith.constant 0 : i32
        %dma_wait3A_106 = tpu.memref_slice %arg5[%arg0, %dma_wait3A_104, %dma_wait3A_105] : memref<2x10000x128xf32, #tpu.memory_space<hbm>> -> memref<1x16x128xf32, #tpu.memory_space<hbm>>
        %dma_wait3A_107 = tpu.memref_squeeze %dma_wait3A_106 : memref<1x16x128xf32, #tpu.memory_space<hbm>> -> memref<16x128xf32, #tpu.memory_space<hbm>>
        %dma_wait3A_108 = arith.constant 9984 : i32
        %dma_wait3A_109 = arith.constant 0 : i32
        %dma_wait3A_110 = tpu.memref_slice %arg10[%dma_wait3A_108, %dma_wait3A_109] : memref<10000x128xf32, #tpu.memory_space<vmem_shared>> -> memref<16x128xf32, #tpu.memory_space<vmem_shared>>
        tpu.wait_dma2 semaphore(%run_scoped3A_96 : memref<!tpu.dma_semaphore, #tpu.memory_space<semaphore_mem>>) src(%dma_wait3A_110 : memref<16x128xf32, #tpu.memory_space<vmem_shared>>) dst(%dma_wait3A_107 : memref<16x128xf32, #tpu.memory_space<hbm>>)
        tpu.yield
      }) : () -> ()
    } else {
    }
    return
  }
}

module attributes {stable_mosaic.version = 14 : i64} {
  func.func @_final_body(%arg0: i32, %arg1: memref<2x1000x16xf32, #tpu.memory_space<vmem>>, %arg2: memref<1000x128xf32, #tpu.memory_space<vmem>>, %arg3: memref<2x1000x128xf32, #tpu.memory_space<vmem>>, %arg4: memref<1x128xf32, #tpu.memory_space<vmem>>, %arg5: memref<1000x128xf32, #tpu.memory_space<vmem>>) attributes {dimension_semantics = [#tpu.dimension_semantics<arbitrary>], iteration_bounds = array<i64: 10>, scalar_prefetch = 0 : i64, scratch_operands = 0 : i64, tpu.core_type = #tpu.core_type<tc>, window_params = [{transform_indices = @transform_0, window_bounds = array<i64: 2, 1000, 16>}, {transform_indices = @transform_1, window_bounds = array<i64: 1000, 128>}, {transform_indices = @transform_2, window_bounds = array<i64: 2, 1000, 128>}, {pipeline_mode = #tpu.pipeline_mode<synchronous>, transform_indices = @transform_3, window_bounds = array<i64: 1, 128>}, {transform_indices = @transform_4, window_bounds = array<i64: 1000, 128>}]} {
    %get3A = arith.constant 0 : index
    %get3A_0 = arith.constant 0 : index
    %get3A_1 = arith.constant 0 : index
    %get3A_2 = vector.load %arg1[%get3A, %get3A_0, %get3A_1] : memref<2x1000x16xf32, #tpu.memory_space<vmem>>, vector<2x1000x16xf32>
    %slice3A = vector.extract_strided_slice %get3A_2 {offsets = [0, 0, 0], sizes = [1, 1000, 1], strides = [1, 1, 1]} : vector<2x1000x16xf32> to vector<1x1000x1xf32>
    %squeeze3A = vector.shape_cast %slice3A : vector<1x1000x1xf32> to vector<1000x1xf32>
    %add3A = arith.constant 1.000000e+00 : f32
    %add3A_3 = vector.broadcast %add3A : f32 to vector<1000x1xf32>
    %add3A_4 = arith.addf %add3A_3, %squeeze3A : vector<1000x1xf32>
    %slice3A_5 = vector.extract_strided_slice %get3A_2 {offsets = [1, 0, 0], sizes = [1, 1000, 1], strides = [1, 1, 1]} : vector<2x1000x16xf32> to vector<1x1000x1xf32>
    %squeeze3A_6 = vector.shape_cast %slice3A_5 : vector<1x1000x1xf32> to vector<1000x1xf32>
    %add3A_7 = arith.addf %add3A_4, %squeeze3A_6 : vector<1000x1xf32>
    %rsqrt3A = math.rsqrt %add3A_7 : vector<1000x1xf32>
    %get3A_8 = arith.constant 0 : index
    %get3A_9 = arith.constant 0 : index
    %get3A_10 = arith.constant 0 : index
    %get3A_11 = vector.load %arg3[%get3A_8, %get3A_9, %get3A_10] : memref<2x1000x128xf32, #tpu.memory_space<vmem>>, vector<2x1000x128xf32>
    %get3A_12 = arith.constant 0 : index
    %get3A_13 = arith.constant 0 : index
    %get3A_14 = vector.load %arg2[%get3A_12, %get3A_13] : memref<1000x128xf32, #tpu.memory_space<vmem>>, vector<1000x128xf32>
    %slice3A_15 = vector.extract_strided_slice %get3A_11 {offsets = [0, 0, 0], sizes = [1, 1000, 128], strides = [1, 1, 1]} : vector<2x1000x128xf32> to vector<1x1000x128xf32>
    %squeeze3A_16 = vector.shape_cast %slice3A_15 : vector<1x1000x128xf32> to vector<1000x128xf32>
    %add3A_17 = arith.addf %get3A_14, %squeeze3A_16 : vector<1000x128xf32>
    %slice3A_18 = vector.extract_strided_slice %get3A_11 {offsets = [1, 0, 0], sizes = [1, 1000, 128], strides = [1, 1, 1]} : vector<2x1000x128xf32> to vector<1x1000x128xf32>
    %squeeze3A_19 = vector.shape_cast %slice3A_18 : vector<1x1000x128xf32> to vector<1000x128xf32>
    %add3A_20 = arith.addf %add3A_17, %squeeze3A_19 : vector<1000x128xf32>
    %mul3A = vector.broadcast %rsqrt3A : vector<1000x1xf32> to vector<1000x128xf32>
    %mul3A_21 = arith.mulf %add3A_20, %mul3A : vector<1000x128xf32>
    %get3A_22 = arith.constant 0 : index
    %get3A_23 = arith.constant 0 : index
    %get3A_24 = vector.load %arg4[%get3A_22, %get3A_23] : memref<1x128xf32, #tpu.memory_space<vmem>>, vector<1x128xf32>
    %add3A_25 = vector.broadcast %get3A_24 : vector<1x128xf32> to vector<1000x128xf32>
    %add3A_26 = arith.addf %mul3A_21, %add3A_25 : vector<1000x128xf32>
    %swap3A = arith.constant 0 : index
    %swap3A_27 = arith.constant 0 : index
    %swap3A_28 = vector.load %arg5[%swap3A, %swap3A_27] : memref<1000x128xf32, #tpu.memory_space<vmem>>, vector<1000x128xf32>
    tpu.vector_store %arg5[%swap3A, %swap3A_27], %add3A_26 {strides = array<i32>} : memref<1000x128xf32, #tpu.memory_space<vmem>>, vector<1000x128xf32>,
    return
  }
  func.func @transform_0(%arg0: i32) -> (i32, i32, i32) {
    %c0_i32 = arith.constant 0 : i32
    %c0_i32_0 = arith.constant 0 : i32
    %c0_i32_1 = arith.constant 0 : i32
    return %c0_i32, %arg0, %c0_i32_0 : i32, i32, i32
  }
  func.func @transform_1(%arg0: i32) -> (i32, i32) {
    %c0_i32 = arith.constant 0 : i32
    %c0_i32_0 = arith.constant 0 : i32
    return %arg0, %c0_i32 : i32, i32
  }
  func.func @transform_2(%arg0: i32) -> (i32, i32, i32) {
    %c0_i32 = arith.constant 0 : i32
    %c0_i32_0 = arith.constant 0 : i32
    %c0_i32_1 = arith.constant 0 : i32
    return %c0_i32, %arg0, %c0_i32_0 : i32, i32, i32
  }
  func.func @transform_3(%arg0: i32) -> (i32, i32) {
    %c0_i32 = arith.constant 0 : i32
    %c0_i32_0 = arith.constant 0 : i32
    %c0_i32_1 = arith.constant 0 : i32
    return %c0_i32, %c0_i32_0 : i32, i32
  }
  func.func @transform_4(%arg0: i32) -> (i32, i32) {
    %c0_i32 = arith.constant 0 : i32
    %c0_i32_0 = arith.constant 0 : i32
    return %arg0, %c0_i32 : i32, i32
  }
}

module attributes {stable_mosaic.version = 14 : i64} {
  func.func @_mm_scale_body(%arg0: i32, %arg1: memref<2x1000x16xf32, #tpu.memory_space<vmem>>, %arg2: memref<1000x128xf32, #tpu.memory_space<vmem>>, %arg3: memref<128x128xf32, #tpu.memory_space<vmem>>, %arg4: memref<1000x128xf32, #tpu.memory_space<vmem>>) attributes {dimension_semantics = [#tpu.dimension_semantics<arbitrary>], iteration_bounds = array<i64: 10>, scalar_prefetch = 0 : i64, scratch_operands = 0 : i64, tpu.core_type = #tpu.core_type<tc>, window_params = [{transform_indices = @transform_0, window_bounds = array<i64: 2, 1000, 16>}, {transform_indices = @transform_1, window_bounds = array<i64: 1000, 128>}, {pipeline_mode = #tpu.pipeline_mode<synchronous>, transform_indices = @transform_2, window_bounds = array<i64: 128, 128>}, {transform_indices = @transform_3, window_bounds = array<i64: 1000, 128>}]} {
    %get3A = arith.constant 0 : index
    %get3A_0 = arith.constant 0 : index
    %get3A_1 = arith.constant 0 : index
    %get3A_2 = vector.load %arg1[%get3A, %get3A_0, %get3A_1] : memref<2x1000x16xf32, #tpu.memory_space<vmem>>, vector<2x1000x16xf32>
    %slice3A = vector.extract_strided_slice %get3A_2 {offsets = [0, 0, 0], sizes = [1, 1000, 1], strides = [1, 1, 1]} : vector<2x1000x16xf32> to vector<1x1000x1xf32>
    %squeeze3A = vector.shape_cast %slice3A : vector<1x1000x1xf32> to vector<1000x1xf32>
    %add3A = arith.constant 1.000000e+00 : f32
    %add3A_3 = vector.broadcast %add3A : f32 to vector<1000x1xf32>
    %add3A_4 = arith.addf %add3A_3, %squeeze3A : vector<1000x1xf32>
    %slice3A_5 = vector.extract_strided_slice %get3A_2 {offsets = [1, 0, 0], sizes = [1, 1000, 1], strides = [1, 1, 1]} : vector<2x1000x16xf32> to vector<1x1000x1xf32>
    %squeeze3A_6 = vector.shape_cast %slice3A_5 : vector<1x1000x1xf32> to vector<1000x1xf32>
    %add3A_7 = arith.addf %add3A_4, %squeeze3A_6 : vector<1000x1xf32>
    %rsqrt3A = math.rsqrt %add3A_7 : vector<1000x1xf32>
    %get3A_8 = arith.constant 0 : index
    %get3A_9 = arith.constant 0 : index
    %get3A_10 = vector.load %arg2[%get3A_8, %get3A_9] : memref<1000x128xf32, #tpu.memory_space<vmem>>, vector<1000x128xf32>
    %get3A_11 = arith.constant 0 : index
    %get3A_12 = arith.constant 0 : index
    %get3A_13 = vector.load %arg3[%get3A_11, %get3A_12] : memref<128x128xf32, #tpu.memory_space<vmem>>, vector<128x128xf32>
    %dot_general3A = arith.constant dense<0.000000e+00> : vector<1000x128xf32>
    %dot_general3A_14 = tpu.matmul %get3A_10, %get3A_13, %dot_general3A {dimension_numbers = #tpu.dot_dimension_numbers<[1], [0], [0], [1], [0, 0, 1, 1], [], []>, transpose_lhs_hint = false} : vector<1000x128xf32>, vector<128x128xf32>, vector<1000x128xf32> -> vector<1000x128xf32>
    %mul3A = vector.broadcast %rsqrt3A : vector<1000x1xf32> to vector<1000x128xf32>
    %mul3A_15 = arith.mulf %dot_general3A_14, %mul3A : vector<1000x128xf32>
    %swap3A = arith.constant 0 : index
    %swap3A_16 = arith.constant 0 : index
    %swap3A_17 = vector.load %arg4[%swap3A, %swap3A_16] : memref<1000x128xf32, #tpu.memory_space<vmem>>, vector<1000x128xf32>
    tpu.vector_store %arg4[%swap3A, %swap3A_16], %mul3A_15 {strides = array<i32>} : memref<1000x128xf32, #tpu.memory_space<vmem>>, vector<1000x128xf32>,
    return
  }
  func.func @transform_0(%arg0: i32) -> (i32, i32, i32) {
    %c0_i32 = arith.constant 0 : i32
    %c0_i32_0 = arith.constant 0 : i32
    %c0_i32_1 = arith.constant 0 : i32
    return %c0_i32, %arg0, %c0_i32_0 : i32, i32, i32
  }
  func.func @transform_1(%arg0: i32) -> (i32, i32) {
    %c0_i32 = arith.constant 0 : i32
    %c0_i32_0 = arith.constant 0 : i32
    return %arg0, %c0_i32 : i32, i32
  }
  func.func @transform_2(%arg0: i32) -> (i32, i32) {
    %c0_i32 = arith.constant 0 : i32
    %c0_i32_0 = arith.constant 0 : i32
    %c0_i32_1 = arith.constant 0 : i32
    return %c0_i32, %c0_i32_0 : i32, i32
  }
  func.func @transform_3(%arg0: i32) -> (i32, i32) {
    %c0_i32 = arith.constant 0 : i32
    %c0_i32_0 = arith.constant 0 : i32
    return %arg0, %c0_i32 : i32, i32
  }
}

module attributes {stable_mosaic.version = 14 : i64} {
  func.func @_layer2_body(%arg0: i32, %arg1: memref<2x1000x16xf32, #tpu.memory_space<vmem>>, %arg2: memref<1000x128xf32, #tpu.memory_space<vmem>>, %arg3: memref<2x1000x128xf32, #tpu.memory_space<vmem>>, %arg4: memref<1x128xf32, #tpu.memory_space<vmem>>, %arg5: memref<128x128xf32, #tpu.memory_space<vmem>>, %arg6: memref<1000x128xf32, #tpu.memory_space<vmem>>) attributes {dimension_semantics = [#tpu.dimension_semantics<arbitrary>], iteration_bounds = array<i64: 10>, scalar_prefetch = 0 : i64, scratch_operands = 0 : i64, tpu.core_type = #tpu.core_type<tc>, window_params = [{transform_indices = @transform_0, window_bounds = array<i64: 2, 1000, 16>}, {transform_indices = @transform_1, window_bounds = array<i64: 1000, 128>}, {transform_indices = @transform_2, window_bounds = array<i64: 2, 1000, 128>}, {pipeline_mode = #tpu.pipeline_mode<synchronous>, transform_indices = @transform_3, window_bounds = array<i64: 1, 128>}, {pipeline_mode = #tpu.pipeline_mode<synchronous>, transform_indices = @transform_4, window_bounds = array<i64: 128, 128>}, {transform_indices = @transform_5, window_bounds = array<i64: 1000, 128>}]} {
    %get3A = arith.constant 0 : index
    %get3A_0 = arith.constant 0 : index
    %get3A_1 = arith.constant 0 : index
    %get3A_2 = vector.load %arg1[%get3A, %get3A_0, %get3A_1] : memref<2x1000x16xf32, #tpu.memory_space<vmem>>, vector<2x1000x16xf32>
    %slice3A = vector.extract_strided_slice %get3A_2 {offsets = [0, 0, 0], sizes = [1, 1000, 1], strides = [1, 1, 1]} : vector<2x1000x16xf32> to vector<1x1000x1xf32>
    %squeeze3A = vector.shape_cast %slice3A : vector<1x1000x1xf32> to vector<1000x1xf32>
    %add3A = arith.constant 1.000000e+00 : f32
    %add3A_3 = vector.broadcast %add3A : f32 to vector<1000x1xf32>
    %add3A_4 = arith.addf %add3A_3, %squeeze3A : vector<1000x1xf32>
    %slice3A_5 = vector.extract_strided_slice %get3A_2 {offsets = [1, 0, 0], sizes = [1, 1000, 1], strides = [1, 1, 1]} : vector<2x1000x16xf32> to vector<1x1000x1xf32>
    %squeeze3A_6 = vector.shape_cast %slice3A_5 : vector<1x1000x1xf32> to vector<1000x1xf32>
    %add3A_7 = arith.addf %add3A_4, %squeeze3A_6 : vector<1000x1xf32>
    %rsqrt3A = math.rsqrt %add3A_7 : vector<1000x1xf32>
    %get3A_8 = arith.constant 0 : index
    %get3A_9 = arith.constant 0 : index
    %get3A_10 = arith.constant 0 : index
    %get3A_11 = vector.load %arg3[%get3A_8, %get3A_9, %get3A_10] : memref<2x1000x128xf32, #tpu.memory_space<vmem>>, vector<2x1000x128xf32>
    %get3A_12 = arith.constant 0 : index
    %get3A_13 = arith.constant 0 : index
    %get3A_14 = vector.load %arg2[%get3A_12, %get3A_13] : memref<1000x128xf32, #tpu.memory_space<vmem>>, vector<1000x128xf32>
    %slice3A_15 = vector.extract_strided_slice %get3A_11 {offsets = [0, 0, 0], sizes = [1, 1000, 128], strides = [1, 1, 1]} : vector<2x1000x128xf32> to vector<1x1000x128xf32>
    %squeeze3A_16 = vector.shape_cast %slice3A_15 : vector<1x1000x128xf32> to vector<1000x128xf32>
    %add3A_17 = arith.addf %get3A_14, %squeeze3A_16 : vector<1000x128xf32>
    %slice3A_18 = vector.extract_strided_slice %get3A_11 {offsets = [1, 0, 0], sizes = [1, 1000, 128], strides = [1, 1, 1]} : vector<2x1000x128xf32> to vector<1x1000x128xf32>
    %squeeze3A_19 = vector.shape_cast %slice3A_18 : vector<1x1000x128xf32> to vector<1000x128xf32>
    %add3A_20 = arith.addf %add3A_17, %squeeze3A_19 : vector<1000x128xf32>
    %mul3A = vector.broadcast %rsqrt3A : vector<1000x1xf32> to vector<1000x128xf32>
    %mul3A_21 = arith.mulf %add3A_20, %mul3A : vector<1000x128xf32>
    %get3A_22 = arith.constant 0 : index
    %get3A_23 = arith.constant 0 : index
    %get3A_24 = vector.load %arg4[%get3A_22, %get3A_23] : memref<1x128xf32, #tpu.memory_space<vmem>>, vector<1x128xf32>
    %add3A_25 = vector.broadcast %get3A_24 : vector<1x128xf32> to vector<1000x128xf32>
    %add3A_26 = arith.addf %mul3A_21, %add3A_25 : vector<1000x128xf32>
    %max3A = arith.constant 0.000000e+00 : f32
    %max3A_27 = vector.broadcast %max3A : f32 to vector<1000x128xf32>
    %max3A_28 = arith.maximumf %add3A_26, %max3A_27 : vector<1000x128xf32>
    %get3A_29 = arith.constant 0 : index
    %get3A_30 = arith.constant 0 : index
    %get3A_31 = vector.load %arg5[%get3A_29, %get3A_30] : memref<128x128xf32, #tpu.memory_space<vmem>>, vector<128x128xf32>
    %dot_general3A = arith.constant dense<0.000000e+00> : vector<1000x128xf32>
    %dot_general3A_32 = tpu.matmul %max3A_28, %get3A_31, %dot_general3A {dimension_numbers = #tpu.dot_dimension_numbers<[1], [0], [0], [1], [0, 0, 1, 1], [], []>, transpose_lhs_hint = false} : vector<1000x128xf32>, vector<128x128xf32>, vector<1000x128xf32> -> vector<1000x128xf32>
    %mul3A_33 = vector.broadcast %rsqrt3A : vector<1000x1xf32> to vector<1000x128xf32>
    %mul3A_34 = arith.mulf %dot_general3A_32, %mul3A_33 : vector<1000x128xf32>
    %swap3A = arith.constant 0 : index
    %swap3A_35 = arith.constant 0 : index
    %swap3A_36 = vector.load %arg6[%swap3A, %swap3A_35] : memref<1000x128xf32, #tpu.memory_space<vmem>>, vector<1000x128xf32>
    tpu.vector_store %arg6[%swap3A, %swap3A_35], %mul3A_34 {strides = array<i32>} : memref<1000x128xf32, #tpu.memory_space<vmem>>, vector<1000x128xf32>,
    return
  }
  func.func @transform_0(%arg0: i32) -> (i32, i32, i32) {
    %c0_i32 = arith.constant 0 : i32
    %c0_i32_0 = arith.constant 0 : i32
    %c0_i32_1 = arith.constant 0 : i32
    return %c0_i32, %arg0, %c0_i32_0 : i32, i32, i32
  }
  func.func @transform_1(%arg0: i32) -> (i32, i32) {
    %c0_i32 = arith.constant 0 : i32
    %c0_i32_0 = arith.constant 0 : i32
    return %arg0, %c0_i32 : i32, i32
  }
  func.func @transform_2(%arg0: i32) -> (i32, i32, i32) {
    %c0_i32 = arith.constant 0 : i32
    %c0_i32_0 = arith.constant 0 : i32
    %c0_i32_1 = arith.constant 0 : i32
    return %c0_i32, %arg0, %c0_i32_0 : i32, i32, i32
  }
  func.func @transform_3(%arg0: i32) -> (i32, i32) {
    %c0_i32 = arith.constant 0 : i32
    %c0_i32_0 = arith.constant 0 : i32
    %c0_i32_1 = arith.constant 0 : i32
    return %c0_i32, %c0_i32_0 : i32, i32
  }
  func.func @transform_4(%arg0: i32) -> (i32, i32) {
    %c0_i32 = arith.constant 0 : i32
    %c0_i32_0 = arith.constant 0 : i32
    %c0_i32_1 = arith.constant 0 : i32
    return %c0_i32, %c0_i32_0 : i32, i32
  }
  func.func @transform_5(%arg0: i32) -> (i32, i32) {
    %c0_i32 = arith.constant 0 : i32
    %c0_i32_0 = arith.constant 0 : i32
    return %arg0, %c0_i32 : i32, i32
  }
}

</mosaic_0001>

<sc_bundles>
// kernel: kernel.11.cloned.1.call-start
scs
__scs_entry_jumppad:
0x0: {  	(pc) =	sbr.rel $0x88, $3  }
0x1: {  	(tag) =	ssettag $0x0;
	lr =	simm.s32 $0x1  }
0x2: {  	[smem:$0x3F9B] =	sst lr;
	_ =	strace $0xD0000000  }
0x3: {  	_ = 	snop  }
0x4: {  	_ = 	snop  }
0x5: {  	_ = 	snop  }
0x6: {  	_ = 	snop  }
0x7: {  	_ = 	snop  }
__scs_overlays_trampoline_lowered:
0x8: {  	[smem:$0x3FAA] =	sst s0  }
0x9: {  	[smem:$0x3FAB] =	sst s1  }
0xa: {  	[smem:$0x3FAC] =	sst s2  }
0xb: {  	[smem:$0x3FAD] =	sst s3  }
0xc: {  	[smem:$0x3FAE] =	sst s4  }
0xd: {  	[smem:$0x3FAF] =	sst s5  }
0xe: {  	[smem:$0x3FB0] =	sst s6  }
0xf: {  	[smem:$0x3FB1] =	sst s7  }
0x10: {  	[smem:$0x3FB2] =	sst s8  }
0x11: {  	[smem:$0x3FB3] =	sst s9;
	s0 =	simm.s32 @!p0 $0x0  }
0x12: {  	s1 =	sld [smem:$0x3F99];
	s0 =	simm.s32 @p0 $0x1  }
0x13: {  	[smem:$0x3FB4] =	sst s0;
	s0 =	simm.s32 @!p1 $0x0  }
0x14: {  	s2 =	sld [smem:$0x3F98];
	s0 =	simm.s32 @p1 $0x1  }
0x15: {  	[smem:$0x3FB5] =	sst s0;
	s0 =	simm.s32 @!p2 $0x0  }
0x16: {  	s3 =	sld [smem:$0x3FDB];
	s0 =	simm.s32 @p2 $0x1  }
0x17: {  	s4 =	simm.s32 $0x1BF5;
	[smem:$0x3FB7] =	sst s0  }
0x18: {  	s0 =	sld [smem:$0x3F9A];
	_ =	swait.ge [sflag:s4], $0x0  }
0x19: {  	s7 =	sld [smem:$0x3F9B]  }
0x1a: {  	s8 =	sadd.s32 $0xFFFFE003, lr  }
0x1b: {  	s9 =	sadd.s32 $0xFFFFFEF7, lr;
	s5 =	simm.s32 $0xFFFFFFFF;
	p2 =	slt.u32 s8, $0xFFFFF086  }
0x1c: {  	p1 =	slt.u32 s9, $0xF7A;
	s5 =	simm.s32 @!p2 $0x0  }
0x1d: {  	s5 =	simm.s32 @p1 $0x1;
	p0 =	seq.s32 s7, s2  }
0x1e: {  	s7 =	smul.u32 @!p0 $0xF7A, s2;
	p2 =	seq.s32 @!p0 s5, $0x0  }
0x1f: {  	s9 =	smul.u32 $0xF7A, s1;
	s8 =	simm.s32 @!p0 $0x1BF5;
	p2 =	por !p2, p0  }
0x20: {  	[sflag:s8] =	ssyncset.s32 @!p0 $0xFFFFF086;
	s6 =	sadd.s32 @!p0 s3, s7;
	s7 =	simm.s32 @!p0 $0x108  }
0x21: {  	s3 =	sadd.s32 s3, s9;
	s6 =	sadd.s32 @!p0 $0x88, s6;
	s7 =	simm.s32 @p2 $0x1082  }
0x22: {  	[simem:s7], [sflag:s8] =	dma.local @!p0 [hbm:s6], $0xF7A  }
0x23: {  	s9 =	sor.u32 $0xD0000000, s2;
	s6 =	simm.s32 $0x108;
	_ =	swait.ge @!p0 [sflag:s8], $0x0  }
0x24: {  	s3 =	sadd.s32 $0x88, s3;
	s6 =	simm.s32 @!p1 $0x1082;
	[sflag:s4] =	ssyncset.s32 $0xFFFFF086  }
0x25: {  	[simem:s6], [sflag:s4] =	dma.local [hbm:s3], $0xF7A  }
0x26: {  	[smem:$0x3F9B] =	sst s1;
	(tag) =	ssettag s2;
	_ =	strace s9  }
0x27: {  	s1 =	sld [smem:$0x3FAB]  }
0x28: {  	s2 =	sld [smem:$0x3FAC]  }
0x29: {  	s4 =	sld [smem:$0x3FAE]  }
0x2a: {  	p0 =	seq.s32 s5, $0x0;
	s5 =	sld [smem:$0x3FAF]  }
0x2b: {  	s6 =	sld [smem:$0x3FB0]  }
0x2c: {  	s7 =	sld [smem:$0x3FB1]  }
0x2d: {  	s3 =	simm.s32 $0x108;
	s8 =	sld [smem:$0x3FB2]  }
0x2e: {  	s3 =	simm.s32 @!p0 $0x1082;
	s9 =	sld [smem:$0x3FB3]  }
0x2f: {  	lr =	sadd.s32 s0, s3;
	s0 =	sld [smem:$0x3FAA]  }
0x30: {  	s3 =	sld [smem:$0x3FAD]  }
0x31: {  	[smem:$0x3FB6] =	sst s10  }
0x32: {  	s10 =	sld [smem:$0x3FB4];
	_ =	sdelay $0x3  }
0x33: {  	p0 =	seq.s32 s10, $0x1;
	s10 =	sld [smem:$0x3FB6];
	_ =	sdelay $0x3  }
0x34: {  	[smem:$0x3FB6] =	sst s10  }
0x35: {  	s10 =	sld [smem:$0x3FB5];
	_ =	sdelay $0x3  }
0x36: {  	p1 =	seq.s32 s10, $0x1;
	s10 =	sld [smem:$0x3FB6];
	_ =	sdelay $0x3  }
0x37: {  	[smem:$0x3FB6] =	sst s10  }
0x38: {  	s10 =	sld [smem:$0x3FB7]  }
0x39: {  	_ = 	snop;
	(pc) =	sbr.ind lr, $3  }
0x3a: {  	_ = 	snop  }
0x3b: {  	_ = 	snop  }
0x3c: {  	p2 =	seq.s32 s10, $0x1;
	s10 =	sld [smem:$0x3FB6]  }
0x3d: {  	_ =	shalt  }
0x3e: {  	_ =	shalt  }
0x3f: {  	_ =	shalt  }
0x40: {  	_ =	shalt  }
0x41: {  	_ =	shalt  }
0x42: {  	_ =	shalt  }
0x43: {  	_ =	shalt  }
0x44: {  	_ =	shalt  }
0x45: {  	_ =	shalt  }
0x46: {  	_ =	shalt  }
0x47: {  	_ =	shalt  }
0x48: {  	_ =	shalt  }
0x49: {  	_ =	shalt  }
0x4a: {  	_ =	shalt  }
0x4b: {  	_ =	shalt  }
0x4c: {  	_ =	shalt  }
0x4d: {  	_ =	shalt  }
0x4e: {  	_ =	shalt  }
0x4f: {  	_ =	shalt  }
0x50: {  	_ =	shalt  }
0x51: {  	_ =	shalt  }
0x52: {  	_ =	shalt  }
0x53: {  	_ =	shalt  }
0x54: {  	_ =	shalt  }
0x55: {  	_ =	shalt  }
0x56: {  	_ =	shalt  }
0x57: {  	_ =	shalt  }
0x58: {  	_ =	shalt  }
0x59: {  	_ =	shalt  }
0x5a: {  	_ =	shalt  }
0x5b: {  	_ =	shalt  }
0x5c: {  	_ =	shalt  }
0x5d: {  	_ =	shalt  }
0x5e: {  	_ =	shalt  }
0x5f: {  	_ =	shalt  }
0x60: {  	_ =	shalt  }
0x61: {  	_ =	shalt  }
0x62: {  	_ =	shalt  }
0x63: {  	_ =	shalt  }
0x64: {  	_ =	shalt  }
0x65: {  	_ =	shalt  }
0x66: {  	_ =	shalt  }
0x67: {  	_ =	shalt  }
0x68: {  	_ =	shalt  }
0x69: {  	_ =	shalt  }
0x6a: {  	_ =	shalt  }
0x6b: {  	_ =	shalt  }
0x6c: {  	_ =	shalt  }
0x6d: {  	_ =	shalt  }
0x6e: {  	_ =	shalt  }
0x6f: {  	_ =	shalt  }
0x70: {  	_ =	shalt  }
0x71: {  	_ =	shalt  }
0x72: {  	_ =	shalt  }
0x73: {  	_ =	shalt  }
0x74: {  	_ =	shalt  }
0x75: {  	_ =	shalt  }
0x76: {  	_ =	shalt  }
0x77: {  	_ =	shalt  }
0x78: {  	_ =	shalt  }
0x79: {  	_ =	shalt  }
0x7a: {  	_ =	shalt  }
0x7b: {  	_ =	shalt  }
0x7c: {  	_ =	shalt  }
0x7d: {  	_ =	shalt  }
0x7e: {  	_ =	shalt  }
0x7f: {  	_ =	shalt  }
0x80: {  	_ =	shalt  }
0x81: {  	_ =	shalt  }
0x82: {  	_ =	shalt  }
0x83: {  	_ =	shalt  }
0x84: {  	_ =	shalt  }
0x85: {  	_ =	shalt  }
0x86: {  	_ =	shalt  }
0x87: {  	_ =	shalt  }
.Lfunc_end0:
.L_simem_size_0:
called_computation.1_lowered:
.L_overlay_start_0:
0x88: {  	s2 =	sld [smem:$0x3FD9]  }
0x89: {  	s3 =	sld [smem:$0x3FFE];
	_ =	sdelay $0x1  }
0x8a: {  	s1 =	srdreg.scid  }
0x8b: {  	s0 =	sand.u32 $0x1, s1  }
0x8c: {  	s17 =	sshll.u32 s0, $0xA;
	s2 =	sadd.s32 s3, s2  }
0x8d: {  	s2 =	sadd.s32 s2, s17  }
0x8e: {  	[smem:$0x3FC2] =	sst s2  }
0x8f: {  	_ = 	snop  }
0x90: {  	s2 =	sld [smem:$0x3FD0];
	(tm) =	ssettm $0x1  }
0x91: {  	s18 =	sld [smem:$0x3FFB];
	_ =	sdelay $0x3  }
0x92: {  	_ =	strace s18  }
0x93: {  	s3 =	sld [smem:$0x3FFC];
	_ =	sdelay $0x3  }
0x94: {  	_ =	strace s3  }
0x95: {  	s3 =	sld [smem:$0x3FFD];
	_ =	sdelay $0x3  }
0x96: {  	_ =	strace s3  }
0x97: {  	_ =	strace $0x8FFFFFFF  }
0x98: {  	s19 =	sld [smem:$0x3FDB];
	_ =	sdelay $0x1  }
0x99: {  	s4 =	simm.s32 $_scs_section_size  }
0x9a: {  	s5 =	simm.s32 $_size__tile_overlayer_lowered;
	s6 =	simm.s32 $_tile_overlayer_lowered  }
0x9b: {  	s22 =	simm.s32 $0x1BFF;
	s21 =	sshll.u32 s6, $0x1;
	s3 =	sadd.s32 s4, s19  }
0x9c: {  	s7 =	simm.s32 $0x0;
	s20 =	sshll.u32 s5, $0x1;
	s5 =	sadd.s32 s21, s3  }
0x9d: {  	[timem:s7], [sflag:s22] =	dma.local [hbm:s5], s20  }
0x9e: {  	_ =	swait.ge [sflag:s22], s20  }
0x9f: {  	s4 =	ssub.s32 $0x0, s20;
	[sflag:s22] =	ssyncset.done $0x0  }
0xa0: {  	[sflag:s22] =	ssyncadd.s32 s4;
	_ =	sdelay $0x1  }
0xa1: {  	s23 =	simm.s32 $0x1B8B  }
0xa2: {  	_ =	swait.ge [sflag:s23], $0x1  }
0xa3: {  	[sflag:s23] =	ssyncset.done $0x0  }
0xa4: {  	s25 =	simm.s32 $0x1B8E;
	s24 =	sld [smem:$0x3FFE];
	[sflag:s23] =	ssyncadd.s32 $0xFFFFFFFF  }
0xa5: {  	s26 =	simm.s32 $execute0_lowered;
	[smem:$0x3FD2] =	sst s25  }
0xa6: {  	s5 =	sshll.u32 s26, $0x1;
	_ =	strace $0x80000049;
	[dreg:$0x1] =	wrdreg $0xFFFFFFFF  }
0xa7: {  	s28 =	simm.s32 $_size_execute0_lowered;
	s3 =	sadd.s32 s3, s5;
	[dreg:$0x0] =	wrdreg $0x0  }
0xa8: {  	s5 =	sshll.u32 s28, $0x1;
	[dreg:$0x2] =	wrdreg s3  }
0xa9: {  	[dreg:$0x3] =	wrdreg s5  }
0xaa: {  	[dreg:$0x4] =	wrdreg $0xC0  }
0xab: {  	_ =	task [dreg:s7], $0x5FFFF  }
0xac: {  	[dreg:$0x1] =	wrdreg $0xFFFFFFFF  }
0xad: {  	[dreg:$0x0] =	wrdreg $0x60  }
0xae: {  	[dreg:$0x2] =	wrdreg s2  }
0xaf: {  	[dreg:$0x3] =	wrdreg s24  }
0xb0: {  	[dreg:$0x4] =	wrdreg $0x81800  }
0xb1: {  	[dreg:$0x5] =	wrdreg $0x9  }
0xb2: {  	_ =	task.clear_ibuf [dreg:s7], $0x6FFFF;
	_ =	strace $0x90000049  }
0xb3: {  	s29 =	simm.s32 $0x9;
	_ =	strace $0x8000004B  }
0xb4: {  	_ =	swait.ge [sflag:s29], $0x1  }
0xb5: {  	[sflag:s29] =	ssyncadd.s32 $0xFFFFFFFF  }
0xb6: {  	_ =	strace $0x9000004B  }
0xb7: {  	_ =	sfence  }
0xb8: {  	s30 =	sld [smem:$0x0];
	_ =	sdelay $0x2  }
0xb9: {  	s31 =	sshll.u32 s1, $0xD;
	s1 =	sshrl.u32 s1, $0x2  }
0xba: {  	s3 =	sand.u32 $0x4000, s31;
	s1 =	sadd.s32 s1, s30  }
0xbb: {  	s0 =	sor.u32 s3, s0;
	s1 =	sshll.u32 s1, $0x11  }
0xbc: {  	s0 =	sor.u32 s1, s0  }
0xbd: {  	s0 =	sadd.s32 $0x8F2B, s0  }
0xbe: {  	[sflag:s0] =	ssyncadd.remote.s32 $0x1  }
0xbf: {  	_ =	sfence.sel $0xFFFF  }
0xc0: {  	[dreg:$0x0] =	wrdreg $0xFFFFFFFF;
	(pc) =	sbr.abs _section_cstart, $3  }
0xc1: {  	[dreg:$0x1] =	wrdreg $0xFFFFFFFF  }
0xc2: {  	_ =	task.clear_ibuf [dreg:s7], $0x2FFFF;
	_ =	strace $0x9FFFFFFF  }
0xc3: {  	(tm) =	ssettm $0x7FFFFFFF  }
tec
execute0_lowered:
.L_overlay_start_1:
0x0: {  	(tag) =	ssettag $0x1  }
0x1: {  	s1 =	rddreg [dreg:$0x0]  }
0x2: {  	s0 =	rddreg [dreg:$0x1]  }
0x3: {  	s3 =	rddreg [dreg:$0x2];
	s4 =	simm.s32 $0x0  }
0x4: {  	s2 =	stileid.u32;
	s5 =	srdreg.scid;
	s28 =	simm.s32 $0x100  }
0x5: {  	s29 =	simm.s32 $0x2;
	s30 =	simm.s32 $0x0;
	[smem:$0x7FF] =	sst s4  }
0x6: {  	s6 =	smul.u32 $0x4E000, s2;
	s20 =	sadd.s32 $0x2400, s0;
	s10 =	sand.u32 $0x1, s5  }
0x7: {  	s21 =	sadd.s32 $0xC200, s0;
	s0 =	sadd.s32 $0x16000, s0;
	s17 =	smul.u32 $0x13800, s2  }
0x8: {  	p0 =	sne.s32 s2, $0xF;
	p1 =	sgt.u32 s2, $0x1;
	s7 =	ssub.s32 $0x2, s10  }
0x9: {  	s15 =	smul.u32 $0x138800, s10;
	s22 =	sshrl.u32 s6, $0x2;
	s23 =	sshrl.u32 s7, $0x1  }
0xa: {  	_ =	strace $0x8000004A;
	s5 =	sadd.s32 s22, s3;
	s19 =	ssub.s32 s7, s23  }
0xb: {  	s22 =	sshll.u32 s2, $0x5;
	s23 =	sshll.u32 s10, $0x4;
	s17 =	sadd.s32 s17, s15  }
0xc: {  	s18 =	sshrl.u32 s15, $0x3;
	s24 =	sadd.s32 $0x4000, s5;
	s25 =	sadd.s32 $0x8000, s5  }
0xd: {  	s8 =	sadd.s32 $0xC000, s5;
	s9 =	sadd.s32 $0x10000, s5;
	s11 =	sor.u32 s23, s22  }
0xe: {  	s17 =	sshrl.u32 s17, $0x3;
	s18 =	sadd.s32 s0, s18;
	s19 =	smax.u32 s19, $0x1  }
0xf: {  	s26 =	sadd.s32 s22, s21;
	s31 =	sadd.s32 s22, s20;
	[dreg:$0x4] =	wrdreg s24  }
0x10: {  	s22 =	simm.s32 $0x180;
	[dreg:$0x5] =	wrdreg s25;
	s10 =	sadd.s32 s20, s11  }
0x11: {  	s16 =	sadd.s32 s11, s21;
	s11 =	sadd.s32 $0x138000, s3;
	s17 =	sadd.s32 s0, s17  }
0x12: {  	s18 =	sadd.s32 $0x27000, s18;
	s20 =	sadd.s32 s23, s26;
	s21 =	sadd.s32 s23, s31  }
0x13: {  	s23 =	simm.s32 $0x3;
	s24 =	simm.s32 $0x80;
	s25 =	simm.s32 $0x4180  }
0x14: {  	s26 =	simm.s32 $0x1;
	s12 =	sadd.s32 $0x200, s10;
	s13 =	sadd.s32 $0x9800, s16  }
0x15: {  	v0 =	vimm.f32 $0.0e+00;
	s14 =	sadd.s32 $0x9C00, s10;
	s15 =	sadd.s32 $0x9A00, s16;
	s16 =	sadd.s32 $0x9C00, s16  }
.LBB2_1:
0x16: {  	s31 =	simm.s32 $0x0;
	s0 =	simm.s32 $0x200  }
.LBB2_2:
0x17: {  	p2 =	sne.s32 s0, $0xFE00;
	[tilespmem:s31+$0x1F0] =	vst v0  }
0x18: {  	[tilespmem:s31+$0x180] =	vst v0  }
0x19: {  	[tilespmem:s31+$0x190] =	vst v0  }
.Ltmp0:
0x1a: {  	[tilespmem:s31+$0x1A0] =	vst v0;
	(pc) =	sbr.rel @p2 .LBB2_2-.Ltmp0, $4  }
0x1b: {  	[tilespmem:s31+$0x1B0] =	vst v0  }
0x1c: {  	[tilespmem:s31+$0x1C0] =	vst v0  }
0x1d: {  	[tilespmem:s31+$0x1D0] =	vst v0  }
0x1e: {  	[tilespmem:s31+$0x1E0] =	vst v0;
	s31 =	sshra.s32 s0, $0x2;
	s0 =	sadd.s32 $0x200, s0  }
0x1f: {  	[tilespmem:s31+$0x1F0] =	vst v0  }
0x20: {  	[tilespmem:s31+$0x180] =	vst v0  }
0x21: {  	[tilespmem:s31+$0x190] =	vst v0  }
0x22: {  	[tilespmem:s31+$0x1A0] =	vst v0  }
0x23: {  	[tilespmem:s31+$0x1B0] =	vst v0  }
0x24: {  	[tilespmem:s31+$0x1C0] =	vst v0  }
0x25: {  	[tilespmem:s31+$0x1D0] =	vst v0  }
0x26: {  	[tilespmem:s31+$0x1E0] =	vst v0  }
0x27: {  	[spmem:s5] =	stream.linear.scatter [tilespmem:s22], [sflag:$0x3], $0x4000, $0x38;
	[tilespmem:$0x1BA00] =	vst v63  }
0x28: {  	_ =	swait.ge [sflag:s23], $0x4000  }
0x29: {  	[sflag:s23] =	ssyncset.done $0x0  }
0x2a: {  	s0 =	rddreg [dreg:$0x4];
	[sflag:s23] =	ssyncadd.s32 $0xFFFFC000  }
0x2b: {  	[spmem:s0] =	stream.linear.scatter [tilespmem:s22], [sflag:$0x3], $0x4000, $0x38;
	[tilespmem:$0x1BA00] =	vst v63  }
0x2c: {  	_ =	swait.ge [sflag:s23], $0x4000  }
0x2d: {  	[sflag:s23] =	ssyncset.done $0x0  }
0x2e: {  	s7 =	rddreg [dreg:$0x5];
	[sflag:s23] =	ssyncadd.s32 $0xFFFFC000  }
0x2f: {  	[spmem:s7] =	stream.linear.scatter [tilespmem:s22], [sflag:$0x3], $0x4000, $0x38;
	[tilespmem:$0x1BA00] =	vst v63  }
0x30: {  	_ =	swait.ge [sflag:s23], $0x4000  }
0x31: {  	[sflag:s23] =	ssyncset.done $0x0  }
0x32: {  	[sflag:s23] =	ssyncadd.s32 $0xFFFFC000  }
0x33: {  	[spmem:s8] =	stream.linear.scatter [tilespmem:s22], [sflag:$0x3], $0x4000, $0x38;
	[tilespmem:$0x1BA00] =	vst v63  }
0x34: {  	_ =	swait.ge [sflag:s23], $0x4000  }
0x35: {  	[sflag:s23] =	ssyncset.done $0x0  }
0x36: {  	[sflag:s23] =	ssyncadd.s32 $0xFFFFC000  }
0x37: {  	[spmem:s9] =	stream.linear.scatter [tilespmem:s22], [sflag:$0x3], $0x3800, $0x38;
	[tilespmem:$0x1BA00] =	vst v63  }
0x38: {  	_ =	swait.ge [sflag:s23], $0x3800  }
0x39: {  	[sflag:s23] =	ssyncset.done $0x0  }
0x3a: {  	s0 =	simm.s32 @!p0 $0x180;
	[sflag:s23] =	ssyncadd.s32 $0xFFFFC800  }
0x3b: {  	[spmem:s11] =	stream.linear.scatter @!p0 [tilespmem:s0], [sflag:$0x3], $0x800, $0x38;
	[tilespmem:$0x1BA00] =	vst v63  }
0x3c: {  	s0 =	simm.s32 @!p0 $0x3  }
0x3d: {  	_ =	swait.ge @!p0 [sflag:s0], $0x800  }
0x3e: {  	[sflag:s0] =	ssyncset.done @!p0 $0x0  }
0x3f: {  	[sflag:s0] =	ssyncadd.s32 @!p0 $0xFFFFF800  }
0x40: {  	s2 =	simm.s32 $0x0;
	[bflag:$0x0] =	sbarrier.arrive $0xFFFF  }
0x41: {  	[tilespmem:s2], [sflag:$0x3] =	stream.linear.gather [hbm4b:s10+s2], $0x80, $0x38;
	[tilespmem:$0x1BA00] =	vst v63  }
0x42: {  	_ =	swait.ge [sflag:s23], $0x80  }
0x43: {  	[sflag:s23] =	ssyncset.done $0x0  }
0x44: {  	[sflag:s23] =	ssyncadd.s32 $0xFFFFFF80  }
0x45: {  	[tilespmem:s22], [sflag:$0x1] =	stream.indirect.gather [hbm4b:s1+s24], $0x80, s2, s24, $0xb8;
	[tilespmem:$0x1BA00] =	vst v63  }
0x46: {  	_ = 	snop  }
0x47: {  	[tilespmem:s24], [sflag:$0x3] =	stream.linear.gather [hbm4b:s12+s2], $0x80, $0x38;
	[tilespmem:$0x1BA00] =	vst v63  }
0x48: {  	_ =	swait.ge [sflag:s23], $0x80  }
0x49: {  	[sflag:s23] =	ssyncset.done $0x0  }
0x4a: {  	[sflag:s23] =	ssyncadd.s32 $0xFFFFFF80  }
0x4b: {  	[tilespmem:s25], [sflag:$0x2] =	stream.indirect.gather [hbm4b:s1+s24], $0x80, s24, s24, $0xb8;
	[tilespmem:$0x1BA00] =	vst v63  }
0x4c: {  	_ =	swait.ge [sflag:s26], $0x4000  }
0x4d: {  	[sflag:s26] =	ssyncset.done $0x0  }
0x4e: {  	s6 =	sadd.s32 $0x0, s20;
	[sflag:s26] =	ssyncadd.s32 $0xFFFFC000  }
0x4f: {  	[tilespmem:s28], [sflag:$0x3] =	stream.linear.gather [hbm4b:s6+s4], $0x80, $0x38;
	[tilespmem:$0x1BA00] =	vst v63  }
0x50: {  	_ =	swait.ge [sflag:s23], $0x80  }
0x51: {  	[sflag:s23] =	ssyncset.done $0x0  }
0x52: {  	[sflag:s23] =	ssyncadd.s32 $0xFFFFFF80  }
0x53: {  	[spmem:s3] =	stream.indirect.scatter.add.f32 [tilespmem:s22], [sflag:$0x3], $0x80, s28, s24, $0xb8;
	[tilespmem:$0x1BA00] =	vst v63  }
0x54: {  	_ =	swait.ge [sflag:s23], $0x4000  }
0x55: {  	s31 =	sadd.s32 $0x0, s21;
	[sflag:s23] =	ssyncset.done $0x0  }
0x56: {  	s2 =	sadd.s32 $0x400, s31;
	[sflag:s23] =	ssyncadd.s32 $0xFFFFC000  }
0x57: {  	[tilespmem:s4], [sflag:$0x3] =	stream.linear.gather [hbm4b:s2+s4], $0x80, $0x38;
	[tilespmem:$0x1BA00] =	vst v63  }
0x58: {  	_ =	swait.ge [sflag:s23], $0x80  }
0x59: {  	[sflag:s23] =	ssyncset.done $0x0  }
0x5a: {  	[sflag:s23] =	ssyncadd.s32 $0xFFFFFF80  }
0x5b: {  	[tilespmem:s22], [sflag:$0x1] =	stream.indirect.gather [hbm4b:s1+s24], $0x80, s4, s24, $0xb8;
	[tilespmem:$0x1BA00] =	vst v63  }
0x5c: {  	_ =	swait.ge [sflag:s29], $0x4000  }
0x5d: {  	[sflag:s29] =	ssyncset.done $0x0  }
0x5e: {  	s0 =	sadd.s32 $0x200, s6;
	[sflag:s29] =	ssyncadd.s32 $0xFFFFC000  }
0x5f: {  	[tilespmem:s28], [sflag:$0x3] =	stream.linear.gather [hbm4b:s0+s4], $0x80, $0x38;
	[tilespmem:$0x1BA00] =	vst v63  }
0x60: {  	_ =	swait.ge [sflag:s23], $0x80  }
0x61: {  	[sflag:s23] =	ssyncset.done $0x0  }
0x62: {  	[sflag:s23] =	ssyncadd.s32 $0xFFFFFF80  }
0x63: {  	[spmem:s3] =	stream.indirect.scatter.add.f32 [tilespmem:s25], [sflag:$0x3], $0x80, s28, s24, $0xb8;
	[tilespmem:$0x1BA00] =	vst v63  }
0x64: {  	_ =	swait.ge [sflag:s23], $0x4000  }
0x65: {  	[sflag:s23] =	ssyncset.done $0x0  }
0x66: {  	s7 =	sadd.s32 $0x600, s31;
	[sflag:s23] =	ssyncadd.s32 $0xFFFFC000  }
0x67: {  	[tilespmem:s24], [sflag:$0x3] =	stream.linear.gather [hbm4b:s7+s4], $0x80, $0x38;
	[tilespmem:$0x1BA00] =	vst v63  }
0x68: {  	_ =	swait.ge [sflag:s23], $0x80  }
0x69: {  	[sflag:s23] =	ssyncset.done $0x0  }
0x6a: {  	s31 =	simm.s32 $0x400;
	[sflag:s23] =	ssyncadd.s32 $0xFFFFFF80  }
.LBB2_4:
0x6b: {  	[tilespmem:s25], [sflag:$0x2] =	stream.indirect.gather [hbm4b:s1+s24], $0x80, s24, s24, $0xb8;
	[tilespmem:$0x1BA00] =	vst v63  }
0x6c: {  	s0 =	smov.u32 s31  }
0x6d: {  	p2 =	sne.s32 s31, $0x9400;
	s31 =	sadd.s32 $0x400, s31;
	_ =	swait.ge [sflag:s26], $0x4000  }
0x6e: {  	[sflag:s26] =	ssyncset.done $0x0  }
0x6f: {  	s2 =	sadd.s32 s0, s20;
	[sflag:s26] =	ssyncadd.s32 $0xFFFFC000  }
0x70: {  	[tilespmem:s28], [sflag:$0x3] =	stream.linear.gather [hbm4b:s2+s4], $0x80, $0x38;
	[tilespmem:$0x1BA00] =	vst v63  }
0x71: {  	_ =	swait.ge [sflag:s23], $0x80  }
0x72: {  	[sflag:s23] =	ssyncset.done $0x0  }
0x73: {  	[sflag:s23] =	ssyncadd.s32 $0xFFFFFF80  }
0x74: {  	[spmem:s3] =	stream.indirect.scatter.add.f32 [tilespmem:s22], [sflag:$0x3], $0x80, s28, s24, $0xb8;
	[tilespmem:$0x1BA00] =	vst v63  }
0x75: {  	_ =	swait.ge [sflag:s23], $0x4000  }
0x76: {  	s0 =	sadd.s32 s0, s21;
	[sflag:s23] =	ssyncset.done $0x0  }
0x77: {  	s6 =	sadd.s32 $0x400, s0;
	[sflag:s23] =	ssyncadd.s32 $0xFFFFC000  }
0x78: {  	[tilespmem:s4], [sflag:$0x3] =	stream.linear.gather [hbm4b:s6+s4], $0x80, $0x38;
	[tilespmem:$0x1BA00] =	vst v63  }
0x79: {  	_ =	swait.ge [sflag:s23], $0x80  }
0x7a: {  	[sflag:s23] =	ssyncset.done $0x0  }
0x7b: {  	[sflag:s23] =	ssyncadd.s32 $0xFFFFFF80  }
0x7c: {  	[tilespmem:s22], [sflag:$0x1] =	stream.indirect.gather [hbm4b:s1+s24], $0x80, s4, s24, $0xb8;
	[tilespmem:$0x1BA00] =	vst v63  }
0x7d: {  	_ =	swait.ge [sflag:s29], $0x4000  }
0x7e: {  	[sflag:s29] =	ssyncset.done $0x0  }
0x7f: {  	s2 =	sadd.s32 $0x200, s2;
	[sflag:s29] =	ssyncadd.s32 $0xFFFFC000  }
0x80: {  	[tilespmem:s28], [sflag:$0x3] =	stream.linear.gather [hbm4b:s2+s4], $0x80, $0x38;
	[tilespmem:$0x1BA00] =	vst v63  }
0x81: {  	_ =	swait.ge [sflag:s23], $0x80  }
0x82: {  	[sflag:s23] =	ssyncset.done $0x0  }
0x83: {  	[sflag:s23] =	ssyncadd.s32 $0xFFFFFF80  }
0x84: {  	[spmem:s3] =	stream.indirect.scatter.add.f32 [tilespmem:s25], [sflag:$0x3], $0x80, s28, s24, $0xb8;
	[tilespmem:$0x1BA00] =	vst v63  }
0x85: {  	_ =	swait.ge [sflag:s23], $0x4000  }
0x86: {  	[sflag:s23] =	ssyncset.done $0x0  }
.Ltmp1:
0x87: {  	s0 =	sadd.s32 $0x600, s0;
	[sflag:s23] =	ssyncadd.s32 $0xFFFFC000;
	(pc) =	sbr.rel @p2 .LBB2_4-.Ltmp1, $4  }
0x88: {  	[tilespmem:s24], [sflag:$0x3] =	stream.linear.gather [hbm4b:s0+s4], $0x80, $0x38;
	[tilespmem:$0x1BA00] =	vst v63  }
0x89: {  	_ =	swait.ge [sflag:s23], $0x80  }
0x8a: {  	[sflag:s23] =	ssyncset.done $0x0  }
0x8b: {  	[sflag:s23] =	ssyncadd.s32 $0xFFFFFF80  }
0x8c: {  	[tilespmem:s25], [sflag:$0x2] =	stream.indirect.gather [hbm4b:s1+s24], $0x80, s24, s24, $0xb8;
	[tilespmem:$0x1BA00] =	vst v63  }
0x8d: {  	_ =	swait.ge [sflag:s26], $0x4000  }
0x8e: {  	[sflag:s26] =	ssyncset.done $0x0  }
0x8f: {  	[sflag:s26] =	ssyncadd.s32 $0xFFFFC000  }
0x90: {  	[tilespmem:s28], [sflag:$0x3] =	stream.linear.gather [hbm4b:s13+s4], $0x80, $0x38;
	[tilespmem:$0x1BA00] =	vst v63  }
0x91: {  	_ =	swait.ge [sflag:s23], $0x80  }
0x92: {  	[sflag:s23] =	ssyncset.done $0x0  }
0x93: {  	[sflag:s23] =	ssyncadd.s32 $0xFFFFFF80  }
0x94: {  	[spmem:s3] =	stream.indirect.scatter.add.f32 [tilespmem:s22], [sflag:$0x3], $0x80, s28, s24, $0xb8;
	[tilespmem:$0x1BA00] =	vst v63  }
0x95: {  	_ =	swait.ge [sflag:s23], $0x4000  }
0x96: {  	[sflag:s23] =	ssyncset.done $0x0  }
0x97: {  	s0 =	simm.s32 @!p1 $0x0;
	s2 =	simm.s32 @!p1 $0x3;
	[sflag:s23] =	ssyncadd.s32 $0xFFFFC000  }
0x98: {  	[tilespmem:s0], [sflag:$0x3] =	stream.linear.gather @!p1 [hbm4b:s14+s0], $0x80, $0x38;
	[tilespmem:$0x1BA00] =	vst v63  }
0x99: {  	_ =	swait.ge @!p1 [sflag:s2], $0x80  }
0x9a: {  	[sflag:s2] =	ssyncset.done @!p1 $0x0  }
0x9b: {  	s6 =	simm.s32 @!p1 $0x80;
	s31 =	simm.s32 @!p1 $0x180;
	[sflag:s2] =	ssyncadd.s32 @!p1 $0xFFFFFF80  }
0x9c: {  	[tilespmem:s31], [sflag:$0x1] =	stream.indirect.gather @!p1 [hbm4b:s1+s6], $0x80, s0, s6, $0xb8;
	[tilespmem:$0x1BA00] =	vst v63  }
0x9d: {  	_ =	swait.ge [sflag:s29], $0x4000  }
0x9e: {  	[sflag:s29] =	ssyncset.done $0x0  }
0x9f: {  	[sflag:s29] =	ssyncadd.s32 $0xFFFFC000  }
0xa0: {  	[tilespmem:s28], [sflag:$0x3] =	stream.linear.gather [hbm4b:s15+s4], $0x80, $0x38;
	[tilespmem:$0x1BA00] =	vst v63  }
0xa1: {  	_ =	swait.ge [sflag:s23], $0x80  }
0xa2: {  	[sflag:s23] =	ssyncset.done $0x0  }
0xa3: {  	[sflag:s23] =	ssyncadd.s32 $0xFFFFFF80  }
0xa4: {  	[spmem:s3] =	stream.indirect.scatter.add.f32 [tilespmem:s25], [sflag:$0x3], $0x80, s28, s24, $0xb8;
	[tilespmem:$0x1BA00] =	vst v63  }
0xa5: {  	_ =	swait.ge [sflag:s23], $0x4000  }
0xa6: {  	[sflag:s23] =	ssyncset.done $0x0  }
0xa7: {  	s7 =	simm.s32 @!p1 $0x1;
	[sflag:s23] =	ssyncadd.s32 $0xFFFFC000  }
0xa8: {  	_ =	swait.ge @!p1 [sflag:s7], $0x4000  }
0xa9: {  	[sflag:s7] =	ssyncset.done @!p1 $0x0  }
0xaa: {  	[sflag:s7] =	ssyncadd.s32 @!p1 $0xFFFFC000;
	s7 =	simm.s32 @!p1 $0x100  }
0xab: {  	[tilespmem:s7], [sflag:$0x3] =	stream.linear.gather @!p1 [hbm4b:s16+s0], $0x80, $0x38;
	[tilespmem:$0x1BA00] =	vst v63  }
0xac: {  	_ =	swait.ge @!p1 [sflag:s2], $0x80  }
0xad: {  	[sflag:s2] =	ssyncset.done @!p1 $0x0  }
0xae: {  	[sflag:s2] =	ssyncadd.s32 @!p1 $0xFFFFFF80  }
0xaf: {  	[spmem:s3] =	stream.indirect.scatter.add.f32 @!p1 [tilespmem:s31], [sflag:$0x3], $0x80, s7, s6, $0xb8;
	[tilespmem:$0x1BA00] =	vst v63  }
0xb0: {  	_ =	swait.ge @!p1 [sflag:s2], $0x4000  }
0xb1: {  	s7 =	stileid.u32;
	[sflag:s2] =	ssyncset.done @!p1 $0x0  }
0xb2: {  	s0 =	sshll.u32 s7, $0x6;
	[sflag:s2] =	ssyncadd.s32 @!p1 $0xFFFFC000  }
0xb3: {  	s31 =	sshrl.u32 s5, $0x3;
	s0 =	sor.u32 $0x1C03, s0;
	[bflag:$0x0] =	sbarrier.arrive $0xFFFF  }
0xb4: {  	[hbm:s17], [sflag:s0] =	dma.local [spmem:s31], $0x2700  }
0xb5: {  	_ =	swait.ge [sflag:s23], $0x2700  }
0xb6: {  	s30 =	sadd.s32 $0x1, s30;
	[sflag:s23] =	ssyncset.done $0x0  }
0xb7: {  	p2 =	sne.s32 s30, s19;
	s2 =	sshrl.u32 @!p0 s11, $0x3;
	[sflag:s23] =	ssyncadd.s32 $0xFFFFD900  }
0xb8: {  	[hbm:s18], [sflag:s0] =	dma.local @!p0 [spmem:s2], $0x100  }
.Ltmp2:
0xb9: {  	_ = 	snop;
	(pc) =	sbr.rel @p2 .LBB2_1-.Ltmp2, $4  }
0xba: {  	s0 =	simm.s32 @!p0 $0x3  }
0xbb: {  	_ =	swait.ge @!p0 [sflag:s0], $0x100  }
0xbc: {  	[sflag:s0] =	ssyncset.done @!p0 $0x0  }
0xbd: {  	[sflag:s0] =	ssyncadd.s32 @!p0 $0xFFFFFF00  }
0xbe: {  	_ =	sfence.sel $0x180000  }
0xbf: {  	[bflag:$0x0] =	sbarrier.arrive $0xFFFF  }
0xc0: {  	_ =	strace $0x9000004A  }
0xc1: {  	s0 =	stileid.u32;
	[bflag:$0x2] =	sbarrier.arrive $0xFFFF  }
0xc2: {  	p0 =	sne.s32 s0, $0x0;
	s0 =	rddreg [dreg:$0x3]  }
0xc3: {  	s0 =	sadd.s32 @!p0 $0x100000, s0  }
0xc4: {  	[sflag:s0] =	ssyncadd.tile.s32 @!p0 $0x1;
	_ =	shalt  }
.Lfunc_end2:
_tile_overlayer_lowered:
.L_overlay_start_2:
0xc5: {  	(tag) =	ssettag $0x2  }
0xc6: {  	s0 =	rddreg [dreg:$0x0];
	s2 =	stileid.u32  }
0xc7: {  	s1 =	rddreg [dreg:$0x1];
	p0 =	sne.s32 s2, $0x0  }
0xc8: {  	s3 =	rddreg [dreg:$0x2];
	[bflag:$0x3] =	sbarrier.arrive $0xFFFF;
	s2 =	simm.s32 @!p0 $0x1C03  }
0xc9: {  	[timem:s3], [sflag:s2] =	dma.local @!p0 [hbm:s0], s1  }
0xca: {  	s0 =	simm.s32 @!p0 $0x3  }
0xcb: {  	_ =	swait.ge @!p0 [sflag:s0], s1  }
0xcc: {  	s1 =	ssub.s32 @!p0 $0x0, s1;
	[sflag:s0] =	ssyncset.done @!p0 $0x0  }
0xcd: {  	[sflag:s0] =	ssyncadd.s32 @!p0 s1  }
0xce: {  	[bflag:$0x3] =	sbarrier.arrive $0xFFFF  }
0xcf: {  	_ =	shalt  }

// kernel: kernel.14.cloned.1.call-start
scs
__scs_entry_jumppad:
0x0: {  	(pc) =	sbr.rel $0x88, $3  }
0x1: {  	(tag) =	ssettag $0x0;
	lr =	simm.s32 $0x1  }
0x2: {  	[smem:$0x3F9B] =	sst lr;
	_ =	strace $0xD0000000  }
0x3: {  	_ = 	snop  }
0x4: {  	_ = 	snop  }
0x5: {  	_ = 	snop  }
0x6: {  	_ = 	snop  }
0x7: {  	_ = 	snop  }
__scs_overlays_trampoline_lowered:
0x8: {  	[smem:$0x3FAA] =	sst s0  }
0x9: {  	[smem:$0x3FAB] =	sst s1  }
0xa: {  	[smem:$0x3FAC] =	sst s2  }
0xb: {  	[smem:$0x3FAD] =	sst s3  }
0xc: {  	[smem:$0x3FAE] =	sst s4  }
0xd: {  	[smem:$0x3FAF] =	sst s5  }
0xe: {  	[smem:$0x3FB0] =	sst s6  }
0xf: {  	[smem:$0x3FB1] =	sst s7  }
0x10: {  	[smem:$0x3FB2] =	sst s8  }
0x11: {  	[smem:$0x3FB3] =	sst s9;
	s0 =	simm.s32 @!p0 $0x0  }
0x12: {  	s1 =	sld [smem:$0x3F99];
	s0 =	simm.s32 @p0 $0x1  }
0x13: {  	[smem:$0x3FB4] =	sst s0;
	s0 =	simm.s32 @!p1 $0x0  }
0x14: {  	s2 =	sld [smem:$0x3F98];
	s0 =	simm.s32 @p1 $0x1  }
0x15: {  	[smem:$0x3FB5] =	sst s0;
	s0 =	simm.s32 @!p2 $0x0  }
0x16: {  	s3 =	sld [smem:$0x3FDB];
	s0 =	simm.s32 @p2 $0x1  }
0x17: {  	s4 =	simm.s32 $0x1BF5;
	[smem:$0x3FB7] =	sst s0  }
0x18: {  	s0 =	sld [smem:$0x3F9A];
	_ =	swait.ge [sflag:s4], $0x0  }
0x19: {  	s7 =	sld [smem:$0x3F9B]  }
0x1a: {  	s8 =	sadd.s32 $0xFFFFE003, lr  }
0x1b: {  	s9 =	sadd.s32 $0xFFFFFEF7, lr;
	s5 =	simm.s32 $0xFFFFFFFF;
	p2 =	slt.u32 s8, $0xFFFFF086  }
0x1c: {  	p1 =	slt.u32 s9, $0xF7A;
	s5 =	simm.s32 @!p2 $0x0  }
0x1d: {  	s5 =	simm.s32 @p1 $0x1;
	p0 =	seq.s32 s7, s2  }
0x1e: {  	s7 =	smul.u32 @!p0 $0xF7A, s2;
	p2 =	seq.s32 @!p0 s5, $0x0  }
0x1f: {  	s9 =	smul.u32 $0xF7A, s1;
	s8 =	simm.s32 @!p0 $0x1BF5;
	p2 =	por !p2, p0  }
0x20: {  	[sflag:s8] =	ssyncset.s32 @!p0 $0xFFFFF086;
	s6 =	sadd.s32 @!p0 s3, s7;
	s7 =	simm.s32 @!p0 $0x108  }
0x21: {  	s3 =	sadd.s32 s3, s9;
	s6 =	sadd.s32 @!p0 $0x88, s6;
	s7 =	simm.s32 @p2 $0x1082  }
0x22: {  	[simem:s7], [sflag:s8] =	dma.local @!p0 [hbm:s6], $0xF7A  }
0x23: {  	s9 =	sor.u32 $0xD0000000, s2;
	s6 =	simm.s32 $0x108;
	_ =	swait.ge @!p0 [sflag:s8], $0x0  }
0x24: {  	s3 =	sadd.s32 $0x88, s3;
	s6 =	simm.s32 @!p1 $0x1082;
	[sflag:s4] =	ssyncset.s32 $0xFFFFF086  }
0x25: {  	[simem:s6], [sflag:s4] =	dma.local [hbm:s3], $0xF7A  }
0x26: {  	[smem:$0x3F9B] =	sst s1;
	(tag) =	ssettag s2;
	_ =	strace s9  }
0x27: {  	s1 =	sld [smem:$0x3FAB]  }
0x28: {  	s2 =	sld [smem:$0x3FAC]  }
0x29: {  	s4 =	sld [smem:$0x3FAE]  }
0x2a: {  	p0 =	seq.s32 s5, $0x0;
	s5 =	sld [smem:$0x3FAF]  }
0x2b: {  	s6 =	sld [smem:$0x3FB0]  }
0x2c: {  	s7 =	sld [smem:$0x3FB1]  }
0x2d: {  	s3 =	simm.s32 $0x108;
	s8 =	sld [smem:$0x3FB2]  }
0x2e: {  	s3 =	simm.s32 @!p0 $0x1082;
	s9 =	sld [smem:$0x3FB3]  }
0x2f: {  	lr =	sadd.s32 s0, s3;
	s0 =	sld [smem:$0x3FAA]  }
0x30: {  	s3 =	sld [smem:$0x3FAD]  }
0x31: {  	[smem:$0x3FB6] =	sst s10  }
0x32: {  	s10 =	sld [smem:$0x3FB4];
	_ =	sdelay $0x3  }
0x33: {  	p0 =	seq.s32 s10, $0x1;
	s10 =	sld [smem:$0x3FB6];
	_ =	sdelay $0x3  }
0x34: {  	[smem:$0x3FB6] =	sst s10  }
0x35: {  	s10 =	sld [smem:$0x3FB5];
	_ =	sdelay $0x3  }
0x36: {  	p1 =	seq.s32 s10, $0x1;
	s10 =	sld [smem:$0x3FB6];
	_ =	sdelay $0x3  }
0x37: {  	[smem:$0x3FB6] =	sst s10  }
0x38: {  	s10 =	sld [smem:$0x3FB7]  }
0x39: {  	_ = 	snop;
	(pc) =	sbr.ind lr, $3  }
0x3a: {  	_ = 	snop  }
0x3b: {  	_ = 	snop  }
0x3c: {  	p2 =	seq.s32 s10, $0x1;
	s10 =	sld [smem:$0x3FB6]  }
0x3d: {  	_ =	shalt  }
0x3e: {  	_ =	shalt  }
0x3f: {  	_ =	shalt  }
0x40: {  	_ =	shalt  }
0x41: {  	_ =	shalt  }
0x42: {  	_ =	shalt  }
0x43: {  	_ =	shalt  }
0x44: {  	_ =	shalt  }
0x45: {  	_ =	shalt  }
0x46: {  	_ =	shalt  }
0x47: {  	_ =	shalt  }
0x48: {  	_ =	shalt  }
0x49: {  	_ =	shalt  }
0x4a: {  	_ =	shalt  }
0x4b: {  	_ =	shalt  }
0x4c: {  	_ =	shalt  }
0x4d: {  	_ =	shalt  }
0x4e: {  	_ =	shalt  }
0x4f: {  	_ =	shalt  }
0x50: {  	_ =	shalt  }
0x51: {  	_ =	shalt  }
0x52: {  	_ =	shalt  }
0x53: {  	_ =	shalt  }
0x54: {  	_ =	shalt  }
0x55: {  	_ =	shalt  }
0x56: {  	_ =	shalt  }
0x57: {  	_ =	shalt  }
0x58: {  	_ =	shalt  }
0x59: {  	_ =	shalt  }
0x5a: {  	_ =	shalt  }
0x5b: {  	_ =	shalt  }
0x5c: {  	_ =	shalt  }
0x5d: {  	_ =	shalt  }
0x5e: {  	_ =	shalt  }
0x5f: {  	_ =	shalt  }
0x60: {  	_ =	shalt  }
0x61: {  	_ =	shalt  }
0x62: {  	_ =	shalt  }
0x63: {  	_ =	shalt  }
0x64: {  	_ =	shalt  }
0x65: {  	_ =	shalt  }
0x66: {  	_ =	shalt  }
0x67: {  	_ =	shalt  }
0x68: {  	_ =	shalt  }
0x69: {  	_ =	shalt  }
0x6a: {  	_ =	shalt  }
0x6b: {  	_ =	shalt  }
0x6c: {  	_ =	shalt  }
0x6d: {  	_ =	shalt  }
0x6e: {  	_ =	shalt  }
0x6f: {  	_ =	shalt  }
0x70: {  	_ =	shalt  }
0x71: {  	_ =	shalt  }
0x72: {  	_ =	shalt  }
0x73: {  	_ =	shalt  }
0x74: {  	_ =	shalt  }
0x75: {  	_ =	shalt  }
0x76: {  	_ =	shalt  }
0x77: {  	_ =	shalt  }
0x78: {  	_ =	shalt  }
0x79: {  	_ =	shalt  }
0x7a: {  	_ =	shalt  }
0x7b: {  	_ =	shalt  }
0x7c: {  	_ =	shalt  }
0x7d: {  	_ =	shalt  }
0x7e: {  	_ =	shalt  }
0x7f: {  	_ =	shalt  }
0x80: {  	_ =	shalt  }
0x81: {  	_ =	shalt  }
0x82: {  	_ =	shalt  }
0x83: {  	_ =	shalt  }
0x84: {  	_ =	shalt  }
0x85: {  	_ =	shalt  }
0x86: {  	_ =	shalt  }
0x87: {  	_ =	shalt  }
.Lfunc_end0:
.L_simem_size_0:
called_computation.2_lowered:
.L_overlay_start_0:
0x88: {  	s2 =	sld [smem:$0x3FD9]  }
0x89: {  	s3 =	sld [smem:$0x3FFE];
	_ =	sdelay $0x1  }
0x8a: {  	s1 =	srdreg.scid  }
0x8b: {  	s0 =	sand.u32 $0x1, s1  }
0x8c: {  	s17 =	sshll.u32 s0, $0xA;
	s2 =	sadd.s32 s3, s2  }
0x8d: {  	s2 =	sadd.s32 s2, s17  }
0x8e: {  	[smem:$0x3FC2] =	sst s2  }
0x8f: {  	_ = 	snop  }
0x90: {  	s2 =	sld [smem:$0x3FD0];
	(tm) =	ssettm $0x1  }
0x91: {  	s18 =	sld [smem:$0x3FFB];
	_ =	sdelay $0x3  }
0x92: {  	_ =	strace s18  }
0x93: {  	s3 =	sld [smem:$0x3FFC];
	_ =	sdelay $0x3  }
0x94: {  	_ =	strace s3  }
0x95: {  	s3 =	sld [smem:$0x3FFD];
	_ =	sdelay $0x3  }
0x96: {  	_ =	strace s3  }
0x97: {  	_ =	strace $0x8FFFFFFF  }
0x98: {  	s19 =	sld [smem:$0x3FDB];
	_ =	sdelay $0x1  }
0x99: {  	s4 =	simm.s32 $_scs_section_size  }
0x9a: {  	s5 =	simm.s32 $_size__tile_overlayer_lowered;
	s6 =	simm.s32 $_tile_overlayer_lowered  }
0x9b: {  	s22 =	simm.s32 $0x1BFF;
	s21 =	sshll.u32 s6, $0x1;
	s3 =	sadd.s32 s4, s19  }
0x9c: {  	s7 =	simm.s32 $0x0;
	s20 =	sshll.u32 s5, $0x1;
	s5 =	sadd.s32 s21, s3  }
0x9d: {  	[timem:s7], [sflag:s22] =	dma.local [hbm:s5], s20  }
0x9e: {  	_ =	swait.ge [sflag:s22], s20  }
0x9f: {  	s4 =	ssub.s32 $0x0, s20;
	[sflag:s22] =	ssyncset.done $0x0  }
0xa0: {  	[sflag:s22] =	ssyncadd.s32 s4;
	_ =	sdelay $0x1  }
0xa1: {  	s23 =	simm.s32 $0x1B8B  }
0xa2: {  	_ =	swait.ge [sflag:s23], $0x1  }
0xa3: {  	[sflag:s23] =	ssyncset.done $0x0  }
0xa4: {  	s25 =	simm.s32 $0x1B8E;
	s24 =	sld [smem:$0x3FFE];
	[sflag:s23] =	ssyncadd.s32 $0xFFFFFFFF  }
0xa5: {  	s26 =	simm.s32 $execute0_lowered;
	[smem:$0x3FD2] =	sst s25  }
0xa6: {  	s5 =	sshll.u32 s26, $0x1;
	_ =	strace $0x8000004C;
	[dreg:$0x1] =	wrdreg $0xFFFFFFFF  }
0xa7: {  	s28 =	simm.s32 $_size_execute0_lowered;
	s3 =	sadd.s32 s3, s5;
	[dreg:$0x0] =	wrdreg $0x0  }
0xa8: {  	s5 =	sshll.u32 s28, $0x1;
	[dreg:$0x2] =	wrdreg s3  }
0xa9: {  	[dreg:$0x3] =	wrdreg s5  }
0xaa: {  	[dreg:$0x4] =	wrdreg $0xC0  }
0xab: {  	_ =	task [dreg:s7], $0x5FFFF  }
0xac: {  	[dreg:$0x1] =	wrdreg $0xFFFFFFFF  }
0xad: {  	[dreg:$0x0] =	wrdreg $0x60  }
0xae: {  	[dreg:$0x2] =	wrdreg s2  }
0xaf: {  	[dreg:$0x3] =	wrdreg s24  }
0xb0: {  	[dreg:$0x4] =	wrdreg $0x81800  }
0xb1: {  	[dreg:$0x5] =	wrdreg $0x9  }
0xb2: {  	_ =	task.clear_ibuf [dreg:s7], $0x6FFFF;
	_ =	strace $0x9000004C  }
0xb3: {  	s29 =	simm.s32 $0x9;
	_ =	strace $0x8000004E  }
0xb4: {  	_ =	swait.ge [sflag:s29], $0x1  }
0xb5: {  	[sflag:s29] =	ssyncadd.s32 $0xFFFFFFFF  }
0xb6: {  	_ =	strace $0x9000004E  }
0xb7: {  	_ =	sfence  }
0xb8: {  	s30 =	sld [smem:$0x0];
	_ =	sdelay $0x2  }
0xb9: {  	s31 =	sshll.u32 s1, $0xD;
	s1 =	sshrl.u32 s1, $0x2  }
0xba: {  	s3 =	sand.u32 $0x4000, s31;
	s1 =	sadd.s32 s1, s30  }
0xbb: {  	s0 =	sor.u32 s3, s0;
	s1 =	sshll.u32 s1, $0x11  }
0xbc: {  	s0 =	sor.u32 s1, s0  }
0xbd: {  	s0 =	sadd.s32 $0x8F2B, s0  }
0xbe: {  	[sflag:s0] =	ssyncadd.remote.s32 $0x1  }
0xbf: {  	_ =	sfence.sel $0xFFFF  }
0xc0: {  	[dreg:$0x0] =	wrdreg $0xFFFFFFFF;
	(pc) =	sbr.abs _section_cstart, $3  }
0xc1: {  	[dreg:$0x1] =	wrdreg $0xFFFFFFFF  }
0xc2: {  	_ =	task.clear_ibuf [dreg:s7], $0x2FFFF;
	_ =	strace $0x9FFFFFFF  }
0xc3: {  	(tm) =	ssettm $0x7FFFFFFF  }
tec
execute0_lowered:
.L_overlay_start_1:
0x0: {  	(tag) =	ssettag $0x1  }
0x1: {  	s1 =	rddreg [dreg:$0x0]  }
0x2: {  	s0 =	rddreg [dreg:$0x1]  }
0x3: {  	s3 =	rddreg [dreg:$0x2];
	s4 =	simm.s32 $0x0  }
0x4: {  	s2 =	stileid.u32;
	s5 =	srdreg.scid;
	s28 =	simm.s32 $0x100  }
0x5: {  	s29 =	simm.s32 $0x2;
	s30 =	simm.s32 $0x0;
	[smem:$0x7FF] =	sst s4  }
0x6: {  	s6 =	smul.u32 $0x4E000, s2;
	s20 =	sadd.s32 $0x2400, s0;
	s10 =	sand.u32 $0x1, s5  }
0x7: {  	s21 =	sadd.s32 $0xC200, s0;
	s0 =	sadd.s32 $0x16000, s0;
	s17 =	smul.u32 $0x13800, s2  }
0x8: {  	p0 =	sne.s32 s2, $0xF;
	p1 =	sgt.u32 s2, $0x1;
	s7 =	ssub.s32 $0x2, s10  }
0x9: {  	s15 =	smul.u32 $0x138800, s10;
	s22 =	sshrl.u32 s6, $0x2;
	s23 =	sshrl.u32 s7, $0x1  }
0xa: {  	_ =	strace $0x8000004D;
	s5 =	sadd.s32 s22, s3;
	s19 =	ssub.s32 s7, s23  }
0xb: {  	s22 =	sshll.u32 s2, $0x5;
	s23 =	sshll.u32 s10, $0x4;
	s17 =	sadd.s32 s17, s15  }
0xc: {  	s18 =	sshrl.u32 s15, $0x3;
	s24 =	sadd.s32 $0x4000, s5;
	s25 =	sadd.s32 $0x8000, s5  }
0xd: {  	s8 =	sadd.s32 $0xC000, s5;
	s9 =	sadd.s32 $0x10000, s5;
	s11 =	sor.u32 s23, s22  }
0xe: {  	s17 =	sshrl.u32 s17, $0x3;
	s18 =	sadd.s32 s0, s18;
	s19 =	smax.u32 s19, $0x1  }
0xf: {  	s26 =	sadd.s32 s22, s21;
	s31 =	sadd.s32 s22, s20;
	[dreg:$0x4] =	wrdreg s24  }
0x10: {  	s22 =	simm.s32 $0x180;
	[dreg:$0x5] =	wrdreg s25;
	s10 =	sadd.s32 s20, s11  }
0x11: {  	s16 =	sadd.s32 s11, s21;
	s11 =	sadd.s32 $0x138000, s3;
	s17 =	sadd.s32 s0, s17  }
0x12: {  	s18 =	sadd.s32 $0x27000, s18;
	s20 =	sadd.s32 s23, s26;
	s21 =	sadd.s32 s23, s31  }
0x13: {  	s23 =	simm.s32 $0x3;
	s24 =	simm.s32 $0x80;
	s25 =	simm.s32 $0x4180  }
0x14: {  	s26 =	simm.s32 $0x1;
	s12 =	sadd.s32 $0x200, s10;
	s13 =	sadd.s32 $0x9800, s16  }
0x15: {  	v0 =	vimm.f32 $0.0e+00;
	s14 =	sadd.s32 $0x9C00, s10;
	s15 =	sadd.s32 $0x9A00, s16;
	s16 =	sadd.s32 $0x9C00, s16  }
.LBB2_1:
0x16: {  	s31 =	simm.s32 $0x0;
	s0 =	simm.s32 $0x200  }
.LBB2_2:
0x17: {  	p2 =	sne.s32 s0, $0xFE00;
	[tilespmem:s31+$0x1F0] =	vst v0  }
0x18: {  	[tilespmem:s31+$0x180] =	vst v0  }
0x19: {  	[tilespmem:s31+$0x190] =	vst v0  }
.Ltmp0:
0x1a: {  	[tilespmem:s31+$0x1A0] =	vst v0;
	(pc) =	sbr.rel @p2 .LBB2_2-.Ltmp0, $4  }
0x1b: {  	[tilespmem:s31+$0x1B0] =	vst v0  }
0x1c: {  	[tilespmem:s31+$0x1C0] =	vst v0  }
0x1d: {  	[tilespmem:s31+$0x1D0] =	vst v0  }
0x1e: {  	[tilespmem:s31+$0x1E0] =	vst v0;
	s31 =	sshra.s32 s0, $0x2;
	s0 =	sadd.s32 $0x200, s0  }
0x1f: {  	[tilespmem:s31+$0x1F0] =	vst v0  }
0x20: {  	[tilespmem:s31+$0x180] =	vst v0  }
0x21: {  	[tilespmem:s31+$0x190] =	vst v0  }
0x22: {  	[tilespmem:s31+$0x1A0] =	vst v0  }
0x23: {  	[tilespmem:s31+$0x1B0] =	vst v0  }
0x24: {  	[tilespmem:s31+$0x1C0] =	vst v0  }
0x25: {  	[tilespmem:s31+$0x1D0] =	vst v0  }
0x26: {  	[tilespmem:s31+$0x1E0] =	vst v0  }
0x27: {  	[spmem:s5] =	stream.linear.scatter [tilespmem:s22], [sflag:$0x3], $0x4000, $0x38;
	[tilespmem:$0x1BA00] =	vst v63  }
0x28: {  	_ =	swait.ge [sflag:s23], $0x4000  }
0x29: {  	[sflag:s23] =	ssyncset.done $0x0  }
0x2a: {  	s0 =	rddreg [dreg:$0x4];
	[sflag:s23] =	ssyncadd.s32 $0xFFFFC000  }
0x2b: {  	[spmem:s0] =	stream.linear.scatter [tilespmem:s22], [sflag:$0x3], $0x4000, $0x38;
	[tilespmem:$0x1BA00] =	vst v63  }
0x2c: {  	_ =	swait.ge [sflag:s23], $0x4000  }
0x2d: {  	[sflag:s23] =	ssyncset.done $0x0  }
0x2e: {  	s7 =	rddreg [dreg:$0x5];
	[sflag:s23] =	ssyncadd.s32 $0xFFFFC000  }
0x2f: {  	[spmem:s7] =	stream.linear.scatter [tilespmem:s22], [sflag:$0x3], $0x4000, $0x38;
	[tilespmem:$0x1BA00] =	vst v63  }
0x30: {  	_ =	swait.ge [sflag:s23], $0x4000  }
0x31: {  	[sflag:s23] =	ssyncset.done $0x0  }
0x32: {  	[sflag:s23] =	ssyncadd.s32 $0xFFFFC000  }
0x33: {  	[spmem:s8] =	stream.linear.scatter [tilespmem:s22], [sflag:$0x3], $0x4000, $0x38;
	[tilespmem:$0x1BA00] =	vst v63  }
0x34: {  	_ =	swait.ge [sflag:s23], $0x4000  }
0x35: {  	[sflag:s23] =	ssyncset.done $0x0  }
0x36: {  	[sflag:s23] =	ssyncadd.s32 $0xFFFFC000  }
0x37: {  	[spmem:s9] =	stream.linear.scatter [tilespmem:s22], [sflag:$0x3], $0x3800, $0x38;
	[tilespmem:$0x1BA00] =	vst v63  }
0x38: {  	_ =	swait.ge [sflag:s23], $0x3800  }
0x39: {  	[sflag:s23] =	ssyncset.done $0x0  }
0x3a: {  	s0 =	simm.s32 @!p0 $0x180;
	[sflag:s23] =	ssyncadd.s32 $0xFFFFC800  }
0x3b: {  	[spmem:s11] =	stream.linear.scatter @!p0 [tilespmem:s0], [sflag:$0x3], $0x800, $0x38;
	[tilespmem:$0x1BA00] =	vst v63  }
0x3c: {  	s0 =	simm.s32 @!p0 $0x3  }
0x3d: {  	_ =	swait.ge @!p0 [sflag:s0], $0x800  }
0x3e: {  	[sflag:s0] =	ssyncset.done @!p0 $0x0  }
0x3f: {  	[sflag:s0] =	ssyncadd.s32 @!p0 $0xFFFFF800  }
0x40: {  	s2 =	simm.s32 $0x0;
	[bflag:$0x0] =	sbarrier.arrive $0xFFFF  }
0x41: {  	[tilespmem:s2], [sflag:$0x3] =	stream.linear.gather [hbm4b:s10+s2], $0x80, $0x38;
	[tilespmem:$0x1BA00] =	vst v63  }
0x42: {  	_ =	swait.ge [sflag:s23], $0x80  }
0x43: {  	[sflag:s23] =	ssyncset.done $0x0  }
0x44: {  	[sflag:s23] =	ssyncadd.s32 $0xFFFFFF80  }
0x45: {  	[tilespmem:s22], [sflag:$0x1] =	stream.indirect.gather [hbm4b:s1+s24], $0x80, s2, s24, $0xb8;
	[tilespmem:$0x1BA00] =	vst v63  }
0x46: {  	_ = 	snop  }
0x47: {  	[tilespmem:s24], [sflag:$0x3] =	stream.linear.gather [hbm4b:s12+s2], $0x80, $0x38;
	[tilespmem:$0x1BA00] =	vst v63  }
0x48: {  	_ =	swait.ge [sflag:s23], $0x80  }
0x49: {  	[sflag:s23] =	ssyncset.done $0x0  }
0x4a: {  	[sflag:s23] =	ssyncadd.s32 $0xFFFFFF80  }
0x4b: {  	[tilespmem:s25], [sflag:$0x2] =	stream.indirect.gather [hbm4b:s1+s24], $0x80, s24, s24, $0xb8;
	[tilespmem:$0x1BA00] =	vst v63  }
0x4c: {  	_ =	swait.ge [sflag:s26], $0x4000  }
0x4d: {  	[sflag:s26] =	ssyncset.done $0x0  }
0x4e: {  	s6 =	sadd.s32 $0x0, s20;
	[sflag:s26] =	ssyncadd.s32 $0xFFFFC000  }
0x4f: {  	[tilespmem:s28], [sflag:$0x3] =	stream.linear.gather [hbm4b:s6+s4], $0x80, $0x38;
	[tilespmem:$0x1BA00] =	vst v63  }
0x50: {  	_ =	swait.ge [sflag:s23], $0x80  }
0x51: {  	[sflag:s23] =	ssyncset.done $0x0  }
0x52: {  	[sflag:s23] =	ssyncadd.s32 $0xFFFFFF80  }
0x53: {  	[spmem:s3] =	stream.indirect.scatter.add.f32 [tilespmem:s22], [sflag:$0x3], $0x80, s28, s24, $0xb8;
	[tilespmem:$0x1BA00] =	vst v63  }
0x54: {  	_ =	swait.ge [sflag:s23], $0x4000  }
0x55: {  	s31 =	sadd.s32 $0x0, s21;
	[sflag:s23] =	ssyncset.done $0x0  }
0x56: {  	s2 =	sadd.s32 $0x400, s31;
	[sflag:s23] =	ssyncadd.s32 $0xFFFFC000  }
0x57: {  	[tilespmem:s4], [sflag:$0x3] =	stream.linear.gather [hbm4b:s2+s4], $0x80, $0x38;
	[tilespmem:$0x1BA00] =	vst v63  }
0x58: {  	_ =	swait.ge [sflag:s23], $0x80  }
0x59: {  	[sflag:s23] =	ssyncset.done $0x0  }
0x5a: {  	[sflag:s23] =	ssyncadd.s32 $0xFFFFFF80  }
0x5b: {  	[tilespmem:s22], [sflag:$0x1] =	stream.indirect.gather [hbm4b:s1+s24], $0x80, s4, s24, $0xb8;
	[tilespmem:$0x1BA00] =	vst v63  }
0x5c: {  	_ =	swait.ge [sflag:s29], $0x4000  }
0x5d: {  	[sflag:s29] =	ssyncset.done $0x0  }
0x5e: {  	s0 =	sadd.s32 $0x200, s6;
	[sflag:s29] =	ssyncadd.s32 $0xFFFFC000  }
0x5f: {  	[tilespmem:s28], [sflag:$0x3] =	stream.linear.gather [hbm4b:s0+s4], $0x80, $0x38;
	[tilespmem:$0x1BA00] =	vst v63  }
0x60: {  	_ =	swait.ge [sflag:s23], $0x80  }
0x61: {  	[sflag:s23] =	ssyncset.done $0x0  }
0x62: {  	[sflag:s23] =	ssyncadd.s32 $0xFFFFFF80  }
0x63: {  	[spmem:s3] =	stream.indirect.scatter.add.f32 [tilespmem:s25], [sflag:$0x3], $0x80, s28, s24, $0xb8;
	[tilespmem:$0x1BA00] =	vst v63  }
0x64: {  	_ =	swait.ge [sflag:s23], $0x4000  }
0x65: {  	[sflag:s23] =	ssyncset.done $0x0  }
0x66: {  	s7 =	sadd.s32 $0x600, s31;
	[sflag:s23] =	ssyncadd.s32 $0xFFFFC000  }
0x67: {  	[tilespmem:s24], [sflag:$0x3] =	stream.linear.gather [hbm4b:s7+s4], $0x80, $0x38;
	[tilespmem:$0x1BA00] =	vst v63  }
0x68: {  	_ =	swait.ge [sflag:s23], $0x80  }
0x69: {  	[sflag:s23] =	ssyncset.done $0x0  }
0x6a: {  	s31 =	simm.s32 $0x400;
	[sflag:s23] =	ssyncadd.s32 $0xFFFFFF80  }
.LBB2_4:
0x6b: {  	[tilespmem:s25], [sflag:$0x2] =	stream.indirect.gather [hbm4b:s1+s24], $0x80, s24, s24, $0xb8;
	[tilespmem:$0x1BA00] =	vst v63  }
0x6c: {  	s0 =	smov.u32 s31  }
0x6d: {  	p2 =	sne.s32 s31, $0x9400;
	s31 =	sadd.s32 $0x400, s31;
	_ =	swait.ge [sflag:s26], $0x4000  }
0x6e: {  	[sflag:s26] =	ssyncset.done $0x0  }
0x6f: {  	s2 =	sadd.s32 s0, s20;
	[sflag:s26] =	ssyncadd.s32 $0xFFFFC000  }
0x70: {  	[tilespmem:s28], [sflag:$0x3] =	stream.linear.gather [hbm4b:s2+s4], $0x80, $0x38;
	[tilespmem:$0x1BA00] =	vst v63  }
0x71: {  	_ =	swait.ge [sflag:s23], $0x80  }
0x72: {  	[sflag:s23] =	ssyncset.done $0x0  }
0x73: {  	[sflag:s23] =	ssyncadd.s32 $0xFFFFFF80  }
0x74: {  	[spmem:s3] =	stream.indirect.scatter.add.f32 [tilespmem:s22], [sflag:$0x3], $0x80, s28, s24, $0xb8;
	[tilespmem:$0x1BA00] =	vst v63  }
0x75: {  	_ =	swait.ge [sflag:s23], $0x4000  }
0x76: {  	s0 =	sadd.s32 s0, s21;
	[sflag:s23] =	ssyncset.done $0x0  }
0x77: {  	s6 =	sadd.s32 $0x400, s0;
	[sflag:s23] =	ssyncadd.s32 $0xFFFFC000  }
0x78: {  	[tilespmem:s4], [sflag:$0x3] =	stream.linear.gather [hbm4b:s6+s4], $0x80, $0x38;
	[tilespmem:$0x1BA00] =	vst v63  }
0x79: {  	_ =	swait.ge [sflag:s23], $0x80  }
0x7a: {  	[sflag:s23] =	ssyncset.done $0x0  }
0x7b: {  	[sflag:s23] =	ssyncadd.s32 $0xFFFFFF80  }
0x7c: {  	[tilespmem:s22], [sflag:$0x1] =	stream.indirect.gather [hbm4b:s1+s24], $0x80, s4, s24, $0xb8;
	[tilespmem:$0x1BA00] =	vst v63  }
0x7d: {  	_ =	swait.ge [sflag:s29], $0x4000  }
0x7e: {  	[sflag:s29] =	ssyncset.done $0x0  }
0x7f: {  	s2 =	sadd.s32 $0x200, s2;
	[sflag:s29] =	ssyncadd.s32 $0xFFFFC000  }
0x80: {  	[tilespmem:s28], [sflag:$0x3] =	stream.linear.gather [hbm4b:s2+s4], $0x80, $0x38;
	[tilespmem:$0x1BA00] =	vst v63  }
0x81: {  	_ =	swait.ge [sflag:s23], $0x80  }
0x82: {  	[sflag:s23] =	ssyncset.done $0x0  }
0x83: {  	[sflag:s23] =	ssyncadd.s32 $0xFFFFFF80  }
0x84: {  	[spmem:s3] =	stream.indirect.scatter.add.f32 [tilespmem:s25], [sflag:$0x3], $0x80, s28, s24, $0xb8;
	[tilespmem:$0x1BA00] =	vst v63  }
0x85: {  	_ =	swait.ge [sflag:s23], $0x4000  }
0x86: {  	[sflag:s23] =	ssyncset.done $0x0  }
.Ltmp1:
0x87: {  	s0 =	sadd.s32 $0x600, s0;
	[sflag:s23] =	ssyncadd.s32 $0xFFFFC000;
	(pc) =	sbr.rel @p2 .LBB2_4-.Ltmp1, $4  }
0x88: {  	[tilespmem:s24], [sflag:$0x3] =	stream.linear.gather [hbm4b:s0+s4], $0x80, $0x38;
	[tilespmem:$0x1BA00] =	vst v63  }
0x89: {  	_ =	swait.ge [sflag:s23], $0x80  }
0x8a: {  	[sflag:s23] =	ssyncset.done $0x0  }
0x8b: {  	[sflag:s23] =	ssyncadd.s32 $0xFFFFFF80  }
0x8c: {  	[tilespmem:s25], [sflag:$0x2] =	stream.indirect.gather [hbm4b:s1+s24], $0x80, s24, s24, $0xb8;
	[tilespmem:$0x1BA00] =	vst v63  }
0x8d: {  	_ =	swait.ge [sflag:s26], $0x4000  }
0x8e: {  	[sflag:s26] =	ssyncset.done $0x0  }
0x8f: {  	[sflag:s26] =	ssyncadd.s32 $0xFFFFC000  }
0x90: {  	[tilespmem:s28], [sflag:$0x3] =	stream.linear.gather [hbm4b:s13+s4], $0x80, $0x38;
	[tilespmem:$0x1BA00] =	vst v63  }
0x91: {  	_ =	swait.ge [sflag:s23], $0x80  }
0x92: {  	[sflag:s23] =	ssyncset.done $0x0  }
0x93: {  	[sflag:s23] =	ssyncadd.s32 $0xFFFFFF80  }
0x94: {  	[spmem:s3] =	stream.indirect.scatter.add.f32 [tilespmem:s22], [sflag:$0x3], $0x80, s28, s24, $0xb8;
	[tilespmem:$0x1BA00] =	vst v63  }
0x95: {  	_ =	swait.ge [sflag:s23], $0x4000  }
0x96: {  	[sflag:s23] =	ssyncset.done $0x0  }
0x97: {  	s0 =	simm.s32 @!p1 $0x0;
	s2 =	simm.s32 @!p1 $0x3;
	[sflag:s23] =	ssyncadd.s32 $0xFFFFC000  }
0x98: {  	[tilespmem:s0], [sflag:$0x3] =	stream.linear.gather @!p1 [hbm4b:s14+s0], $0x80, $0x38;
	[tilespmem:$0x1BA00] =	vst v63  }
0x99: {  	_ =	swait.ge @!p1 [sflag:s2], $0x80  }
0x9a: {  	[sflag:s2] =	ssyncset.done @!p1 $0x0  }
0x9b: {  	s6 =	simm.s32 @!p1 $0x80;
	s31 =	simm.s32 @!p1 $0x180;
	[sflag:s2] =	ssyncadd.s32 @!p1 $0xFFFFFF80  }
0x9c: {  	[tilespmem:s31], [sflag:$0x1] =	stream.indirect.gather @!p1 [hbm4b:s1+s6], $0x80, s0, s6, $0xb8;
	[tilespmem:$0x1BA00] =	vst v63  }
0x9d: {  	_ =	swait.ge [sflag:s29], $0x4000  }
0x9e: {  	[sflag:s29] =	ssyncset.done $0x0  }
0x9f: {  	[sflag:s29] =	ssyncadd.s32 $0xFFFFC000  }
0xa0: {  	[tilespmem:s28], [sflag:$0x3] =	stream.linear.gather [hbm4b:s15+s4], $0x80, $0x38;
	[tilespmem:$0x1BA00] =	vst v63  }
0xa1: {  	_ =	swait.ge [sflag:s23], $0x80  }
0xa2: {  	[sflag:s23] =	ssyncset.done $0x0  }
0xa3: {  	[sflag:s23] =	ssyncadd.s32 $0xFFFFFF80  }
0xa4: {  	[spmem:s3] =	stream.indirect.scatter.add.f32 [tilespmem:s25], [sflag:$0x3], $0x80, s28, s24, $0xb8;
	[tilespmem:$0x1BA00] =	vst v63  }
0xa5: {  	_ =	swait.ge [sflag:s23], $0x4000  }
0xa6: {  	[sflag:s23] =	ssyncset.done $0x0  }
0xa7: {  	s7 =	simm.s32 @!p1 $0x1;
	[sflag:s23] =	ssyncadd.s32 $0xFFFFC000  }
0xa8: {  	_ =	swait.ge @!p1 [sflag:s7], $0x4000  }
0xa9: {  	[sflag:s7] =	ssyncset.done @!p1 $0x0  }
0xaa: {  	[sflag:s7] =	ssyncadd.s32 @!p1 $0xFFFFC000;
	s7 =	simm.s32 @!p1 $0x100  }
0xab: {  	[tilespmem:s7], [sflag:$0x3] =	stream.linear.gather @!p1 [hbm4b:s16+s0], $0x80, $0x38;
	[tilespmem:$0x1BA00] =	vst v63  }
0xac: {  	_ =	swait.ge @!p1 [sflag:s2], $0x80  }
0xad: {  	[sflag:s2] =	ssyncset.done @!p1 $0x0  }
0xae: {  	[sflag:s2] =	ssyncadd.s32 @!p1 $0xFFFFFF80  }
0xaf: {  	[spmem:s3] =	stream.indirect.scatter.add.f32 @!p1 [tilespmem:s31], [sflag:$0x3], $0x80, s7, s6, $0xb8;
	[tilespmem:$0x1BA00] =	vst v63  }
0xb0: {  	_ =	swait.ge @!p1 [sflag:s2], $0x4000  }
0xb1: {  	s7 =	stileid.u32;
	[sflag:s2] =	ssyncset.done @!p1 $0x0  }
0xb2: {  	s0 =	sshll.u32 s7, $0x6;
	[sflag:s2] =	ssyncadd.s32 @!p1 $0xFFFFC000  }
0xb3: {  	s31 =	sshrl.u32 s5, $0x3;
	s0 =	sor.u32 $0x1C03, s0;
	[bflag:$0x0] =	sbarrier.arrive $0xFFFF  }
0xb4: {  	[hbm:s17], [sflag:s0] =	dma.local [spmem:s31], $0x2700  }
0xb5: {  	_ =	swait.ge [sflag:s23], $0x2700  }
0xb6: {  	s30 =	sadd.s32 $0x1, s30;
	[sflag:s23] =	ssyncset.done $0x0  }
0xb7: {  	p2 =	sne.s32 s30, s19;
	s2 =	sshrl.u32 @!p0 s11, $0x3;
	[sflag:s23] =	ssyncadd.s32 $0xFFFFD900  }
0xb8: {  	[hbm:s18], [sflag:s0] =	dma.local @!p0 [spmem:s2], $0x100  }
.Ltmp2:
0xb9: {  	_ = 	snop;
	(pc) =	sbr.rel @p2 .LBB2_1-.Ltmp2, $4  }
0xba: {  	s0 =	simm.s32 @!p0 $0x3  }
0xbb: {  	_ =	swait.ge @!p0 [sflag:s0], $0x100  }
0xbc: {  	[sflag:s0] =	ssyncset.done @!p0 $0x0  }
0xbd: {  	[sflag:s0] =	ssyncadd.s32 @!p0 $0xFFFFFF00  }
0xbe: {  	_ =	sfence.sel $0x180000  }
0xbf: {  	[bflag:$0x0] =	sbarrier.arrive $0xFFFF  }
0xc0: {  	_ =	strace $0x9000004D  }
0xc1: {  	s0 =	stileid.u32;
	[bflag:$0x2] =	sbarrier.arrive $0xFFFF  }
0xc2: {  	p0 =	sne.s32 s0, $0x0;
	s0 =	rddreg [dreg:$0x3]  }
0xc3: {  	s0 =	sadd.s32 @!p0 $0x100000, s0  }
0xc4: {  	[sflag:s0] =	ssyncadd.tile.s32 @!p0 $0x1;
	_ =	shalt  }
.Lfunc_end2:
_tile_overlayer_lowered:
.L_overlay_start_2:
0xc5: {  	(tag) =	ssettag $0x2  }
0xc6: {  	s0 =	rddreg [dreg:$0x0];
	s2 =	stileid.u32  }
0xc7: {  	s1 =	rddreg [dreg:$0x1];
	p0 =	sne.s32 s2, $0x0  }
0xc8: {  	s3 =	rddreg [dreg:$0x2];
	[bflag:$0x3] =	sbarrier.arrive $0xFFFF;
	s2 =	simm.s32 @!p0 $0x1C03  }
0xc9: {  	[timem:s3], [sflag:s2] =	dma.local @!p0 [hbm:s0], s1  }
0xca: {  	s0 =	simm.s32 @!p0 $0x3  }
0xcb: {  	_ =	swait.ge @!p0 [sflag:s0], s1  }
0xcc: {  	s1 =	ssub.s32 @!p0 $0x0, s1;
	[sflag:s0] =	ssyncset.done @!p0 $0x0  }
0xcd: {  	[sflag:s0] =	ssyncadd.s32 @!p0 s1  }
0xce: {  	[bflag:$0x3] =	sbarrier.arrive $0xFFFF  }
0xcf: {  	_ =	shalt  }

// kernel: kernel.8.cloned.1.call-start
scs
__scs_entry_jumppad:
0x0: {  	(pc) =	sbr.rel $0x88, $3  }
0x1: {  	(tag) =	ssettag $0x0;
	lr =	simm.s32 $0x1  }
0x2: {  	[smem:$0x3F9B] =	sst lr;
	_ =	strace $0xD0000000  }
0x3: {  	_ = 	snop  }
0x4: {  	_ = 	snop  }
0x5: {  	_ = 	snop  }
0x6: {  	_ = 	snop  }
0x7: {  	_ = 	snop  }
__scs_overlays_trampoline_lowered:
0x8: {  	[smem:$0x3FAA] =	sst s0  }
0x9: {  	[smem:$0x3FAB] =	sst s1  }
0xa: {  	[smem:$0x3FAC] =	sst s2  }
0xb: {  	[smem:$0x3FAD] =	sst s3  }
0xc: {  	[smem:$0x3FAE] =	sst s4  }
0xd: {  	[smem:$0x3FAF] =	sst s5  }
0xe: {  	[smem:$0x3FB0] =	sst s6  }
0xf: {  	[smem:$0x3FB1] =	sst s7  }
0x10: {  	[smem:$0x3FB2] =	sst s8  }
0x11: {  	[smem:$0x3FB3] =	sst s9;
	s0 =	simm.s32 @!p0 $0x0  }
0x12: {  	s1 =	sld [smem:$0x3F99];
	s0 =	simm.s32 @p0 $0x1  }
0x13: {  	[smem:$0x3FB4] =	sst s0;
	s0 =	simm.s32 @!p1 $0x0  }
0x14: {  	s2 =	sld [smem:$0x3F98];
	s0 =	simm.s32 @p1 $0x1  }
0x15: {  	[smem:$0x3FB5] =	sst s0;
	s0 =	simm.s32 @!p2 $0x0  }
0x16: {  	s3 =	sld [smem:$0x3FDB];
	s0 =	simm.s32 @p2 $0x1  }
0x17: {  	s4 =	simm.s32 $0x1BF5;
	[smem:$0x3FB7] =	sst s0  }
0x18: {  	s0 =	sld [smem:$0x3F9A];
	_ =	swait.ge [sflag:s4], $0x0  }
0x19: {  	s7 =	sld [smem:$0x3F9B]  }
0x1a: {  	s8 =	sadd.s32 $0xFFFFE003, lr  }
0x1b: {  	s9 =	sadd.s32 $0xFFFFFEF7, lr;
	s5 =	simm.s32 $0xFFFFFFFF;
	p2 =	slt.u32 s8, $0xFFFFF086  }
0x1c: {  	p1 =	slt.u32 s9, $0xF7A;
	s5 =	simm.s32 @!p2 $0x0  }
0x1d: {  	s5 =	simm.s32 @p1 $0x1;
	p0 =	seq.s32 s7, s2  }
0x1e: {  	s7 =	smul.u32 @!p0 $0xF7A, s2;
	p2 =	seq.s32 @!p0 s5, $0x0  }
0x1f: {  	s9 =	smul.u32 $0xF7A, s1;
	s8 =	simm.s32 @!p0 $0x1BF5;
	p2 =	por !p2, p0  }
0x20: {  	[sflag:s8] =	ssyncset.s32 @!p0 $0xFFFFF086;
	s6 =	sadd.s32 @!p0 s3, s7;
	s7 =	simm.s32 @!p0 $0x108  }
0x21: {  	s3 =	sadd.s32 s3, s9;
	s6 =	sadd.s32 @!p0 $0x88, s6;
	s7 =	simm.s32 @p2 $0x1082  }
0x22: {  	[simem:s7], [sflag:s8] =	dma.local @!p0 [hbm:s6], $0xF7A  }
0x23: {  	s9 =	sor.u32 $0xD0000000, s2;
	s6 =	simm.s32 $0x108;
	_ =	swait.ge @!p0 [sflag:s8], $0x0  }
0x24: {  	s3 =	sadd.s32 $0x88, s3;
	s6 =	simm.s32 @!p1 $0x1082;
	[sflag:s4] =	ssyncset.s32 $0xFFFFF086  }
0x25: {  	[simem:s6], [sflag:s4] =	dma.local [hbm:s3], $0xF7A  }
0x26: {  	[smem:$0x3F9B] =	sst s1;
	(tag) =	ssettag s2;
	_ =	strace s9  }
0x27: {  	s1 =	sld [smem:$0x3FAB]  }
0x28: {  	s2 =	sld [smem:$0x3FAC]  }
0x29: {  	s4 =	sld [smem:$0x3FAE]  }
0x2a: {  	p0 =	seq.s32 s5, $0x0;
	s5 =	sld [smem:$0x3FAF]  }
0x2b: {  	s6 =	sld [smem:$0x3FB0]  }
0x2c: {  	s7 =	sld [smem:$0x3FB1]  }
0x2d: {  	s3 =	simm.s32 $0x108;
	s8 =	sld [smem:$0x3FB2]  }
0x2e: {  	s3 =	simm.s32 @!p0 $0x1082;
	s9 =	sld [smem:$0x3FB3]  }
0x2f: {  	lr =	sadd.s32 s0, s3;
	s0 =	sld [smem:$0x3FAA]  }
0x30: {  	s3 =	sld [smem:$0x3FAD]  }
0x31: {  	[smem:$0x3FB6] =	sst s10  }
0x32: {  	s10 =	sld [smem:$0x3FB4];
	_ =	sdelay $0x3  }
0x33: {  	p0 =	seq.s32 s10, $0x1;
	s10 =	sld [smem:$0x3FB6];
	_ =	sdelay $0x3  }
0x34: {  	[smem:$0x3FB6] =	sst s10  }
0x35: {  	s10 =	sld [smem:$0x3FB5];
	_ =	sdelay $0x3  }
0x36: {  	p1 =	seq.s32 s10, $0x1;
	s10 =	sld [smem:$0x3FB6];
	_ =	sdelay $0x3  }
0x37: {  	[smem:$0x3FB6] =	sst s10  }
0x38: {  	s10 =	sld [smem:$0x3FB7]  }
0x39: {  	_ = 	snop;
	(pc) =	sbr.ind lr, $3  }
0x3a: {  	_ = 	snop  }
0x3b: {  	_ = 	snop  }
0x3c: {  	p2 =	seq.s32 s10, $0x1;
	s10 =	sld [smem:$0x3FB6]  }
0x3d: {  	_ =	shalt  }
0x3e: {  	_ =	shalt  }
0x3f: {  	_ =	shalt  }
0x40: {  	_ =	shalt  }
0x41: {  	_ =	shalt  }
0x42: {  	_ =	shalt  }
0x43: {  	_ =	shalt  }
0x44: {  	_ =	shalt  }
0x45: {  	_ =	shalt  }
0x46: {  	_ =	shalt  }
0x47: {  	_ =	shalt  }
0x48: {  	_ =	shalt  }
0x49: {  	_ =	shalt  }
0x4a: {  	_ =	shalt  }
0x4b: {  	_ =	shalt  }
0x4c: {  	_ =	shalt  }
0x4d: {  	_ =	shalt  }
0x4e: {  	_ =	shalt  }
0x4f: {  	_ =	shalt  }
0x50: {  	_ =	shalt  }
0x51: {  	_ =	shalt  }
0x52: {  	_ =	shalt  }
0x53: {  	_ =	shalt  }
0x54: {  	_ =	shalt  }
0x55: {  	_ =	shalt  }
0x56: {  	_ =	shalt  }
0x57: {  	_ =	shalt  }
0x58: {  	_ =	shalt  }
0x59: {  	_ =	shalt  }
0x5a: {  	_ =	shalt  }
0x5b: {  	_ =	shalt  }
0x5c: {  	_ =	shalt  }
0x5d: {  	_ =	shalt  }
0x5e: {  	_ =	shalt  }
0x5f: {  	_ =	shalt  }
0x60: {  	_ =	shalt  }
0x61: {  	_ =	shalt  }
0x62: {  	_ =	shalt  }
0x63: {  	_ =	shalt  }
0x64: {  	_ =	shalt  }
0x65: {  	_ =	shalt  }
0x66: {  	_ =	shalt  }
0x67: {  	_ =	shalt  }
0x68: {  	_ =	shalt  }
0x69: {  	_ =	shalt  }
0x6a: {  	_ =	shalt  }
0x6b: {  	_ =	shalt  }
0x6c: {  	_ =	shalt  }
0x6d: {  	_ =	shalt  }
0x6e: {  	_ =	shalt  }
0x6f: {  	_ =	shalt  }
0x70: {  	_ =	shalt  }
0x71: {  	_ =	shalt  }
0x72: {  	_ =	shalt  }
0x73: {  	_ =	shalt  }
0x74: {  	_ =	shalt  }
0x75: {  	_ =	shalt  }
0x76: {  	_ =	shalt  }
0x77: {  	_ =	shalt  }
0x78: {  	_ =	shalt  }
0x79: {  	_ =	shalt  }
0x7a: {  	_ =	shalt  }
0x7b: {  	_ =	shalt  }
0x7c: {  	_ =	shalt  }
0x7d: {  	_ =	shalt  }
0x7e: {  	_ =	shalt  }
0x7f: {  	_ =	shalt  }
0x80: {  	_ =	shalt  }
0x81: {  	_ =	shalt  }
0x82: {  	_ =	shalt  }
0x83: {  	_ =	shalt  }
0x84: {  	_ =	shalt  }
0x85: {  	_ =	shalt  }
0x86: {  	_ =	shalt  }
0x87: {  	_ =	shalt  }
.Lfunc_end0:
.L_simem_size_0:
called_computation_lowered:
.L_overlay_start_0:
0x88: {  	s2 =	sld [smem:$0x3FD9]  }
0x89: {  	s3 =	sld [smem:$0x3FFE];
	_ =	sdelay $0x1  }
0x8a: {  	s1 =	srdreg.scid  }
0x8b: {  	s0 =	sand.u32 $0x1, s1  }
0x8c: {  	s16 =	sshll.u32 s0, $0xA;
	s2 =	sadd.s32 s3, s2  }
0x8d: {  	s2 =	sadd.s32 s2, s16  }
0x8e: {  	[smem:$0x3FC2] =	sst s2  }
0x8f: {  	_ = 	snop  }
0x90: {  	(tm) =	ssettm $0x1  }
0x91: {  	s17 =	sld [smem:$0x3FFB];
	_ =	sdelay $0x3  }
0x92: {  	_ =	strace s17  }
0x93: {  	s2 =	sld [smem:$0x3FFC];
	_ =	sdelay $0x3  }
0x94: {  	_ =	strace s2  }
0x95: {  	s2 =	sld [smem:$0x3FFD];
	_ =	sdelay $0x3  }
0x96: {  	_ =	strace s2  }
0x97: {  	_ =	strace $0x8FFFFFFF  }
0x98: {  	s18 =	sld [smem:$0x3FDB];
	_ =	sdelay $0x1  }
0x99: {  	s19 =	simm.s32 $_scs_section_size  }
0x9a: {  	s4 =	simm.s32 $_size__tile_overlayer_lowered;
	s5 =	simm.s32 $_tile_overlayer_lowered  }
0x9b: {  	s22 =	simm.s32 $0x1BFF;
	s21 =	sshll.u32 s5, $0x1;
	s2 =	sadd.s32 s19, s18  }
0x9c: {  	s6 =	simm.s32 $0x0;
	s20 =	sshll.u32 s4, $0x1;
	s4 =	sadd.s32 s21, s2  }
0x9d: {  	[timem:s6], [sflag:s22] =	dma.local [hbm:s4], s20  }
0x9e: {  	_ =	swait.ge [sflag:s22], s20  }
0x9f: {  	s3 =	ssub.s32 $0x0, s20;
	[sflag:s22] =	ssyncset.done $0x0  }
0xa0: {  	[sflag:s22] =	ssyncadd.s32 s3;
	_ =	sdelay $0x1  }
0xa1: {  	s23 =	simm.s32 $0x1B8B  }
0xa2: {  	_ =	swait.ge [sflag:s23], $0x1  }
0xa3: {  	[sflag:s23] =	ssyncset.done $0x0  }
0xa4: {  	s25 =	simm.s32 $0x1B8E;
	s24 =	sld [smem:$0x3FFE];
	[sflag:s23] =	ssyncadd.s32 $0xFFFFFFFF  }
0xa5: {  	s26 =	simm.s32 $execute0_lowered;
	[smem:$0x3FD2] =	sst s25  }
0xa6: {  	s4 =	sshll.u32 s26, $0x1;
	_ =	strace $0x80000046;
	[dreg:$0x1] =	wrdreg $0xFFFFFFFF  }
0xa7: {  	s28 =	simm.s32 $_size_execute0_lowered;
	s2 =	sadd.s32 s2, s4;
	[dreg:$0x0] =	wrdreg $0x0  }
0xa8: {  	s4 =	sshll.u32 s28, $0x1;
	[dreg:$0x2] =	wrdreg s2  }
0xa9: {  	[dreg:$0x3] =	wrdreg s4  }
0xaa: {  	[dreg:$0x4] =	wrdreg $0xC0  }
0xab: {  	_ =	task [dreg:s6], $0x5FFFF  }
0xac: {  	[dreg:$0x1] =	wrdreg $0xFFFFFFFF  }
0xad: {  	[dreg:$0x0] =	wrdreg $0x60  }
0xae: {  	[dreg:$0x2] =	wrdreg s24  }
0xaf: {  	[dreg:$0x3] =	wrdreg $0xA8800  }
0xb0: {  	[dreg:$0x4] =	wrdreg $0x9  }
0xb1: {  	_ =	task.clear_ibuf [dreg:s6], $0x5FFFF;
	_ =	strace $0x90000046  }
0xb2: {  	s29 =	simm.s32 $0x9;
	_ =	strace $0x80000048  }
0xb3: {  	_ =	swait.ge [sflag:s29], $0x1  }
0xb4: {  	[sflag:s29] =	ssyncadd.s32 $0xFFFFFFFF  }
0xb5: {  	_ =	strace $0x90000048  }
0xb6: {  	_ =	sfence  }
0xb7: {  	s30 =	sld [smem:$0x0];
	_ =	sdelay $0x2  }
0xb8: {  	s31 =	sshll.u32 s1, $0xD;
	s1 =	sshrl.u32 s1, $0x2  }
0xb9: {  	s3 =	sand.u32 $0x4000, s31;
	s1 =	sadd.s32 s1, s30  }
0xba: {  	s0 =	sor.u32 s3, s0;
	s1 =	sshll.u32 s1, $0x11  }
0xbb: {  	s0 =	sor.u32 s1, s0  }
0xbc: {  	s0 =	sadd.s32 $0x8F2B, s0  }
0xbd: {  	[sflag:s0] =	ssyncadd.remote.s32 $0x1  }
0xbe: {  	_ =	sfence.sel $0xFFFF  }
0xbf: {  	[dreg:$0x0] =	wrdreg $0xFFFFFFFF;
	(pc) =	sbr.abs _section_cstart, $3  }
0xc0: {  	[dreg:$0x1] =	wrdreg $0xFFFFFFFF  }
0xc1: {  	_ =	task.clear_ibuf [dreg:s6], $0x2FFFF;
	_ =	strace $0x9FFFFFFF  }
0xc2: {  	(tm) =	ssettm $0x7FFFFFFF  }
0xc3: {  	_ =	shalt  }
tec
execute0_lowered:
.L_overlay_start_1:
0x0: {  	(tag) =	ssettag $0x1  }
0x1: {  	s5 =	rddreg [dreg:$0x0]  }
0x2: {  	s1 =	rddreg [dreg:$0x1]  }
0x3: {  	s0 =	rddreg [dreg:$0x2];
	s3 =	simm.s32 $0x0;
	s6 =	srdreg.scid  }
0x4: {  	s2 =	stileid.u32;
	s16 =	simm.s32 $0x80;
	s17 =	simm.s32 $0x0  }
0x5: {  	[smem:$0x7FF] =	sst s3;
	s4 =	sadd.s32 $0xC200, s5;
	s29 =	smul.u32 $0x4E000, s2  }
0x6: {  	s13 =	sand.u32 $0x1, s6;
	s10 =	sadd.s32 $0x16000, s5;
	s8 =	smul.u32 $0x13800, s2  }
0x7: {  	s12 =	sshll.u32 s2, $0x1;
	s31 =	sshll.u32 s2, $0x8;
	p0 =	sne.s32 s2, $0xF  }
0x8: {  	_ =	strace $0x80000047;
	s30 =	ssub.s32 $0x2, s13;
	s9 =	smul.u32 $0x138800, s13  }
0x9: {  	s12 =	sor.u32 s12, s13;
	s13 =	sshll.u32 s13, $0x7;
	s7 =	sshrl.u32 s30, $0x1  }
0xa: {  	s6 =	sshrl.u32 s29, $0x2;
	s12 =	ssub.s32 $0x9E3, s12;
	s13 =	sor.u32 s13, s31  }
0xb: {  	s11 =	ssub.s32 s30, s7;
	s5 =	sadd.s32 s6, s1;
	s14 =	sadd.s32 s8, s9  }
0xc: {  	s8 =	sadd.s32 $0x138000, s1;
	s15 =	sshrl.u32 s9, $0x3;
	s12 =	sshrl.u32 s12, $0x5  }
0xd: {  	s6 =	sadd.s32 $0x6800, s5;
	s7 =	sadd.s32 $0xD000, s5;
	s14 =	sshrl.u32 s14, $0x3  }
0xe: {  	s11 =	smax.u32 s11, $0x1;
	s9 =	sadd.s32 s10, s14;
	s10 =	sadd.s32 s10, s15  }
0xf: {  	v0 =	vimm.f32 $1.000000000e+00;
	v1 =	vimm.f32 $0.0e+00;
	s14 =	simm.s32 $0x4080;
	s15 =	simm.s32 $0x1;
	s10 =	sadd.s32 $0x27000, s10  }
.LBB2_1:
0x10: {  	s18 =	simm.s32 $0x0  }
.LBB2_2:
0x11: {  	p1 =	sne.s32 s18, $0xFE00  }
.Ltmp0:
0x12: {  	_ = 	snop;
	(pc) =	sbr.rel @p1 .LBB2_2-.Ltmp0, $3  }
0x13: {  	_ =	sdelay $0x1  }
0x14: {  	s19 =	sshra.s32 s18, $0x2  }
0x15: {  	s18 =	sadd.s32 $0x200, s18;
	[tilespmem:s19+$0x80] =	vst v0  }
0x16: {  	s18 =	simm.s32 $0x200;
	s19 =	simm.s32 $0x0  }
.LBB2_4:
0x17: {  	p1 =	sne.s32 s18, $0x19E00;
	[tilespmem:s19+$0x4080] =	vst v1;
	s19 =	smov.u32 s18;
	s18 =	sadd.s32 $0x200, s18  }
.Ltmp1:
0x18: {  	(pc) =	sbr.rel @p1 .LBB2_4-.Ltmp1, $2  }
0x19: {  	_ =	sdelay $0x2  }
0x1a: {  	s19 =	sshra.s32 s19, $0x2  }
0x1b: {  	[tilespmem:s19+$0x4080] =	vst v1  }
0x1c: {  	[spmem:s5] =	stream.linear.scatter [tilespmem:s14], [sflag:$0x1], $0x6800, $0x38;
	[tilespmem:$0xCF90] =	vst v63  }
0x1d: {  	_ =	swait.ge [sflag:s15], $0x6800  }
0x1e: {  	[sflag:s15] =	ssyncset.done $0x0  }
0x1f: {  	[sflag:s15] =	ssyncadd.s32 $0xFFFF9800  }
0x20: {  	[spmem:s6] =	stream.linear.scatter [tilespmem:s14], [sflag:$0x1], $0x6800, $0x38;
	[tilespmem:$0xCF90] =	vst v63  }
0x21: {  	_ =	swait.ge [sflag:s15], $0x6800  }
0x22: {  	[sflag:s15] =	ssyncset.done $0x0  }
0x23: {  	[sflag:s15] =	ssyncadd.s32 $0xFFFF9800  }
0x24: {  	[spmem:s7] =	stream.linear.scatter [tilespmem:s14], [sflag:$0x1], $0x6800, $0x38;
	[tilespmem:$0xCF90] =	vst v63  }
0x25: {  	_ =	swait.ge [sflag:s15], $0x6800  }
0x26: {  	[sflag:s15] =	ssyncset.done $0x0  }
0x27: {  	s18 =	simm.s32 @!p0 $0x4080;
	[sflag:s15] =	ssyncadd.s32 $0xFFFF9800  }
0x28: {  	[spmem:s8] =	stream.linear.scatter @!p0 [tilespmem:s18], [sflag:$0x1], $0x800, $0x38;
	[tilespmem:$0xCF90] =	vst v63  }
0x29: {  	p2 =	sne.s32 s12, $0x1;
	s18 =	simm.s32 @!p0 $0x1  }
.Ltmp2:
0x2a: {  	_ =	swait.ge @!p0 [sflag:s18], $0x800;
	(pc) =	sbr.rel @!p2 .LBB2_8-.Ltmp2, $4  }
0x2b: {  	[sflag:s18] =	ssyncset.done @!p0 $0x0  }
0x2c: {  	[sflag:s18] =	ssyncadd.s32 @!p0 $0xFFFFF800  }
0x2d: {  	[bflag:$0x0] =	sbarrier.arrive $0xFFFF  }
0x2e: {  	s19 =	sadd.s32 $0xFFFFFFFF, s12;
	s21 =	sshrl.u32 s13, $0x3;
	p1 =	por $0x0, $0x0  }
0x2f: {  	s20 =	sadd.s32 s4, s21  }
0x30: {  	[tilespmem:s3], [sflag:$0x1] =	stream.linear.gather [hbm4b:s20+s3], $0x80, $0x38;
	[tilespmem:$0xCF90] =	vst v63  }
0x31: {  	p2 =	sne.s32 s19, $0x1;
	_ =	swait.ge [sflag:s15], $0x80  }
.Ltmp3:
0x32: {  	[sflag:s15] =	ssyncset.done $0x0;
	(pc) =	sbr.rel @!p2 .LBB2_8-.Ltmp3, $4  }
0x33: {  	[sflag:s15] =	ssyncadd.s32 $0xFFFFFF80  }
0x34: {  	[spmem:s1] =	stream.indirect.scatter.add.f32 [tilespmem:s16], [sflag:$0x1], $0x10, s3, s16, $0xb8;
	[tilespmem:$0xCF90] =	vst v63  }
0x35: {  	s19 =	sadd.s32 $0xFFFFFFFF, s19;
	s20 =	sadd.s32 $0x1000, s13;
	_ =	swait.ge [sflag:s15], $0x800  }
0x36: {  	p1 =	por $0x1, $0x1;
	s21 =	sshrl.u32 s20, $0x3;
	[sflag:s15] =	ssyncset.done $0x0  }
.LBB2_7:
0x37: {  	p2 =	sne.s32 s19, $0x1;
	s21 =	sadd.s32 s4, s21;
	[sflag:s15] =	ssyncadd.s32 $0xFFFFF800  }
0x38: {  	[tilespmem:s3], [sflag:$0x1] =	stream.linear.gather [hbm4b:s21+s3], $0x80, $0x38;
	[tilespmem:$0xCF90] =	vst v63  }
0x39: {  	s19 =	sadd.s32 $0xFFFFFFFF, s19;
	_ =	swait.ge [sflag:s15], $0x80  }
.Ltmp4:
0x3a: {  	[sflag:s15] =	ssyncset.done $0x0;
	(pc) =	sbr.rel @p2 .LBB2_7-.Ltmp4, $4  }
0x3b: {  	[sflag:s15] =	ssyncadd.s32 $0xFFFFFF80  }
0x3c: {  	[spmem:s1] =	stream.indirect.scatter.add.f32 [tilespmem:s16], [sflag:$0x1], $0x10, s3, s16, $0xb8;
	[tilespmem:$0xCF90] =	vst v63  }
0x3d: {  	s20 =	sadd.s32 $0x1000, s20;
	_ =	swait.ge [sflag:s15], $0x800  }
0x3e: {  	s21 =	sshrl.u32 s20, $0x3;
	[sflag:s15] =	ssyncset.done $0x0  }
.LBB2_8:
0x3f: {  	s19 =	sadd.s32 s4, s21;
	[sflag:s15] =	ssyncadd.s32 @p1 $0xFFFFF800  }
0x40: {  	[tilespmem:s3], [sflag:$0x1] =	stream.linear.gather [hbm4b:s19+s3], $0x80, $0x38;
	[tilespmem:$0xCF90] =	vst v63  }
0x41: {  	_ =	swait.ge [sflag:s15], $0x80  }
0x42: {  	[sflag:s15] =	ssyncset.done $0x0  }
0x43: {  	[sflag:s15] =	ssyncadd.s32 $0xFFFFFF80  }
0x44: {  	[spmem:s1] =	stream.indirect.scatter.add.f32 [tilespmem:s16], [sflag:$0x1], $0x10, s3, s16, $0xb8;
	[tilespmem:$0xCF90] =	vst v63  }
0x45: {  	_ =	swait.ge [sflag:s15], $0x800  }
0x46: {  	[sflag:s15] =	ssyncset.done $0x0  }
0x47: {  	s31 =	sshll.u32 s2, $0x6;
	[sflag:s15] =	ssyncadd.s32 $0xFFFFF800  }
0x48: {  	s20 =	sshrl.u32 s5, $0x3;
	s19 =	sor.u32 $0x1C01, s31;
	[bflag:$0x0] =	sbarrier.arrive $0xFFFF  }
0x49: {  	[hbm:s9], [sflag:s19] =	dma.local [spmem:s20], $0x2700  }
0x4a: {  	s17 =	sadd.s32 $0x1, s17;
	_ =	swait.ge [sflag:s15], $0x2700  }
0x4b: {  	p1 =	sne.s32 s17, s11;
	[sflag:s15] =	ssyncset.done $0x0  }
.Ltmp5:
0x4c: {  	s20 =	sshrl.u32 @!p0 s8, $0x3;
	[sflag:s15] =	ssyncadd.s32 $0xFFFFD900;
	(pc) =	sbr.rel @p1 .LBB2_1-.Ltmp5, $4  }
0x4d: {  	[hbm:s10], [sflag:s19] =	dma.local @!p0 [spmem:s20], $0x100  }
0x4e: {  	_ =	swait.ge @!p0 [sflag:s18], $0x100  }
0x4f: {  	[sflag:s18] =	ssyncset.done @!p0 $0x0  }
0x50: {  	[sflag:s18] =	ssyncadd.s32 @!p0 $0xFFFFFF00  }
0x51: {  	_ =	sfence.sel $0x180000  }
0x52: {  	[bflag:$0x0] =	sbarrier.arrive $0xFFFF  }
0x53: {  	p0 =	sne.s32 s2, $0x0;
	_ =	strace $0x90000047  }
0x54: {  	s0 =	sadd.s32 @!p0 $0x100000, s0;
	[bflag:$0x2] =	sbarrier.arrive $0xFFFF  }
0x55: {  	[sflag:s0] =	ssyncadd.tile.s32 @!p0 $0x1;
	_ =	shalt  }
.Lfunc_end2:
_tile_overlayer_lowered:
.L_overlay_start_2:
0x56: {  	(tag) =	ssettag $0x2  }
0x57: {  	s0 =	rddreg [dreg:$0x0];
	s2 =	stileid.u32  }
0x58: {  	s1 =	rddreg [dreg:$0x1];
	p0 =	sne.s32 s2, $0x0  }
0x59: {  	s3 =	rddreg [dreg:$0x2];
	[bflag:$0x3] =	sbarrier.arrive $0xFFFF;
	s2 =	simm.s32 @!p0 $0x1C01  }
0x5a: {  	[timem:s3], [sflag:s2] =	dma.local @!p0 [hbm:s0], s1  }
0x5b: {  	s0 =	simm.s32 @!p0 $0x1  }
0x5c: {  	_ =	swait.ge @!p0 [sflag:s0], s1  }
0x5d: {  	s1 =	ssub.s32 @!p0 $0x0, s1;
	[sflag:s0] =	ssyncset.done @!p0 $0x0  }
0x5e: {  	[sflag:s0] =	ssyncadd.s32 @!p0 s1  }
0x5f: {  	[bflag:$0x3] =	sbarrier.arrive $0xFFFF  }
0x60: {  	_ =	shalt  }

</sc_bundles>
